<compile_context>
chip_gen: v7x
topology: tpu7x:2x2x1
jax: 0.10.2.dev20260603
libtpu: 0.0.44.dev20260713+nightly
codegen_flags: <defaults>
</compile_context>

<pallas_src>
import functools

import jax
import jax.numpy as jnp
from jax import lax
from jax.experimental import pallas as pl
from jax.experimental.pallas import tpu as pltpu
from jax.experimental.pallas import tpu_sc as plsc

N = 320000
D = 128
S = 10000

NUM_CORES = 2
NUM_SUBCORES = 16
NUM_WORKERS = NUM_CORES * NUM_SUBCORES

BLK = 128
NBT = 80
NPAD = NUM_WORKERS * NBT * BLK
S_PAD = 10112
SEG_PER_TILE = S_PAD // NUM_SUBCORES
SEG_CHUNK = 128


def _make_sc_kernel():
  mesh = plsc.VectorSubcoreMesh(core_axis_name="c", subcore_axis_name="s")

  @functools.partial(
      pl.kernel,
      out_type=[
          jax.ShapeDtypeStruct((NUM_CORES, S_PAD, D), jnp.float32),
          jax.ShapeDtypeStruct((S_PAD,), jnp.float32),
          jax.ShapeDtypeStruct((S_PAD,), jnp.float32),
      ],
      mesh=mesh,
      scratch_types=[
          pltpu.VMEM((BLK,), jnp.int32),
          pltpu.VMEM((BLK,), jnp.int32),
          pltpu.VMEM((BLK,), jnp.int32),
          pltpu.VMEM((BLK,), jnp.int32),
          pltpu.VMEM((BLK,), jnp.int32),
          pltpu.VMEM((BLK,), jnp.int32),
          pltpu.VMEM((BLK,), jnp.int32),
          pltpu.VMEM((BLK,), jnp.int32),
          pltpu.VMEM((BLK, D), jnp.float32),
          pltpu.VMEM((BLK, D), jnp.float32),
          pltpu.VMEM((BLK,), jnp.float32),
          pltpu.VMEM((SEG_CHUNK,), jnp.float32),
          pltpu.VMEM_SHARED((S_PAD, D), jnp.float32),
          pltpu.VMEM_SHARED((S_PAD,), jnp.float32),
          pltpu.SemaphoreType.DMA,
      ],
  )
  def sc_kernel(in_hbm, seg_hbm, cidx_hbm, p_hbm, c0_hbm, c1_hbm,
                lab0, lab1, lab2, lab3, idx0, idx1, idx2, idx3,
                rows_a, rows_b, ones_v, zc_v,
                acc_sh, cnt_sh, semg):
    cid = lax.axis_index("c")
    sid = lax.axis_index("s")
    wid = sid * NUM_CORES + cid

    zeros16 = jnp.zeros((16,), jnp.float32)
    ones16 = jnp.ones((16,), jnp.float32)

    def fill_zbuf(i, _):
      def inner(j, _):
        rows_a[i, pl.ds(16 * j, 16)] = zeros16
        return 0
      return lax.fori_loop(0, D // 16, inner, 0)
    lax.fori_loop(0, SEG_CHUNK, fill_zbuf, 0)

    def fill_zc(j, _):
      zc_v[pl.ds(16 * j, 16)] = zeros16
      return 0
    lax.fori_loop(0, SEG_CHUNK // 16, fill_zc, 0)

    def fill_ones(j, _):
      ones_v[pl.ds(16 * j, 16)] = ones16
      return 0
    lax.fori_loop(0, BLK // 16, fill_ones, 0)

    seg0 = sid * SEG_PER_TILE
    chunks = [(k * SEG_CHUNK, SEG_CHUNK) for k in range(SEG_PER_TILE // SEG_CHUNK)]
    rem = SEG_PER_TILE % SEG_CHUNK
    if rem:
      chunks.append((SEG_PER_TILE - rem, rem))
    for off, sz in chunks:
      pltpu.sync_copy(rows_a.at[pl.ds(0, sz), :],
                      acc_sh.at[pl.ds(seg0 + off, sz), :])
      pltpu.sync_copy(zc_v.at[pl.ds(0, sz)],
                      cnt_sh.at[pl.ds(seg0 + off, sz)])
    plsc.subcore_barrier()

    CH = 8
    labs = [lab0, lab1, lab2, lab3]
    idxs = [idx0, idx1, idx2, idx3]
    rows = [rows_a, rows_b]

    def stage(k, b):
      base = (wid + NUM_WORKERS * b) * BLK
      pltpu.sync_copy(seg_hbm.at[pl.ds(base, BLK)], labs[k])
      pltpu.sync_copy(cidx_hbm.at[pl.ds(base, BLK)], idxs[k])

    def chunk(sg, _):
      b0 = sg * CH
      stage(0, b0)
      stage(1, b0 + 1)
      gd = [None] * CH
      gd[0] = pltpu.async_copy(in_hbm.at[idxs[0]], rows[0], semg)
      for u in range(CH):
        if u + 1 < CH:
          gd[u + 1] = pltpu.async_copy(in_hbm.at[idxs[(u + 1) % 4]],
                                       rows[(u + 1) % 2], semg)
        if u + 2 < CH:
          stage((u + 2) % 4, b0 + u + 2)
        gd[u].wait()
        pltpu.sync_copy(rows[u % 2], acc_sh.at[labs[u % 4]], add=True)
        pltpu.sync_copy(ones_v, cnt_sh.at[labs[u % 4]], add=True)
      return 0

    lax.fori_loop(0, NBT // CH, chunk, 0)
    plsc.subcore_barrier()

    for off, sz in chunks:
      r0 = seg0 + off
      pltpu.sync_copy(acc_sh.at[pl.ds(r0, sz), :], rows_a.at[pl.ds(0, sz), :])
      pltpu.sync_copy(rows_a.at[pl.ds(0, sz), :],
                      p_hbm.at[cid, pl.ds(r0, sz), :])
      pltpu.sync_copy(cnt_sh.at[pl.ds(r0, sz)], zc_v.at[pl.ds(0, sz)])

      @pl.when(cid == 0)
      def _():
        pltpu.sync_copy(zc_v.at[pl.ds(0, sz)], c0_hbm.at[pl.ds(r0, sz)])

      @pl.when(cid == 1)
      def _():
        pltpu.sync_copy(zc_v.at[pl.ds(0, sz)], c1_hbm.at[pl.ds(r0, sz)])

  return sc_kernel


_sc_aggregate = _make_sc_kernel()

_DIV_BS = 1000


def _div_body(p_ref, c0_ref, c1_ref, o_ref):
  s = p_ref[0] + p_ref[1]
  cnt = c0_ref[:, 0:1] + c1_ref[:, 0:1]
  o_ref[...] = s / jnp.maximum(cnt, 1.0)


_divide = pl.pallas_call(
    _div_body,
    grid=(S // _DIV_BS,),
    in_specs=[
        pl.BlockSpec((NUM_CORES, _DIV_BS, D), lambda i: (0, i, 0)),
        pl.BlockSpec((_DIV_BS, 1), lambda i: (i, 0)),
        pl.BlockSpec((_DIV_BS, 1), lambda i: (i, 0)),
    ],
    out_specs=pl.BlockSpec((_DIV_BS, D), lambda i: (i, 0)),
    out_shape=jax.ShapeDtypeStruct((S, D), jnp.float32),
)


@jax.jit
def kernel(input, segLabels, coor_idx):
  assert input.shape == (N, D)
  segLabels = segLabels.astype(jnp.int32)
  coor_idx = coor_idx.astype(jnp.int32)
  pad_lab = S + (jnp.arange(NPAD - N, dtype=jnp.int32) % (S_PAD - S))
  seg_p = jnp.concatenate([segLabels, pad_lab])
  idx_p = jnp.concatenate([coor_idx, (jnp.arange(NPAD - N, dtype=jnp.int32) * 521) % N])
  p, c0, c1 = _sc_aggregate(input, seg_p, idx_p)
  return _divide(p, c0.reshape(S_PAD, 1), c1.reshape(S_PAD, 1))

# --- scband reference (transcript-rebuilt; emitter-appended) ---
"""Pipeline reference for scband-spixel-aggr-avr-14499809591944 (READ-ONLY COPY).

The authoritative reference and input builder live on the scoring server;
editing this copy changes nothing except your own understanding.
"""

import jax, jax.numpy as jnp
import numpy as np

N = 320000
D = 128
S = 10000

def setup_inputs(seed: int = 0) -> dict:
    key = jax.random.key(seed)
    k1, k2, k3 = jax.random.split(key, 3)
    inp = jax.random.normal(k1, (N, D), dtype=jnp.float32)
    segLabels = jnp.sort(jax.random.randint(k2, (N,), 0, S))
    coor_idx = jax.random.randint(k3, (N,), 0, N)
    return {"input": inp, "segLabels": segLabels, "coor_idx": coor_idx}

def reference(input, segLabels, coor_idx):
    # SpixelAggr_avr: gather pixel features by coordinate index, then
    # average-pool them into superpixels defined by segLabels.
    gathered = jnp.take(input, coor_idx, axis=0)
    sums = jax.ops.segment_sum(gathered, segLabels, num_segments=S)
    counts = jax.ops.segment_sum(jnp.ones((gathered.shape[0],), dtype=input.dtype), segLabels, num_segments=S)
    counts = jnp.maximum(counts, 1.0)
    return sums / counts[:, None]

if __name__ == "__main__":
    import jax
    _d = setup_inputs()
    print(jax.jit(kernel)(*tuple(_d.values())))

</pallas_src>

<mosaic_0001>
#map = affine_map<(d0, d1) -> (0, 0)>
#map1 = affine_map<(d0, d1) -> (0)>
#map2 = affine_map<(d0, d1) -> (0, 0, 0)>
module attributes {stable_mosaic.version = 14 : i64} {
  func.func @sc_kernel(%arg0: i32, %arg1: i32, %arg2: memref<320000x128xf32, #tpu.memory_space<hbm>>, %arg3: memref<327680xi32, #tpu.memory_space<hbm>>, %arg4: memref<327680xi32, #tpu.memory_space<hbm>>, %arg5: memref<2x10112x128xf32, #tpu.memory_space<hbm>>, %arg6: memref<10112xf32, #tpu.memory_space<hbm>>, %arg7: memref<10112xf32, #tpu.memory_space<hbm>>, %arg8: memref<128xi32, #tpu.memory_space<vmem>>, %arg9: memref<128xi32, #tpu.memory_space<vmem>>, %arg10: memref<128xi32, #tpu.memory_space<vmem>>, %arg11: memref<128xi32, #tpu.memory_space<vmem>>, %arg12: memref<128xi32, #tpu.memory_space<vmem>>, %arg13: memref<128xi32, #tpu.memory_space<vmem>>, %arg14: memref<128xi32, #tpu.memory_space<vmem>>, %arg15: memref<128xi32, #tpu.memory_space<vmem>>, %arg16: memref<128x128xf32, #tpu.memory_space<vmem>>, %arg17: memref<128x128xf32, #tpu.memory_space<vmem>>, %arg18: memref<128xf32, #tpu.memory_space<vmem>>, %arg19: memref<128xf32, #tpu.memory_space<vmem>>, %arg20: memref<10112x128xf32, #tpu.memory_space<vmem_shared>>, %arg21: memref<10112xf32, #tpu.memory_space<vmem_shared>>, %arg22: memref<!tpu.dma_semaphore, #tpu.memory_space<semaphore_mem>>) attributes {dimension_semantics = [#tpu.dimension_semantics<core_parallel>, #tpu.dimension_semantics<subcore_parallel>], iteration_bounds = array<i64: 2, 16>, scalar_prefetch = 0 : i64, scratch_operands = 15 : i64, tpu.core_type = #tpu.core_type<sc_vector_subcore>, window_params = [{transform_indices = #map}, {transform_indices = #map1}, {transform_indices = #map1}, {transform_indices = #map2}, {transform_indices = #map1}, {transform_indices = #map1}]} {
    %mul3A = arith.constant 2 : i32
    %mul3A_0 = arith.muli %arg1, %mul3A : i32
    %add3A = arith.addi %mul3A_0, %arg0 : i32
    %broadcast_in_dim3A = arith.constant 0.000000e+00 : f32
    %broadcast_in_dim3A_1 = vector.broadcast %broadcast_in_dim3A : f32 to vector<16xf32>
    %broadcast_in_dim3A_2 = arith.constant 1.000000e+00 : f32
    %broadcast_in_dim3A_3 = vector.broadcast %broadcast_in_dim3A_2 : f32 to vector<16xf32>
    %scan3A = arith.constant 0 : i32
    %scan3A_4 = arith.constant 0 : i32
    %scan3A_5 = arith.constant 128 : i32
    %scan3A_6 = arith.addi %scan3A_4, %scan3A_5 : i32
    %scan3A_7 = arith.constant 1 : i32
    %scan3A_8 = scf.for %scan3A_111 = %scan3A_4 to %scan3A_6 step %scan3A_7 iter_args(%scan3A_112 = %scan3A) -> (i32)  : i32 {
      %scan3A_113 = arith.constant 0 : i32
      %scan3A_114 = arith.constant 0 : i32
      %scan3A_115 = arith.constant 8 : i32
      %scan3A_116 = arith.addi %scan3A_114, %scan3A_115 : i32
      %scan3A_117 = arith.constant 1 : i32
      %scan3A_118 = scf.for %scan3A_120 = %scan3A_114 to %scan3A_116 step %scan3A_117 iter_args(%scan3A_121 = %scan3A_113) -> (i32)  : i32 {
        %mul3A_122 = arith.constant 16 : i32
        %mul3A_123 = arith.muli %mul3A_122, %scan3A_120 : i32
        %swap3A = arith.index_cast %scan3A_111 : i32 to index
        %swap3A_124 = arith.index_cast %mul3A_123 : i32 to index
        %swap3A_125 = tpu.vector_load %arg16[%swap3A, %swap3A_124] {strides = array<i32>} : memref<128x128xf32, #tpu.memory_space<vmem>>, vector<1x16xf32>,
        %swap3A_126 = vector.shape_cast %swap3A_125 : vector<1x16xf32> to vector<16xf32>
        %swap3A_127 = vector.shape_cast %broadcast_in_dim3A_1 : vector<16xf32> to vector<1x16xf32>
        tpu.vector_store %arg16[%swap3A, %swap3A_124], %swap3A_127 {strides = array<i32>} : memref<128x128xf32, #tpu.memory_space<vmem>>, vector<1x16xf32>,
        %scan3A_128 = arith.constant 0 : i32
        scf.yield %scan3A_128 : i32
      }
      %scan3A_119 = arith.constant 8 : i32
      scf.yield %scan3A_118 : i32
    }
    %scan3A_9 = arith.constant 128 : i32
    %scan3A_10 = arith.constant 0 : i32
    %scan3A_11 = arith.constant 0 : i32
    %scan3A_12 = arith.constant 8 : i32
    %scan3A_13 = arith.addi %scan3A_11, %scan3A_12 : i32
    %scan3A_14 = arith.constant 1 : i32
    %scan3A_15 = scf.for %scan3A_111 = %scan3A_11 to %scan3A_13 step %scan3A_14 iter_args(%scan3A_112 = %scan3A_10) -> (i32)  : i32 {
      %mul3A_113 = arith.constant 16 : i32
      %mul3A_114 = arith.muli %mul3A_113, %scan3A_111 : i32
      %swap3A = arith.index_cast %mul3A_114 : i32 to index
      %swap3A_115 = tpu.vector_load %arg19[%swap3A] {strides = array<i32>} : memref<128xf32, #tpu.memory_space<vmem>>, vector<16xf32>,
      %swap3A_116 = vector.shape_cast %swap3A_115 : vector<16xf32> to vector<16xf32>
      %swap3A_117 = vector.shape_cast %broadcast_in_dim3A_1 : vector<16xf32> to vector<16xf32>
      tpu.vector_store %arg19[%swap3A], %swap3A_117 {strides = array<i32>} : memref<128xf32, #tpu.memory_space<vmem>>, vector<16xf32>,
      %scan3A_118 = arith.constant 0 : i32
      scf.yield %scan3A_118 : i32
    }
    %scan3A_16 = arith.constant 8 : i32
    %scan3A_17 = arith.constant 0 : i32
    %scan3A_18 = arith.constant 0 : i32
    %scan3A_19 = arith.constant 8 : i32
    %scan3A_20 = arith.addi %scan3A_18, %scan3A_19 : i32
    %scan3A_21 = arith.constant 1 : i32
    %scan3A_22 = scf.for %scan3A_111 = %scan3A_18 to %scan3A_20 step %scan3A_21 iter_args(%scan3A_112 = %scan3A_17) -> (i32)  : i32 {
      %mul3A_113 = arith.constant 16 : i32
      %mul3A_114 = arith.muli %mul3A_113, %scan3A_111 : i32
      %swap3A = arith.index_cast %mul3A_114 : i32 to index
      %swap3A_115 = tpu.vector_load %arg18[%swap3A] {strides = array<i32>} : memref<128xf32, #tpu.memory_space<vmem>>, vector<16xf32>,
      %swap3A_116 = vector.shape_cast %swap3A_115 : vector<16xf32> to vector<16xf32>
      %swap3A_117 = vector.shape_cast %broadcast_in_dim3A_3 : vector<16xf32> to vector<16xf32>
      tpu.vector_store %arg18[%swap3A], %swap3A_117 {strides = array<i32>} : memref<128xf32, #tpu.memory_space<vmem>>, vector<16xf32>,
      %scan3A_118 = arith.constant 0 : i32
      scf.yield %scan3A_118 : i32
    }
    %scan3A_23 = arith.constant 8 : i32
    %mul3A_24 = arith.constant 632 : i32
    %mul3A_25 = arith.muli %arg1, %mul3A_24 : i32
    %add3A_26 = arith.constant 0 : i32
    %add3A_27 = arith.addi %mul3A_25, %add3A_26 : i32
    "tpu.region"() ({
      %run_scoped3A = tpu.sem_alloc : memref<!tpu.dma_semaphore, #tpu.memory_space<semaphore_mem>>
      %dma_start3A = arith.constant 0 : i32
      %dma_start3A_111 = arith.constant 0 : i32
      %dma_start3A_112 = tpu.memref_slice %arg16[%dma_start3A, %dma_start3A_111] : memref<128x128xf32, #tpu.memory_space<vmem>> -> memref<128x128xf32, #tpu.memory_space<vmem>>
      %dma_start3A_113 = arith.constant 0 : i32
      %dma_start3A_114 = tpu.memref_slice %arg20[%add3A_27, %dma_start3A_113] : memref<10112x128xf32, #tpu.memory_space<vmem_shared>> -> memref<128x128xf32, #tpu.memory_space<vmem_shared>>
      %dma_start3A_115 = arith.constant 0 : i32
      %dma_start3A_116 = tpu.memref_slice %arg20[%add3A_27, %dma_start3A_115] : memref<10112x128xf32, #tpu.memory_space<vmem_shared>> -> memref<128x128xf32, #tpu.memory_space<vmem_shared>>
      %dma_start3A_117 = arith.constant 0 : i32
      %dma_start3A_118 = arith.constant 0 : i32
      %dma_start3A_119 = tpu.memref_slice %arg16[%dma_start3A_117, %dma_start3A_118] : memref<128x128xf32, #tpu.memory_space<vmem>> -> memref<128x128xf32, #tpu.memory_space<vmem>>
      tpu.enqueue_dma source(%dma_start3A_119 : memref<128x128xf32, #tpu.memory_space<vmem>>) target(%dma_start3A_116 : memref<128x128xf32, #tpu.memory_space<vmem_shared>>) target_semaphore(%run_scoped3A : memref<!tpu.dma_semaphore, #tpu.memory_space<semaphore_mem>>)
      %dma_wait3A = arith.constant 0 : i32
      %dma_wait3A_120 = arith.constant 0 : i32
      %dma_wait3A_121 = tpu.memref_slice %arg16[%dma_wait3A, %dma_wait3A_120] : memref<128x128xf32, #tpu.memory_space<vmem>> -> memref<128x128xf32, #tpu.memory_space<vmem>>
      %dma_wait3A_122 = arith.constant 0 : i32
      %dma_wait3A_123 = tpu.memref_slice %arg20[%add3A_27, %dma_wait3A_122] : memref<10112x128xf32, #tpu.memory_space<vmem_shared>> -> memref<128x128xf32, #tpu.memory_space<vmem_shared>>
      %dma_wait3A_124 = arith.constant 0 : i32
      %dma_wait3A_125 = tpu.memref_slice %arg20[%add3A_27, %dma_wait3A_124] : memref<10112x128xf32, #tpu.memory_space<vmem_shared>> -> memref<128x128xf32, #tpu.memory_space<vmem_shared>>
      %dma_wait3A_126 = arith.constant 0 : i32
      %dma_wait3A_127 = arith.constant 0 : i32
      %dma_wait3A_128 = tpu.memref_slice %arg16[%dma_wait3A_126, %dma_wait3A_127] : memref<128x128xf32, #tpu.memory_space<vmem>> -> memref<128x128xf32, #tpu.memory_space<vmem>>
      tpu.wait_dma2 semaphore(%run_scoped3A : memref<!tpu.dma_semaphore, #tpu.memory_space<semaphore_mem>>) src(%dma_wait3A_128 : memref<128x128xf32, #tpu.memory_space<vmem>>) dst(%dma_wait3A_125 : memref<128x128xf32, #tpu.memory_space<vmem_shared>>)
      tpu.yield
    }) : () -> ()
    %add3A_28 = arith.constant 0 : i32
    %add3A_29 = arith.addi %mul3A_25, %add3A_28 : i32
    "tpu.region"() ({
      %run_scoped3A = tpu.sem_alloc : memref<!tpu.dma_semaphore, #tpu.memory_space<semaphore_mem>>
      %dma_start3A = arith.constant 0 : i32
      %dma_start3A_111 = tpu.memref_slice %arg19[%dma_start3A] : memref<128xf32, #tpu.memory_space<vmem>> -> memref<128xf32, #tpu.memory_space<vmem>>
      %dma_start3A_112 = tpu.memref_slice %arg21[%add3A_29] : memref<10112xf32, #tpu.memory_space<vmem_shared>> -> memref<128xf32, #tpu.memory_space<vmem_shared>>
      %dma_start3A_113 = tpu.memref_slice %arg21[%add3A_29] : memref<10112xf32, #tpu.memory_space<vmem_shared>> -> memref<128xf32, #tpu.memory_space<vmem_shared>>
      %dma_start3A_114 = arith.constant 0 : i32
      %dma_start3A_115 = tpu.memref_slice %arg19[%dma_start3A_114] : memref<128xf32, #tpu.memory_space<vmem>> -> memref<128xf32, #tpu.memory_space<vmem>>
      tpu.enqueue_dma source(%dma_start3A_115 : memref<128xf32, #tpu.memory_space<vmem>>) target(%dma_start3A_113 : memref<128xf32, #tpu.memory_space<vmem_shared>>) target_semaphore(%run_scoped3A : memref<!tpu.dma_semaphore, #tpu.memory_space<semaphore_mem>>)
      %dma_wait3A = arith.constant 0 : i32
      %dma_wait3A_116 = tpu.memref_slice %arg19[%dma_wait3A] : memref<128xf32, #tpu.memory_space<vmem>> -> memref<128xf32, #tpu.memory_space<vmem>>
      %dma_wait3A_117 = tpu.memref_slice %arg21[%add3A_29] : memref<10112xf32, #tpu.memory_space<vmem_shared>> -> memref<128xf32, #tpu.memory_space<vmem_shared>>
      %dma_wait3A_118 = tpu.memref_slice %arg21[%add3A_29] : memref<10112xf32, #tpu.memory_space<vmem_shared>> -> memref<128xf32, #tpu.memory_space<vmem_shared>>
      %dma_wait3A_119 = arith.constant 0 : i32
      %dma_wait3A_120 = tpu.memref_slice %arg19[%dma_wait3A_119] : memref<128xf32, #tpu.memory_space<vmem>> -> memref<128xf32, #tpu.memory_space<vmem>>
      tpu.wait_dma2 semaphore(%run_scoped3A : memref<!tpu.dma_semaphore, #tpu.memory_space<semaphore_mem>>) src(%dma_wait3A_120 : memref<128xf32, #tpu.memory_space<vmem>>) dst(%dma_wait3A_118 : memref<128xf32, #tpu.memory_space<vmem_shared>>)
      tpu.yield
    }) : () -> ()
    %add3A_30 = arith.constant 128 : i32
    %add3A_31 = arith.addi %mul3A_25, %add3A_30 : i32
    "tpu.region"() ({
      %run_scoped3A = tpu.sem_alloc : memref<!tpu.dma_semaphore, #tpu.memory_space<semaphore_mem>>
      %dma_start3A = arith.constant 0 : i32
      %dma_start3A_111 = arith.constant 0 : i32
      %dma_start3A_112 = tpu.memref_slice %arg16[%dma_start3A, %dma_start3A_111] : memref<128x128xf32, #tpu.memory_space<vmem>> -> memref<128x128xf32, #tpu.memory_space<vmem>>
      %dma_start3A_113 = arith.constant 0 : i32
      %dma_start3A_114 = tpu.memref_slice %arg20[%add3A_31, %dma_start3A_113] : memref<10112x128xf32, #tpu.memory_space<vmem_shared>> -> memref<128x128xf32, #tpu.memory_space<vmem_shared>>
      %dma_start3A_115 = arith.constant 0 : i32
      %dma_start3A_116 = tpu.memref_slice %arg20[%add3A_31, %dma_start3A_115] : memref<10112x128xf32, #tpu.memory_space<vmem_shared>> -> memref<128x128xf32, #tpu.memory_space<vmem_shared>>
      %dma_start3A_117 = arith.constant 0 : i32
      %dma_start3A_118 = arith.constant 0 : i32
      %dma_start3A_119 = tpu.memref_slice %arg16[%dma_start3A_117, %dma_start3A_118] : memref<128x128xf32, #tpu.memory_space<vmem>> -> memref<128x128xf32, #tpu.memory_space<vmem>>
      tpu.enqueue_dma source(%dma_start3A_119 : memref<128x128xf32, #tpu.memory_space<vmem>>) target(%dma_start3A_116 : memref<128x128xf32, #tpu.memory_space<vmem_shared>>) target_semaphore(%run_scoped3A : memref<!tpu.dma_semaphore, #tpu.memory_space<semaphore_mem>>)
      %dma_wait3A = arith.constant 0 : i32
      %dma_wait3A_120 = arith.constant 0 : i32
      %dma_wait3A_121 = tpu.memref_slice %arg16[%dma_wait3A, %dma_wait3A_120] : memref<128x128xf32, #tpu.memory_space<vmem>> -> memref<128x128xf32, #tpu.memory_space<vmem>>
      %dma_wait3A_122 = arith.constant 0 : i32
      %dma_wait3A_123 = tpu.memref_slice %arg20[%add3A_31, %dma_wait3A_122] : memref<10112x128xf32, #tpu.memory_space<vmem_shared>> -> memref<128x128xf32, #tpu.memory_space<vmem_shared>>
      %dma_wait3A_124 = arith.constant 0 : i32
      %dma_wait3A_125 = tpu.memref_slice %arg20[%add3A_31, %dma_wait3A_124] : memref<10112x128xf32, #tpu.memory_space<vmem_shared>> -> memref<128x128xf32, #tpu.memory_space<vmem_shared>>
      %dma_wait3A_126 = arith.constant 0 : i32
      %dma_wait3A_127 = arith.constant 0 : i32
      %dma_wait3A_128 = tpu.memref_slice %arg16[%dma_wait3A_126, %dma_wait3A_127] : memref<128x128xf32, #tpu.memory_space<vmem>> -> memref<128x128xf32, #tpu.memory_space<vmem>>
      tpu.wait_dma2 semaphore(%run_scoped3A : memref<!tpu.dma_semaphore, #tpu.memory_space<semaphore_mem>>) src(%dma_wait3A_128 : memref<128x128xf32, #tpu.memory_space<vmem>>) dst(%dma_wait3A_125 : memref<128x128xf32, #tpu.memory_space<vmem_shared>>)
      tpu.yield
    }) : () -> ()
    %add3A_32 = arith.constant 128 : i32
    %add3A_33 = arith.addi %mul3A_25, %add3A_32 : i32
    "tpu.region"() ({
      %run_scoped3A = tpu.sem_alloc : memref<!tpu.dma_semaphore, #tpu.memory_space<semaphore_mem>>
      %dma_start3A = arith.constant 0 : i32
      %dma_start3A_111 = tpu.memref_slice %arg19[%dma_start3A] : memref<128xf32, #tpu.memory_space<vmem>> -> memref<128xf32, #tpu.memory_space<vmem>>
      %dma_start3A_112 = tpu.memref_slice %arg21[%add3A_33] : memref<10112xf32, #tpu.memory_space<vmem_shared>> -> memref<128xf32, #tpu.memory_space<vmem_shared>>
      %dma_start3A_113 = tpu.memref_slice %arg21[%add3A_33] : memref<10112xf32, #tpu.memory_space<vmem_shared>> -> memref<128xf32, #tpu.memory_space<vmem_shared>>
      %dma_start3A_114 = arith.constant 0 : i32
      %dma_start3A_115 = tpu.memref_slice %arg19[%dma_start3A_114] : memref<128xf32, #tpu.memory_space<vmem>> -> memref<128xf32, #tpu.memory_space<vmem>>
      tpu.enqueue_dma source(%dma_start3A_115 : memref<128xf32, #tpu.memory_space<vmem>>) target(%dma_start3A_113 : memref<128xf32, #tpu.memory_space<vmem_shared>>) target_semaphore(%run_scoped3A : memref<!tpu.dma_semaphore, #tpu.memory_space<semaphore_mem>>)
      %dma_wait3A = arith.constant 0 : i32
      %dma_wait3A_116 = tpu.memref_slice %arg19[%dma_wait3A] : memref<128xf32, #tpu.memory_space<vmem>> -> memref<128xf32, #tpu.memory_space<vmem>>
      %dma_wait3A_117 = tpu.memref_slice %arg21[%add3A_33] : memref<10112xf32, #tpu.memory_space<vmem_shared>> -> memref<128xf32, #tpu.memory_space<vmem_shared>>
      %dma_wait3A_118 = tpu.memref_slice %arg21[%add3A_33] : memref<10112xf32, #tpu.memory_space<vmem_shared>> -> memref<128xf32, #tpu.memory_space<vmem_shared>>
      %dma_wait3A_119 = arith.constant 0 : i32
      %dma_wait3A_120 = tpu.memref_slice %arg19[%dma_wait3A_119] : memref<128xf32, #tpu.memory_space<vmem>> -> memref<128xf32, #tpu.memory_space<vmem>>
      tpu.wait_dma2 semaphore(%run_scoped3A : memref<!tpu.dma_semaphore, #tpu.memory_space<semaphore_mem>>) src(%dma_wait3A_120 : memref<128xf32, #tpu.memory_space<vmem>>) dst(%dma_wait3A_118 : memref<128xf32, #tpu.memory_space<vmem_shared>>)
      tpu.yield
    }) : () -> ()
    %add3A_34 = arith.constant 256 : i32
    %add3A_35 = arith.addi %mul3A_25, %add3A_34 : i32
    "tpu.region"() ({
      %run_scoped3A = tpu.sem_alloc : memref<!tpu.dma_semaphore, #tpu.memory_space<semaphore_mem>>
      %dma_start3A = arith.constant 0 : i32
      %dma_start3A_111 = arith.constant 0 : i32
      %dma_start3A_112 = tpu.memref_slice %arg16[%dma_start3A, %dma_start3A_111] : memref<128x128xf32, #tpu.memory_space<vmem>> -> memref<128x128xf32, #tpu.memory_space<vmem>>
      %dma_start3A_113 = arith.constant 0 : i32
      %dma_start3A_114 = tpu.memref_slice %arg20[%add3A_35, %dma_start3A_113] : memref<10112x128xf32, #tpu.memory_space<vmem_shared>> -> memref<128x128xf32, #tpu.memory_space<vmem_shared>>
      %dma_start3A_115 = arith.constant 0 : i32
      %dma_start3A_116 = tpu.memref_slice %arg20[%add3A_35, %dma_start3A_115] : memref<10112x128xf32, #tpu.memory_space<vmem_shared>> -> memref<128x128xf32, #tpu.memory_space<vmem_shared>>
      %dma_start3A_117 = arith.constant 0 : i32
      %dma_start3A_118 = arith.constant 0 : i32
      %dma_start3A_119 = tpu.memref_slice %arg16[%dma_start3A_117, %dma_start3A_118] : memref<128x128xf32, #tpu.memory_space<vmem>> -> memref<128x128xf32, #tpu.memory_space<vmem>>
      tpu.enqueue_dma source(%dma_start3A_119 : memref<128x128xf32, #tpu.memory_space<vmem>>) target(%dma_start3A_116 : memref<128x128xf32, #tpu.memory_space<vmem_shared>>) target_semaphore(%run_scoped3A : memref<!tpu.dma_semaphore, #tpu.memory_space<semaphore_mem>>)
      %dma_wait3A = arith.constant 0 : i32
      %dma_wait3A_120 = arith.constant 0 : i32
      %dma_wait3A_121 = tpu.memref_slice %arg16[%dma_wait3A, %dma_wait3A_120] : memref<128x128xf32, #tpu.memory_space<vmem>> -> memref<128x128xf32, #tpu.memory_space<vmem>>
      %dma_wait3A_122 = arith.constant 0 : i32
      %dma_wait3A_123 = tpu.memref_slice %arg20[%add3A_35, %dma_wait3A_122] : memref<10112x128xf32, #tpu.memory_space<vmem_shared>> -> memref<128x128xf32, #tpu.memory_space<vmem_shared>>
      %dma_wait3A_124 = arith.constant 0 : i32
      %dma_wait3A_125 = tpu.memref_slice %arg20[%add3A_35, %dma_wait3A_124] : memref<10112x128xf32, #tpu.memory_space<vmem_shared>> -> memref<128x128xf32, #tpu.memory_space<vmem_shared>>
      %dma_wait3A_126 = arith.constant 0 : i32
      %dma_wait3A_127 = arith.constant 0 : i32
      %dma_wait3A_128 = tpu.memref_slice %arg16[%dma_wait3A_126, %dma_wait3A_127] : memref<128x128xf32, #tpu.memory_space<vmem>> -> memref<128x128xf32, #tpu.memory_space<vmem>>
      tpu.wait_dma2 semaphore(%run_scoped3A : memref<!tpu.dma_semaphore, #tpu.memory_space<semaphore_mem>>) src(%dma_wait3A_128 : memref<128x128xf32, #tpu.memory_space<vmem>>) dst(%dma_wait3A_125 : memref<128x128xf32, #tpu.memory_space<vmem_shared>>)
      tpu.yield
    }) : () -> ()
    %add3A_36 = arith.constant 256 : i32
    %add3A_37 = arith.addi %mul3A_25, %add3A_36 : i32
    "tpu.region"() ({
      %run_scoped3A = tpu.sem_alloc : memref<!tpu.dma_semaphore, #tpu.memory_space<semaphore_mem>>
      %dma_start3A = arith.constant 0 : i32
      %dma_start3A_111 = tpu.memref_slice %arg19[%dma_start3A] : memref<128xf32, #tpu.memory_space<vmem>> -> memref<128xf32, #tpu.memory_space<vmem>>
      %dma_start3A_112 = tpu.memref_slice %arg21[%add3A_37] : memref<10112xf32, #tpu.memory_space<vmem_shared>> -> memref<128xf32, #tpu.memory_space<vmem_shared>>
      %dma_start3A_113 = tpu.memref_slice %arg21[%add3A_37] : memref<10112xf32, #tpu.memory_space<vmem_shared>> -> memref<128xf32, #tpu.memory_space<vmem_shared>>
      %dma_start3A_114 = arith.constant 0 : i32
      %dma_start3A_115 = tpu.memref_slice %arg19[%dma_start3A_114] : memref<128xf32, #tpu.memory_space<vmem>> -> memref<128xf32, #tpu.memory_space<vmem>>
      tpu.enqueue_dma source(%dma_start3A_115 : memref<128xf32, #tpu.memory_space<vmem>>) target(%dma_start3A_113 : memref<128xf32, #tpu.memory_space<vmem_shared>>) target_semaphore(%run_scoped3A : memref<!tpu.dma_semaphore, #tpu.memory_space<semaphore_mem>>)
      %dma_wait3A = arith.constant 0 : i32
      %dma_wait3A_116 = tpu.memref_slice %arg19[%dma_wait3A] : memref<128xf32, #tpu.memory_space<vmem>> -> memref<128xf32, #tpu.memory_space<vmem>>
      %dma_wait3A_117 = tpu.memref_slice %arg21[%add3A_37] : memref<10112xf32, #tpu.memory_space<vmem_shared>> -> memref<128xf32, #tpu.memory_space<vmem_shared>>
      %dma_wait3A_118 = tpu.memref_slice %arg21[%add3A_37] : memref<10112xf32, #tpu.memory_space<vmem_shared>> -> memref<128xf32, #tpu.memory_space<vmem_shared>>
      %dma_wait3A_119 = arith.constant 0 : i32
      %dma_wait3A_120 = tpu.memref_slice %arg19[%dma_wait3A_119] : memref<128xf32, #tpu.memory_space<vmem>> -> memref<128xf32, #tpu.memory_space<vmem>>
      tpu.wait_dma2 semaphore(%run_scoped3A : memref<!tpu.dma_semaphore, #tpu.memory_space<semaphore_mem>>) src(%dma_wait3A_120 : memref<128xf32, #tpu.memory_space<vmem>>) dst(%dma_wait3A_118 : memref<128xf32, #tpu.memory_space<vmem_shared>>)
      tpu.yield
    }) : () -> ()
    %add3A_38 = arith.constant 384 : i32
    %add3A_39 = arith.addi %mul3A_25, %add3A_38 : i32
    "tpu.region"() ({
      %run_scoped3A = tpu.sem_alloc : memref<!tpu.dma_semaphore, #tpu.memory_space<semaphore_mem>>
      %dma_start3A = arith.constant 0 : i32
      %dma_start3A_111 = arith.constant 0 : i32
      %dma_start3A_112 = tpu.memref_slice %arg16[%dma_start3A, %dma_start3A_111] : memref<128x128xf32, #tpu.memory_space<vmem>> -> memref<128x128xf32, #tpu.memory_space<vmem>>
      %dma_start3A_113 = arith.constant 0 : i32
      %dma_start3A_114 = tpu.memref_slice %arg20[%add3A_39, %dma_start3A_113] : memref<10112x128xf32, #tpu.memory_space<vmem_shared>> -> memref<128x128xf32, #tpu.memory_space<vmem_shared>>
      %dma_start3A_115 = arith.constant 0 : i32
      %dma_start3A_116 = tpu.memref_slice %arg20[%add3A_39, %dma_start3A_115] : memref<10112x128xf32, #tpu.memory_space<vmem_shared>> -> memref<128x128xf32, #tpu.memory_space<vmem_shared>>
      %dma_start3A_117 = arith.constant 0 : i32
      %dma_start3A_118 = arith.constant 0 : i32
      %dma_start3A_119 = tpu.memref_slice %arg16[%dma_start3A_117, %dma_start3A_118] : memref<128x128xf32, #tpu.memory_space<vmem>> -> memref<128x128xf32, #tpu.memory_space<vmem>>
      tpu.enqueue_dma source(%dma_start3A_119 : memref<128x128xf32, #tpu.memory_space<vmem>>) target(%dma_start3A_116 : memref<128x128xf32, #tpu.memory_space<vmem_shared>>) target_semaphore(%run_scoped3A : memref<!tpu.dma_semaphore, #tpu.memory_space<semaphore_mem>>)
      %dma_wait3A = arith.constant 0 : i32
      %dma_wait3A_120 = arith.constant 0 : i32
      %dma_wait3A_121 = tpu.memref_slice %arg16[%dma_wait3A, %dma_wait3A_120] : memref<128x128xf32, #tpu.memory_space<vmem>> -> memref<128x128xf32, #tpu.memory_space<vmem>>
      %dma_wait3A_122 = arith.constant 0 : i32
      %dma_wait3A_123 = tpu.memref_slice %arg20[%add3A_39, %dma_wait3A_122] : memref<10112x128xf32, #tpu.memory_space<vmem_shared>> -> memref<128x128xf32, #tpu.memory_space<vmem_shared>>
      %dma_wait3A_124 = arith.constant 0 : i32
      %dma_wait3A_125 = tpu.memref_slice %arg20[%add3A_39, %dma_wait3A_124] : memref<10112x128xf32, #tpu.memory_space<vmem_shared>> -> memref<128x128xf32, #tpu.memory_space<vmem_shared>>
      %dma_wait3A_126 = arith.constant 0 : i32
      %dma_wait3A_127 = arith.constant 0 : i32
      %dma_wait3A_128 = tpu.memref_slice %arg16[%dma_wait3A_126, %dma_wait3A_127] : memref<128x128xf32, #tpu.memory_space<vmem>> -> memref<128x128xf32, #tpu.memory_space<vmem>>
      tpu.wait_dma2 semaphore(%run_scoped3A : memref<!tpu.dma_semaphore, #tpu.memory_space<semaphore_mem>>) src(%dma_wait3A_128 : memref<128x128xf32, #tpu.memory_space<vmem>>) dst(%dma_wait3A_125 : memref<128x128xf32, #tpu.memory_space<vmem_shared>>)
      tpu.yield
    }) : () -> ()
    %add3A_40 = arith.constant 384 : i32
    %add3A_41 = arith.addi %mul3A_25, %add3A_40 : i32
    "tpu.region"() ({
      %run_scoped3A = tpu.sem_alloc : memref<!tpu.dma_semaphore, #tpu.memory_space<semaphore_mem>>
      %dma_start3A = arith.constant 0 : i32
      %dma_start3A_111 = tpu.memref_slice %arg19[%dma_start3A] : memref<128xf32, #tpu.memory_space<vmem>> -> memref<128xf32, #tpu.memory_space<vmem>>
      %dma_start3A_112 = tpu.memref_slice %arg21[%add3A_41] : memref<10112xf32, #tpu.memory_space<vmem_shared>> -> memref<128xf32, #tpu.memory_space<vmem_shared>>
      %dma_start3A_113 = tpu.memref_slice %arg21[%add3A_41] : memref<10112xf32, #tpu.memory_space<vmem_shared>> -> memref<128xf32, #tpu.memory_space<vmem_shared>>
      %dma_start3A_114 = arith.constant 0 : i32
      %dma_start3A_115 = tpu.memref_slice %arg19[%dma_start3A_114] : memref<128xf32, #tpu.memory_space<vmem>> -> memref<128xf32, #tpu.memory_space<vmem>>
      tpu.enqueue_dma source(%dma_start3A_115 : memref<128xf32, #tpu.memory_space<vmem>>) target(%dma_start3A_113 : memref<128xf32, #tpu.memory_space<vmem_shared>>) target_semaphore(%run_scoped3A : memref<!tpu.dma_semaphore, #tpu.memory_space<semaphore_mem>>)
      %dma_wait3A = arith.constant 0 : i32
      %dma_wait3A_116 = tpu.memref_slice %arg19[%dma_wait3A] : memref<128xf32, #tpu.memory_space<vmem>> -> memref<128xf32, #tpu.memory_space<vmem>>
      %dma_wait3A_117 = tpu.memref_slice %arg21[%add3A_41] : memref<10112xf32, #tpu.memory_space<vmem_shared>> -> memref<128xf32, #tpu.memory_space<vmem_shared>>
      %dma_wait3A_118 = tpu.memref_slice %arg21[%add3A_41] : memref<10112xf32, #tpu.memory_space<vmem_shared>> -> memref<128xf32, #tpu.memory_space<vmem_shared>>
      %dma_wait3A_119 = arith.constant 0 : i32
      %dma_wait3A_120 = tpu.memref_slice %arg19[%dma_wait3A_119] : memref<128xf32, #tpu.memory_space<vmem>> -> memref<128xf32, #tpu.memory_space<vmem>>
      tpu.wait_dma2 semaphore(%run_scoped3A : memref<!tpu.dma_semaphore, #tpu.memory_space<semaphore_mem>>) src(%dma_wait3A_120 : memref<128xf32, #tpu.memory_space<vmem>>) dst(%dma_wait3A_118 : memref<128xf32, #tpu.memory_space<vmem_shared>>)
      tpu.yield
    }) : () -> ()
    %add3A_42 = arith.constant 512 : i32
    %add3A_43 = arith.addi %mul3A_25, %add3A_42 : i32
    "tpu.region"() ({
      %run_scoped3A = tpu.sem_alloc : memref<!tpu.dma_semaphore, #tpu.memory_space<semaphore_mem>>
      %dma_start3A = arith.constant 0 : i32
      %dma_start3A_111 = arith.constant 0 : i32
      %dma_start3A_112 = tpu.memref_slice %arg16[%dma_start3A, %dma_start3A_111] : memref<128x128xf32, #tpu.memory_space<vmem>> -> memref<120x128xf32, #tpu.memory_space<vmem>>
      %dma_start3A_113 = arith.constant 0 : i32
      %dma_start3A_114 = tpu.memref_slice %arg20[%add3A_43, %dma_start3A_113] : memref<10112x128xf32, #tpu.memory_space<vmem_shared>> -> memref<120x128xf32, #tpu.memory_space<vmem_shared>>
      %dma_start3A_115 = arith.constant 0 : i32
      %dma_start3A_116 = tpu.memref_slice %arg20[%add3A_43, %dma_start3A_115] : memref<10112x128xf32, #tpu.memory_space<vmem_shared>> -> memref<120x128xf32, #tpu.memory_space<vmem_shared>>
      %dma_start3A_117 = arith.constant 0 : i32
      %dma_start3A_118 = arith.constant 0 : i32
      %dma_start3A_119 = tpu.memref_slice %arg16[%dma_start3A_117, %dma_start3A_118] : memref<128x128xf32, #tpu.memory_space<vmem>> -> memref<120x128xf32, #tpu.memory_space<vmem>>
      tpu.enqueue_dma source(%dma_start3A_119 : memref<120x128xf32, #tpu.memory_space<vmem>>) target(%dma_start3A_116 : memref<120x128xf32, #tpu.memory_space<vmem_shared>>) target_semaphore(%run_scoped3A : memref<!tpu.dma_semaphore, #tpu.memory_space<semaphore_mem>>)
      %dma_wait3A = arith.constant 0 : i32
      %dma_wait3A_120 = arith.constant 0 : i32
      %dma_wait3A_121 = tpu.memref_slice %arg16[%dma_wait3A, %dma_wait3A_120] : memref<128x128xf32, #tpu.memory_space<vmem>> -> memref<120x128xf32, #tpu.memory_space<vmem>>
      %dma_wait3A_122 = arith.constant 0 : i32
      %dma_wait3A_123 = tpu.memref_slice %arg20[%add3A_43, %dma_wait3A_122] : memref<10112x128xf32, #tpu.memory_space<vmem_shared>> -> memref<120x128xf32, #tpu.memory_space<vmem_shared>>
      %dma_wait3A_124 = arith.constant 0 : i32
      %dma_wait3A_125 = tpu.memref_slice %arg20[%add3A_43, %dma_wait3A_124] : memref<10112x128xf32, #tpu.memory_space<vmem_shared>> -> memref<120x128xf32, #tpu.memory_space<vmem_shared>>
      %dma_wait3A_126 = arith.constant 0 : i32
      %dma_wait3A_127 = arith.constant 0 : i32
      %dma_wait3A_128 = tpu.memref_slice %arg16[%dma_wait3A_126, %dma_wait3A_127] : memref<128x128xf32, #tpu.memory_space<vmem>> -> memref<120x128xf32, #tpu.memory_space<vmem>>
      tpu.wait_dma2 semaphore(%run_scoped3A : memref<!tpu.dma_semaphore, #tpu.memory_space<semaphore_mem>>) src(%dma_wait3A_128 : memref<120x128xf32, #tpu.memory_space<vmem>>) dst(%dma_wait3A_125 : memref<120x128xf32, #tpu.memory_space<vmem_shared>>)
      tpu.yield
    }) : () -> ()
    %add3A_44 = arith.constant 512 : i32
    %add3A_45 = arith.addi %mul3A_25, %add3A_44 : i32
    "tpu.region"() ({
      %run_scoped3A = tpu.sem_alloc : memref<!tpu.dma_semaphore, #tpu.memory_space<semaphore_mem>>
      %dma_start3A = arith.constant 0 : i32
      %dma_start3A_111 = tpu.memref_slice %arg19[%dma_start3A] : memref<128xf32, #tpu.memory_space<vmem>> -> memref<120xf32, #tpu.memory_space<vmem>>
      %dma_start3A_112 = tpu.memref_slice %arg21[%add3A_45] : memref<10112xf32, #tpu.memory_space<vmem_shared>> -> memref<120xf32, #tpu.memory_space<vmem_shared>>
      %dma_start3A_113 = tpu.memref_slice %arg21[%add3A_45] : memref<10112xf32, #tpu.memory_space<vmem_shared>> -> memref<120xf32, #tpu.memory_space<vmem_shared>>
      %dma_start3A_114 = arith.constant 0 : i32
      %dma_start3A_115 = tpu.memref_slice %arg19[%dma_start3A_114] : memref<128xf32, #tpu.memory_space<vmem>> -> memref<120xf32, #tpu.memory_space<vmem>>
      tpu.enqueue_dma source(%dma_start3A_115 : memref<120xf32, #tpu.memory_space<vmem>>) target(%dma_start3A_113 : memref<120xf32, #tpu.memory_space<vmem_shared>>) target_semaphore(%run_scoped3A : memref<!tpu.dma_semaphore, #tpu.memory_space<semaphore_mem>>)
      %dma_wait3A = arith.constant 0 : i32
      %dma_wait3A_116 = tpu.memref_slice %arg19[%dma_wait3A] : memref<128xf32, #tpu.memory_space<vmem>> -> memref<120xf32, #tpu.memory_space<vmem>>
      %dma_wait3A_117 = tpu.memref_slice %arg21[%add3A_45] : memref<10112xf32, #tpu.memory_space<vmem_shared>> -> memref<120xf32, #tpu.memory_space<vmem_shared>>
      %dma_wait3A_118 = tpu.memref_slice %arg21[%add3A_45] : memref<10112xf32, #tpu.memory_space<vmem_shared>> -> memref<120xf32, #tpu.memory_space<vmem_shared>>
      %dma_wait3A_119 = arith.constant 0 : i32
      %dma_wait3A_120 = tpu.memref_slice %arg19[%dma_wait3A_119] : memref<128xf32, #tpu.memory_space<vmem>> -> memref<120xf32, #tpu.memory_space<vmem>>
      tpu.wait_dma2 semaphore(%run_scoped3A : memref<!tpu.dma_semaphore, #tpu.memory_space<semaphore_mem>>) src(%dma_wait3A_120 : memref<120xf32, #tpu.memory_space<vmem>>) dst(%dma_wait3A_118 : memref<120xf32, #tpu.memory_space<vmem_shared>>)
      tpu.yield
    }) : () -> ()
    %barrier3A = arith.constant 0 : index
    tpu.barrier barrier_id(%barrier3A)
    %scan3A_46 = arith.constant 0 : i32
    %scan3A_47 = arith.constant 0 : i32
    %scan3A_48 = arith.constant 10 : i32
    %scan3A_49 = arith.addi %scan3A_47, %scan3A_48 : i32
    %scan3A_50 = arith.constant 1 : i32
    %scan3A_51 = scf.for %scan3A_111 = %scan3A_47 to %scan3A_49 step %scan3A_50 iter_args(%scan3A_112 = %scan3A_46) -> (i32)  : i32 {
      %mul3A_113 = arith.constant 8 : i32
      %mul3A_114 = arith.muli %scan3A_111, %mul3A_113 : i32
      %mul3A_115 = arith.constant 32 : i32
      %mul3A_116 = arith.muli %mul3A_115, %mul3A_114 : i32
      %add3A_117 = arith.addi %add3A, %mul3A_116 : i32
      %mul3A_118 = arith.constant 128 : i32
      %mul3A_119 = arith.muli %add3A_117, %mul3A_118 : i32
      "tpu.region"() ({
        %run_scoped3A = tpu.sem_alloc : memref<!tpu.dma_semaphore, #tpu.memory_space<semaphore_mem>>
        %dma_start3A_228 = tpu.memref_slice %arg3[%mul3A_119] : memref<327680xi32, #tpu.memory_space<hbm>> -> memref<128xi32, #tpu.memory_space<hbm>>
        %dma_start3A_229 = tpu.memref_slice %arg3[%mul3A_119] : memref<327680xi32, #tpu.memory_space<hbm>> -> memref<128xi32, #tpu.memory_space<hbm>>
        tpu.enqueue_dma source(%dma_start3A_229 : memref<128xi32, #tpu.memory_space<hbm>>) target(%arg8 : memref<128xi32, #tpu.memory_space<vmem>>) target_semaphore(%run_scoped3A : memref<!tpu.dma_semaphore, #tpu.memory_space<semaphore_mem>>)
        %dma_wait3A_230 = tpu.memref_slice %arg3[%mul3A_119] : memref<327680xi32, #tpu.memory_space<hbm>> -> memref<128xi32, #tpu.memory_space<hbm>>
        %dma_wait3A_231 = tpu.memref_slice %arg3[%mul3A_119] : memref<327680xi32, #tpu.memory_space<hbm>> -> memref<128xi32, #tpu.memory_space<hbm>>
        tpu.wait_dma2 semaphore(%run_scoped3A : memref<!tpu.dma_semaphore, #tpu.memory_space<semaphore_mem>>) src(%dma_wait3A_231 : memref<128xi32, #tpu.memory_space<hbm>>) dst(%arg8 : memref<128xi32, #tpu.memory_space<vmem>>)
        tpu.yield
      }) : () -> ()
      "tpu.region"() ({
        %run_scoped3A = tpu.sem_alloc : memref<!tpu.dma_semaphore, #tpu.memory_space<semaphore_mem>>
        %dma_start3A_228 = tpu.memref_slice %arg4[%mul3A_119] : memref<327680xi32, #tpu.memory_space<hbm>> -> memref<128xi32, #tpu.memory_space<hbm>>
        %dma_start3A_229 = tpu.memref_slice %arg4[%mul3A_119] : memref<327680xi32, #tpu.memory_space<hbm>> -> memref<128xi32, #tpu.memory_space<hbm>>
        tpu.enqueue_dma source(%dma_start3A_229 : memref<128xi32, #tpu.memory_space<hbm>>) target(%arg12 : memref<128xi32, #tpu.memory_space<vmem>>) target_semaphore(%run_scoped3A : memref<!tpu.dma_semaphore, #tpu.memory_space<semaphore_mem>>)
        %dma_wait3A_230 = tpu.memref_slice %arg4[%mul3A_119] : memref<327680xi32, #tpu.memory_space<hbm>> -> memref<128xi32, #tpu.memory_space<hbm>>
        %dma_wait3A_231 = tpu.memref_slice %arg4[%mul3A_119] : memref<327680xi32, #tpu.memory_space<hbm>> -> memref<128xi32, #tpu.memory_space<hbm>>
        tpu.wait_dma2 semaphore(%run_scoped3A : memref<!tpu.dma_semaphore, #tpu.memory_space<semaphore_mem>>) src(%dma_wait3A_231 : memref<128xi32, #tpu.memory_space<hbm>>) dst(%arg12 : memref<128xi32, #tpu.memory_space<vmem>>)
        tpu.yield
      }) : () -> ()
      %add3A_120 = arith.constant 1 : i32
      %add3A_121 = arith.addi %mul3A_114, %add3A_120 : i32
      %mul3A_122 = arith.constant 32 : i32
      %mul3A_123 = arith.muli %mul3A_122, %add3A_121 : i32
      %add3A_124 = arith.addi %add3A, %mul3A_123 : i32
      %mul3A_125 = arith.constant 128 : i32
      %mul3A_126 = arith.muli %add3A_124, %mul3A_125 : i32
      "tpu.region"() ({
        %run_scoped3A = tpu.sem_alloc : memref<!tpu.dma_semaphore, #tpu.memory_space<semaphore_mem>>
        %dma_start3A_228 = tpu.memref_slice %arg3[%mul3A_126] : memref<327680xi32, #tpu.memory_space<hbm>> -> memref<128xi32, #tpu.memory_space<hbm>>
        %dma_start3A_229 = tpu.memref_slice %arg3[%mul3A_126] : memref<327680xi32, #tpu.memory_space<hbm>> -> memref<128xi32, #tpu.memory_space<hbm>>
        tpu.enqueue_dma source(%dma_start3A_229 : memref<128xi32, #tpu.memory_space<hbm>>) target(%arg9 : memref<128xi32, #tpu.memory_space<vmem>>) target_semaphore(%run_scoped3A : memref<!tpu.dma_semaphore, #tpu.memory_space<semaphore_mem>>)
        %dma_wait3A_230 = tpu.memref_slice %arg3[%mul3A_126] : memref<327680xi32, #tpu.memory_space<hbm>> -> memref<128xi32, #tpu.memory_space<hbm>>
        %dma_wait3A_231 = tpu.memref_slice %arg3[%mul3A_126] : memref<327680xi32, #tpu.memory_space<hbm>> -> memref<128xi32, #tpu.memory_space<hbm>>
        tpu.wait_dma2 semaphore(%run_scoped3A : memref<!tpu.dma_semaphore, #tpu.memory_space<semaphore_mem>>) src(%dma_wait3A_231 : memref<128xi32, #tpu.memory_space<hbm>>) dst(%arg9 : memref<128xi32, #tpu.memory_space<vmem>>)
        tpu.yield
      }) : () -> ()
      "tpu.region"() ({
        %run_scoped3A = tpu.sem_alloc : memref<!tpu.dma_semaphore, #tpu.memory_space<semaphore_mem>>
        %dma_start3A_228 = tpu.memref_slice %arg4[%mul3A_126] : memref<327680xi32, #tpu.memory_space<hbm>> -> memref<128xi32, #tpu.memory_space<hbm>>
        %dma_start3A_229 = tpu.memref_slice %arg4[%mul3A_126] : memref<327680xi32, #tpu.memory_space<hbm>> -> memref<128xi32, #tpu.memory_space<hbm>>
        tpu.enqueue_dma source(%dma_start3A_229 : memref<128xi32, #tpu.memory_space<hbm>>) target(%arg13 : memref<128xi32, #tpu.memory_space<vmem>>) target_semaphore(%run_scoped3A : memref<!tpu.dma_semaphore, #tpu.memory_space<semaphore_mem>>)
        %dma_wait3A_230 = tpu.memref_slice %arg4[%mul3A_126] : memref<327680xi32, #tpu.memory_space<hbm>> -> memref<128xi32, #tpu.memory_space<hbm>>
        %dma_wait3A_231 = tpu.memref_slice %arg4[%mul3A_126] : memref<327680xi32, #tpu.memory_space<hbm>> -> memref<128xi32, #tpu.memory_space<hbm>>
        tpu.wait_dma2 semaphore(%run_scoped3A : memref<!tpu.dma_semaphore, #tpu.memory_space<semaphore_mem>>) src(%dma_wait3A_231 : memref<128xi32, #tpu.memory_space<hbm>>) dst(%arg13 : memref<128xi32, #tpu.memory_space<vmem>>)
        tpu.yield
      }) : () -> ()
      %dma_start3A = arith.constant 0 : i32
      %dma_start3A_127 = arith.constant 0 : i32
      %dma_start3A_128 = tpu.memref_slice %arg2[%dma_start3A, %dma_start3A_127] : memref<320000x128xf32, #tpu.memory_space<hbm>> -> memref<320000x128xf32, #tpu.memory_space<hbm>>
      tpu.enqueue_indirect_dma source(%dma_start3A_128 : memref<320000x128xf32, #tpu.memory_space<hbm>>) target(%arg16 : memref<128x128xf32, #tpu.memory_space<vmem>>) offsets(%arg12 : memref<128xi32, #tpu.memory_space<vmem>>) semaphore(%arg22 : memref<!tpu.dma_semaphore, #tpu.memory_space<semaphore_mem>>)
      %dma_start3A_129 = arith.constant 0 : i32
      %dma_start3A_130 = arith.constant 0 : i32
      %dma_start3A_131 = tpu.memref_slice %arg2[%dma_start3A_129, %dma_start3A_130] : memref<320000x128xf32, #tpu.memory_space<hbm>> -> memref<320000x128xf32, #tpu.memory_space<hbm>>
      tpu.enqueue_indirect_dma source(%dma_start3A_131 : memref<320000x128xf32, #tpu.memory_space<hbm>>) target(%arg17 : memref<128x128xf32, #tpu.memory_space<vmem>>) offsets(%arg13 : memref<128xi32, #tpu.memory_space<vmem>>) semaphore(%arg22 : memref<!tpu.dma_semaphore, #tpu.memory_space<semaphore_mem>>)
      %add3A_132 = arith.constant 0 : i32
      %add3A_133 = arith.addi %mul3A_114, %add3A_132 : i32
      %add3A_134 = arith.constant 2 : i32
      %add3A_135 = arith.addi %add3A_133, %add3A_134 : i32
      %mul3A_136 = arith.constant 32 : i32
      %mul3A_137 = arith.muli %mul3A_136, %add3A_135 : i32
      %add3A_138 = arith.addi %add3A, %mul3A_137 : i32
      %mul3A_139 = arith.constant 128 : i32
      %mul3A_140 = arith.muli %add3A_138, %mul3A_139 : i32
      "tpu.region"() ({
        %run_scoped3A = tpu.sem_alloc : memref<!tpu.dma_semaphore, #tpu.memory_space<semaphore_mem>>
        %dma_start3A_228 = tpu.memref_slice %arg3[%mul3A_140] : memref<327680xi32, #tpu.memory_space<hbm>> -> memref<128xi32, #tpu.memory_space<hbm>>
        %dma_start3A_229 = tpu.memref_slice %arg3[%mul3A_140] : memref<327680xi32, #tpu.memory_space<hbm>> -> memref<128xi32, #tpu.memory_space<hbm>>
        tpu.enqueue_dma source(%dma_start3A_229 : memref<128xi32, #tpu.memory_space<hbm>>) target(%arg10 : memref<128xi32, #tpu.memory_space<vmem>>) target_semaphore(%run_scoped3A : memref<!tpu.dma_semaphore, #tpu.memory_space<semaphore_mem>>)
        %dma_wait3A_230 = tpu.memref_slice %arg3[%mul3A_140] : memref<327680xi32, #tpu.memory_space<hbm>> -> memref<128xi32, #tpu.memory_space<hbm>>
        %dma_wait3A_231 = tpu.memref_slice %arg3[%mul3A_140] : memref<327680xi32, #tpu.memory_space<hbm>> -> memref<128xi32, #tpu.memory_space<hbm>>
        tpu.wait_dma2 semaphore(%run_scoped3A : memref<!tpu.dma_semaphore, #tpu.memory_space<semaphore_mem>>) src(%dma_wait3A_231 : memref<128xi32, #tpu.memory_space<hbm>>) dst(%arg10 : memref<128xi32, #tpu.memory_space<vmem>>)
        tpu.yield
      }) : () -> ()
      "tpu.region"() ({
        %run_scoped3A = tpu.sem_alloc : memref<!tpu.dma_semaphore, #tpu.memory_space<semaphore_mem>>
        %dma_start3A_228 = tpu.memref_slice %arg4[%mul3A_140] : memref<327680xi32, #tpu.memory_space<hbm>> -> memref<128xi32, #tpu.memory_space<hbm>>
        %dma_start3A_229 = tpu.memref_slice %arg4[%mul3A_140] : memref<327680xi32, #tpu.memory_space<hbm>> -> memref<128xi32, #tpu.memory_space<hbm>>
        tpu.enqueue_dma source(%dma_start3A_229 : memref<128xi32, #tpu.memory_space<hbm>>) target(%arg14 : memref<128xi32, #tpu.memory_space<vmem>>) target_semaphore(%run_scoped3A : memref<!tpu.dma_semaphore, #tpu.memory_space<semaphore_mem>>)
        %dma_wait3A_230 = tpu.memref_slice %arg4[%mul3A_140] : memref<327680xi32, #tpu.memory_space<hbm>> -> memref<128xi32, #tpu.memory_space<hbm>>
        %dma_wait3A_231 = tpu.memref_slice %arg4[%mul3A_140] : memref<327680xi32, #tpu.memory_space<hbm>> -> memref<128xi32, #tpu.memory_space<hbm>>
        tpu.wait_dma2 semaphore(%run_scoped3A : memref<!tpu.dma_semaphore, #tpu.memory_space<semaphore_mem>>) src(%dma_wait3A_231 : memref<128xi32, #tpu.memory_space<hbm>>) dst(%arg14 : memref<128xi32, #tpu.memory_space<vmem>>)
        tpu.yield
      }) : () -> ()
      %dma_wait3A = arith.constant 0 : i32
      %dma_wait3A_141 = arith.constant 0 : i32
      %dma_wait3A_142 = tpu.memref_slice %arg2[%dma_wait3A, %dma_wait3A_141] : memref<320000x128xf32, #tpu.memory_space<hbm>> -> memref<320000x128xf32, #tpu.memory_space<hbm>>
      tpu.wait_indirect_dma semaphore(%arg22 : memref<!tpu.dma_semaphore, #tpu.memory_space<semaphore_mem>>) src(%dma_wait3A_142 : memref<320000x128xf32, #tpu.memory_space<hbm>>) dst(%arg16 : memref<128x128xf32, #tpu.memory_space<vmem>>)
      "tpu.region"() ({
        %run_scoped3A = tpu.sem_alloc : memref<!tpu.dma_semaphore, #tpu.memory_space<semaphore_mem>>
        %dma_start3A_228 = arith.constant 0 : i32
        %dma_start3A_229 = arith.constant 0 : i32
        %dma_start3A_230 = tpu.memref_slice %arg20[%dma_start3A_228, %dma_start3A_229] : memref<10112x128xf32, #tpu.memory_space<vmem_shared>> -> memref<10112x128xf32, #tpu.memory_space<vmem_shared>>
        tpu.enqueue_indirect_dma source(%arg16 : memref<128x128xf32, #tpu.memory_space<vmem>>) target(%dma_start3A_230 : memref<10112x128xf32, #tpu.memory_space<vmem_shared>>) offsets(%arg8 : memref<128xi32, #tpu.memory_space<vmem>>) semaphore(%run_scoped3A : memref<!tpu.dma_semaphore, #tpu.memory_space<semaphore_mem>>) {add = true}
        %dma_wait3A_231 = arith.constant 0 : i32
        %dma_wait3A_232 = arith.constant 0 : i32
        %dma_wait3A_233 = tpu.memref_slice %arg20[%dma_wait3A_231, %dma_wait3A_232] : memref<10112x128xf32, #tpu.memory_space<vmem_shared>> -> memref<10112x128xf32, #tpu.memory_space<vmem_shared>>
        tpu.wait_indirect_dma semaphore(%run_scoped3A : memref<!tpu.dma_semaphore, #tpu.memory_space<semaphore_mem>>) src(%arg16 : memref<128x128xf32, #tpu.memory_space<vmem>>) dst(%dma_wait3A_233 : memref<10112x128xf32, #tpu.memory_space<vmem_shared>>)
        tpu.yield
      }) : () -> ()
      "tpu.region"() ({
        %run_scoped3A = tpu.sem_alloc : memref<!tpu.dma_semaphore, #tpu.memory_space<semaphore_mem>>
        %dma_start3A_228 = arith.constant 0 : i32
        %dma_start3A_229 = tpu.memref_slice %arg21[%dma_start3A_228] : memref<10112xf32, #tpu.memory_space<vmem_shared>> -> memref<10112xf32, #tpu.memory_space<vmem_shared>>
        tpu.enqueue_indirect_dma source(%arg18 : memref<128xf32, #tpu.memory_space<vmem>>) target(%dma_start3A_229 : memref<10112xf32, #tpu.memory_space<vmem_shared>>) offsets(%arg8 : memref<128xi32, #tpu.memory_space<vmem>>) semaphore(%run_scoped3A : memref<!tpu.dma_semaphore, #tpu.memory_space<semaphore_mem>>) {add = true}
        %dma_wait3A_230 = arith.constant 0 : i32
        %dma_wait3A_231 = tpu.memref_slice %arg21[%dma_wait3A_230] : memref<10112xf32, #tpu.memory_space<vmem_shared>> -> memref<10112xf32, #tpu.memory_space<vmem_shared>>
        tpu.wait_indirect_dma semaphore(%run_scoped3A : memref<!tpu.dma_semaphore, #tpu.memory_space<semaphore_mem>>) src(%arg18 : memref<128xf32, #tpu.memory_space<vmem>>) dst(%dma_wait3A_231 : memref<10112xf32, #tpu.memory_space<vmem_shared>>)
        tpu.yield
      }) : () -> ()
      %dma_start3A_143 = arith.constant 0 : i32
      %dma_start3A_144 = arith.constant 0 : i32
      %dma_start3A_145 = tpu.memref_slice %arg2[%dma_start3A_143, %dma_start3A_144] : memref<320000x128xf32, #tpu.memory_space<hbm>> -> memref<320000x128xf32, #tpu.memory_space<hbm>>
      tpu.enqueue_indirect_dma source(%dma_start3A_145 : memref<320000x128xf32, #tpu.memory_space<hbm>>) target(%arg16 : memref<128x128xf32, #tpu.memory_space<vmem>>) offsets(%arg14 : memref<128xi32, #tpu.memory_space<vmem>>) semaphore(%arg22 : memref<!tpu.dma_semaphore, #tpu.memory_space<semaphore_mem>>)
      %add3A_146 = arith.constant 1 : i32
      %add3A_147 = arith.addi %mul3A_114, %add3A_146 : i32
      %add3A_148 = arith.constant 2 : i32
      %add3A_149 = arith.addi %add3A_147, %add3A_148 : i32
      %mul3A_150 = arith.constant 32 : i32
      %mul3A_151 = arith.muli %mul3A_150, %add3A_149 : i32
      %add3A_152 = arith.addi %add3A, %mul3A_151 : i32
      %mul3A_153 = arith.constant 128 : i32
      %mul3A_154 = arith.muli %add3A_152, %mul3A_153 : i32
      "tpu.region"() ({
        %run_scoped3A = tpu.sem_alloc : memref<!tpu.dma_semaphore, #tpu.memory_space<semaphore_mem>>
        %dma_start3A_228 = tpu.memref_slice %arg3[%mul3A_154] : memref<327680xi32, #tpu.memory_space<hbm>> -> memref<128xi32, #tpu.memory_space<hbm>>
        %dma_start3A_229 = tpu.memref_slice %arg3[%mul3A_154] : memref<327680xi32, #tpu.memory_space<hbm>> -> memref<128xi32, #tpu.memory_space<hbm>>
        tpu.enqueue_dma source(%dma_start3A_229 : memref<128xi32, #tpu.memory_space<hbm>>) target(%arg11 : memref<128xi32, #tpu.memory_space<vmem>>) target_semaphore(%run_scoped3A : memref<!tpu.dma_semaphore, #tpu.memory_space<semaphore_mem>>)
        %dma_wait3A_230 = tpu.memref_slice %arg3[%mul3A_154] : memref<327680xi32, #tpu.memory_space<hbm>> -> memref<128xi32, #tpu.memory_space<hbm>>
        %dma_wait3A_231 = tpu.memref_slice %arg3[%mul3A_154] : memref<327680xi32, #tpu.memory_space<hbm>> -> memref<128xi32, #tpu.memory_space<hbm>>
        tpu.wait_dma2 semaphore(%run_scoped3A : memref<!tpu.dma_semaphore, #tpu.memory_space<semaphore_mem>>) src(%dma_wait3A_231 : memref<128xi32, #tpu.memory_space<hbm>>) dst(%arg11 : memref<128xi32, #tpu.memory_space<vmem>>)
        tpu.yield
      }) : () -> ()
      "tpu.region"() ({
        %run_scoped3A = tpu.sem_alloc : memref<!tpu.dma_semaphore, #tpu.memory_space<semaphore_mem>>
        %dma_start3A_228 = tpu.memref_slice %arg4[%mul3A_154] : memref<327680xi32, #tpu.memory_space<hbm>> -> memref<128xi32, #tpu.memory_space<hbm>>
        %dma_start3A_229 = tpu.memref_slice %arg4[%mul3A_154] : memref<327680xi32, #tpu.memory_space<hbm>> -> memref<128xi32, #tpu.memory_space<hbm>>
        tpu.enqueue_dma source(%dma_start3A_229 : memref<128xi32, #tpu.memory_space<hbm>>) target(%arg15 : memref<128xi32, #tpu.memory_space<vmem>>) target_semaphore(%run_scoped3A : memref<!tpu.dma_semaphore, #tpu.memory_space<semaphore_mem>>)
        %dma_wait3A_230 = tpu.memref_slice %arg4[%mul3A_154] : memref<327680xi32, #tpu.memory_space<hbm>> -> memref<128xi32, #tpu.memory_space<hbm>>
        %dma_wait3A_231 = tpu.memref_slice %arg4[%mul3A_154] : memref<327680xi32, #tpu.memory_space<hbm>> -> memref<128xi32, #tpu.memory_space<hbm>>
        tpu.wait_dma2 semaphore(%run_scoped3A : memref<!tpu.dma_semaphore, #tpu.memory_space<semaphore_mem>>) src(%dma_wait3A_231 : memref<128xi32, #tpu.memory_space<hbm>>) dst(%arg15 : memref<128xi32, #tpu.memory_space<vmem>>)
        tpu.yield
      }) : () -> ()
      %dma_wait3A_155 = arith.constant 0 : i32
      %dma_wait3A_156 = arith.constant 0 : i32
      %dma_wait3A_157 = tpu.memref_slice %arg2[%dma_wait3A_155, %dma_wait3A_156] : memref<320000x128xf32, #tpu.memory_space<hbm>> -> memref<320000x128xf32, #tpu.memory_space<hbm>>
      tpu.wait_indirect_dma semaphore(%arg22 : memref<!tpu.dma_semaphore, #tpu.memory_space<semaphore_mem>>) src(%dma_wait3A_157 : memref<320000x128xf32, #tpu.memory_space<hbm>>) dst(%arg17 : memref<128x128xf32, #tpu.memory_space<vmem>>)
      "tpu.region"() ({
        %run_scoped3A = tpu.sem_alloc : memref<!tpu.dma_semaphore, #tpu.memory_space<semaphore_mem>>
        %dma_start3A_228 = arith.constant 0 : i32
        %dma_start3A_229 = arith.constant 0 : i32
        %dma_start3A_230 = tpu.memref_slice %arg20[%dma_start3A_228, %dma_start3A_229] : memref<10112x128xf32, #tpu.memory_space<vmem_shared>> -> memref<10112x128xf32, #tpu.memory_space<vmem_shared>>
        tpu.enqueue_indirect_dma source(%arg17 : memref<128x128xf32, #tpu.memory_space<vmem>>) target(%dma_start3A_230 : memref<10112x128xf32, #tpu.memory_space<vmem_shared>>) offsets(%arg9 : memref<128xi32, #tpu.memory_space<vmem>>) semaphore(%run_scoped3A : memref<!tpu.dma_semaphore, #tpu.memory_space<semaphore_mem>>) {add = true}
        %dma_wait3A_231 = arith.constant 0 : i32
        %dma_wait3A_232 = arith.constant 0 : i32
        %dma_wait3A_233 = tpu.memref_slice %arg20[%dma_wait3A_231, %dma_wait3A_232] : memref<10112x128xf32, #tpu.memory_space<vmem_shared>> -> memref<10112x128xf32, #tpu.memory_space<vmem_shared>>
        tpu.wait_indirect_dma semaphore(%run_scoped3A : memref<!tpu.dma_semaphore, #tpu.memory_space<semaphore_mem>>) src(%arg17 : memref<128x128xf32, #tpu.memory_space<vmem>>) dst(%dma_wait3A_233 : memref<10112x128xf32, #tpu.memory_space<vmem_shared>>)
        tpu.yield
      }) : () -> ()
      "tpu.region"() ({
        %run_scoped3A = tpu.sem_alloc : memref<!tpu.dma_semaphore, #tpu.memory_space<semaphore_mem>>
        %dma_start3A_228 = arith.constant 0 : i32
        %dma_start3A_229 = tpu.memref_slice %arg21[%dma_start3A_228] : memref<10112xf32, #tpu.memory_space<vmem_shared>> -> memref<10112xf32, #tpu.memory_space<vmem_shared>>
        tpu.enqueue_indirect_dma source(%arg18 : memref<128xf32, #tpu.memory_space<vmem>>) target(%dma_start3A_229 : memref<10112xf32, #tpu.memory_space<vmem_shared>>) offsets(%arg9 : memref<128xi32, #tpu.memory_space<vmem>>) semaphore(%run_scoped3A : memref<!tpu.dma_semaphore, #tpu.memory_space<semaphore_mem>>) {add = true}
        %dma_wait3A_230 = arith.constant 0 : i32
        %dma_wait3A_231 = tpu.memref_slice %arg21[%dma_wait3A_230] : memref<10112xf32, #tpu.memory_space<vmem_shared>> -> memref<10112xf32, #tpu.memory_space<vmem_shared>>
        tpu.wait_indirect_dma semaphore(%run_scoped3A : memref<!tpu.dma_semaphore, #tpu.memory_space<semaphore_mem>>) src(%arg18 : memref<128xf32, #tpu.memory_space<vmem>>) dst(%dma_wait3A_231 : memref<10112xf32, #tpu.memory_space<vmem_shared>>)
        tpu.yield
      }) : () -> ()
      %dma_start3A_158 = arith.constant 0 : i32
      %dma_start3A_159 = arith.constant 0 : i32
      %dma_start3A_160 = tpu.memref_slice %arg2[%dma_start3A_158, %dma_start3A_159] : memref<320000x128xf32, #tpu.memory_space<hbm>> -> memref<320000x128xf32, #tpu.memory_space<hbm>>
      tpu.enqueue_indirect_dma source(%dma_start3A_160 : memref<320000x128xf32, #tpu.memory_space<hbm>>) target(%arg17 : memref<128x128xf32, #tpu.memory_space<vmem>>) offsets(%arg15 : memref<128xi32, #tpu.memory_space<vmem>>) semaphore(%arg22 : memref<!tpu.dma_semaphore, #tpu.memory_space<semaphore_mem>>)
      %add3A_161 = arith.constant 2 : i32
      %add3A_162 = arith.addi %mul3A_114, %add3A_161 : i32
      %add3A_163 = arith.constant 2 : i32
      %add3A_164 = arith.addi %add3A_162, %add3A_163 : i32
      %mul3A_165 = arith.constant 32 : i32
      %mul3A_166 = arith.muli %mul3A_165, %add3A_164 : i32
      %add3A_167 = arith.addi %add3A, %mul3A_166 : i32
      %mul3A_168 = arith.constant 128 : i32
      %mul3A_169 = arith.muli %add3A_167, %mul3A_168 : i32
      "tpu.region"() ({
        %run_scoped3A = tpu.sem_alloc : memref<!tpu.dma_semaphore, #tpu.memory_space<semaphore_mem>>
        %dma_start3A_228 = tpu.memref_slice %arg3[%mul3A_169] : memref<327680xi32, #tpu.memory_space<hbm>> -> memref<128xi32, #tpu.memory_space<hbm>>
        %dma_start3A_229 = tpu.memref_slice %arg3[%mul3A_169] : memref<327680xi32, #tpu.memory_space<hbm>> -> memref<128xi32, #tpu.memory_space<hbm>>
        tpu.enqueue_dma source(%dma_start3A_229 : memref<128xi32, #tpu.memory_space<hbm>>) target(%arg8 : memref<128xi32, #tpu.memory_space<vmem>>) target_semaphore(%run_scoped3A : memref<!tpu.dma_semaphore, #tpu.memory_space<semaphore_mem>>)
        %dma_wait3A_230 = tpu.memref_slice %arg3[%mul3A_169] : memref<327680xi32, #tpu.memory_space<hbm>> -> memref<128xi32, #tpu.memory_space<hbm>>
        %dma_wait3A_231 = tpu.memref_slice %arg3[%mul3A_169] : memref<327680xi32, #tpu.memory_space<hbm>> -> memref<128xi32, #tpu.memory_space<hbm>>
        tpu.wait_dma2 semaphore(%run_scoped3A : memref<!tpu.dma_semaphore, #tpu.memory_space<semaphore_mem>>) src(%dma_wait3A_231 : memref<128xi32, #tpu.memory_space<hbm>>) dst(%arg8 : memref<128xi32, #tpu.memory_space<vmem>>)
        tpu.yield
      }) : () -> ()
      "tpu.region"() ({
        %run_scoped3A = tpu.sem_alloc : memref<!tpu.dma_semaphore, #tpu.memory_space<semaphore_mem>>
        %dma_start3A_228 = tpu.memref_slice %arg4[%mul3A_169] : memref<327680xi32, #tpu.memory_space<hbm>> -> memref<128xi32, #tpu.memory_space<hbm>>
        %dma_start3A_229 = tpu.memref_slice %arg4[%mul3A_169] : memref<327680xi32, #tpu.memory_space<hbm>> -> memref<128xi32, #tpu.memory_space<hbm>>
        tpu.enqueue_dma source(%dma_start3A_229 : memref<128xi32, #tpu.memory_space<hbm>>) target(%arg12 : memref<128xi32, #tpu.memory_space<vmem>>) target_semaphore(%run_scoped3A : memref<!tpu.dma_semaphore, #tpu.memory_space<semaphore_mem>>)
        %dma_wait3A_230 = tpu.memref_slice %arg4[%mul3A_169] : memref<327680xi32, #tpu.memory_space<hbm>> -> memref<128xi32, #tpu.memory_space<hbm>>
        %dma_wait3A_231 = tpu.memref_slice %arg4[%mul3A_169] : memref<327680xi32, #tpu.memory_space<hbm>> -> memref<128xi32, #tpu.memory_space<hbm>>
        tpu.wait_dma2 semaphore(%run_scoped3A : memref<!tpu.dma_semaphore, #tpu.memory_space<semaphore_mem>>) src(%dma_wait3A_231 : memref<128xi32, #tpu.memory_space<hbm>>) dst(%arg12 : memref<128xi32, #tpu.memory_space<vmem>>)
        tpu.yield
      }) : () -> ()
      %dma_wait3A_170 = arith.constant 0 : i32
      %dma_wait3A_171 = arith.constant 0 : i32
      %dma_wait3A_172 = tpu.memref_slice %arg2[%dma_wait3A_170, %dma_wait3A_171] : memref<320000x128xf32, #tpu.memory_space<hbm>> -> memref<320000x128xf32, #tpu.memory_space<hbm>>
      tpu.wait_indirect_dma semaphore(%arg22 : memref<!tpu.dma_semaphore, #tpu.memory_space<semaphore_mem>>) src(%dma_wait3A_172 : memref<320000x128xf32, #tpu.memory_space<hbm>>) dst(%arg16 : memref<128x128xf32, #tpu.memory_space<vmem>>)
      "tpu.region"() ({
        %run_scoped3A = tpu.sem_alloc : memref<!tpu.dma_semaphore, #tpu.memory_space<semaphore_mem>>
        %dma_start3A_228 = arith.constant 0 : i32
        %dma_start3A_229 = arith.constant 0 : i32
        %dma_start3A_230 = tpu.memref_slice %arg20[%dma_start3A_228, %dma_start3A_229] : memref<10112x128xf32, #tpu.memory_space<vmem_shared>> -> memref<10112x128xf32, #tpu.memory_space<vmem_shared>>
        tpu.enqueue_indirect_dma source(%arg16 : memref<128x128xf32, #tpu.memory_space<vmem>>) target(%dma_start3A_230 : memref<10112x128xf32, #tpu.memory_space<vmem_shared>>) offsets(%arg10 : memref<128xi32, #tpu.memory_space<vmem>>) semaphore(%run_scoped3A : memref<!tpu.dma_semaphore, #tpu.memory_space<semaphore_mem>>) {add = true}
        %dma_wait3A_231 = arith.constant 0 : i32
        %dma_wait3A_232 = arith.constant 0 : i32
        %dma_wait3A_233 = tpu.memref_slice %arg20[%dma_wait3A_231, %dma_wait3A_232] : memref<10112x128xf32, #tpu.memory_space<vmem_shared>> -> memref<10112x128xf32, #tpu.memory_space<vmem_shared>>
        tpu.wait_indirect_dma semaphore(%run_scoped3A : memref<!tpu.dma_semaphore, #tpu.memory_space<semaphore_mem>>) src(%arg16 : memref<128x128xf32, #tpu.memory_space<vmem>>) dst(%dma_wait3A_233 : memref<10112x128xf32, #tpu.memory_space<vmem_shared>>)
        tpu.yield
      }) : () -> ()
      "tpu.region"() ({
        %run_scoped3A = tpu.sem_alloc : memref<!tpu.dma_semaphore, #tpu.memory_space<semaphore_mem>>
        %dma_start3A_228 = arith.constant 0 : i32
        %dma_start3A_229 = tpu.memref_slice %arg21[%dma_start3A_228] : memref<10112xf32, #tpu.memory_space<vmem_shared>> -> memref<10112xf32, #tpu.memory_space<vmem_shared>>
        tpu.enqueue_indirect_dma source(%arg18 : memref<128xf32, #tpu.memory_space<vmem>>) target(%dma_start3A_229 : memref<10112xf32, #tpu.memory_space<vmem_shared>>) offsets(%arg10 : memref<128xi32, #tpu.memory_space<vmem>>) semaphore(%run_scoped3A : memref<!tpu.dma_semaphore, #tpu.memory_space<semaphore_mem>>) {add = true}
        %dma_wait3A_230 = arith.constant 0 : i32
        %dma_wait3A_231 = tpu.memref_slice %arg21[%dma_wait3A_230] : memref<10112xf32, #tpu.memory_space<vmem_shared>> -> memref<10112xf32, #tpu.memory_space<vmem_shared>>
        tpu.wait_indirect_dma semaphore(%run_scoped3A : memref<!tpu.dma_semaphore, #tpu.memory_space<semaphore_mem>>) src(%arg18 : memref<128xf32, #tpu.memory_space<vmem>>) dst(%dma_wait3A_231 : memref<10112xf32, #tpu.memory_space<vmem_shared>>)
        tpu.yield
      }) : () -> ()
      %dma_start3A_173 = arith.constant 0 : i32
      %dma_start3A_174 = arith.constant 0 : i32
      %dma_start3A_175 = tpu.memref_slice %arg2[%dma_start3A_173, %dma_start3A_174] : memref<320000x128xf32, #tpu.memory_space<hbm>> -> memref<320000x128xf32, #tpu.memory_space<hbm>>
      tpu.enqueue_indirect_dma source(%dma_start3A_175 : memref<320000x128xf32, #tpu.memory_space<hbm>>) target(%arg16 : memref<128x128xf32, #tpu.memory_space<vmem>>) offsets(%arg12 : memref<128xi32, #tpu.memory_space<vmem>>) semaphore(%arg22 : memref<!tpu.dma_semaphore, #tpu.memory_space<semaphore_mem>>)
      %add3A_176 = arith.constant 3 : i32
      %add3A_177 = arith.addi %mul3A_114, %add3A_176 : i32
      %add3A_178 = arith.constant 2 : i32
      %add3A_179 = arith.addi %add3A_177, %add3A_178 : i32
      %mul3A_180 = arith.constant 32 : i32
      %mul3A_181 = arith.muli %mul3A_180, %add3A_179 : i32
      %add3A_182 = arith.addi %add3A, %mul3A_181 : i32
      %mul3A_183 = arith.constant 128 : i32
      %mul3A_184 = arith.muli %add3A_182, %mul3A_183 : i32
      "tpu.region"() ({
        %run_scoped3A = tpu.sem_alloc : memref<!tpu.dma_semaphore, #tpu.memory_space<semaphore_mem>>
        %dma_start3A_228 = tpu.memref_slice %arg3[%mul3A_184] : memref<327680xi32, #tpu.memory_space<hbm>> -> memref<128xi32, #tpu.memory_space<hbm>>
        %dma_start3A_229 = tpu.memref_slice %arg3[%mul3A_184] : memref<327680xi32, #tpu.memory_space<hbm>> -> memref<128xi32, #tpu.memory_space<hbm>>
        tpu.enqueue_dma source(%dma_start3A_229 : memref<128xi32, #tpu.memory_space<hbm>>) target(%arg9 : memref<128xi32, #tpu.memory_space<vmem>>) target_semaphore(%run_scoped3A : memref<!tpu.dma_semaphore, #tpu.memory_space<semaphore_mem>>)
        %dma_wait3A_230 = tpu.memref_slice %arg3[%mul3A_184] : memref<327680xi32, #tpu.memory_space<hbm>> -> memref<128xi32, #tpu.memory_space<hbm>>
        %dma_wait3A_231 = tpu.memref_slice %arg3[%mul3A_184] : memref<327680xi32, #tpu.memory_space<hbm>> -> memref<128xi32, #tpu.memory_space<hbm>>
        tpu.wait_dma2 semaphore(%run_scoped3A : memref<!tpu.dma_semaphore, #tpu.memory_space<semaphore_mem>>) src(%dma_wait3A_231 : memref<128xi32, #tpu.memory_space<hbm>>) dst(%arg9 : memref<128xi32, #tpu.memory_space<vmem>>)
        tpu.yield
      }) : () -> ()
      "tpu.region"() ({
        %run_scoped3A = tpu.sem_alloc : memref<!tpu.dma_semaphore, #tpu.memory_space<semaphore_mem>>
        %dma_start3A_228 = tpu.memref_slice %arg4[%mul3A_184] : memref<327680xi32, #tpu.memory_space<hbm>> -> memref<128xi32, #tpu.memory_space<hbm>>
        %dma_start3A_229 = tpu.memref_slice %arg4[%mul3A_184] : memref<327680xi32, #tpu.memory_space<hbm>> -> memref<128xi32, #tpu.memory_space<hbm>>
        tpu.enqueue_dma source(%dma_start3A_229 : memref<128xi32, #tpu.memory_space<hbm>>) target(%arg13 : memref<128xi32, #tpu.memory_space<vmem>>) target_semaphore(%run_scoped3A : memref<!tpu.dma_semaphore, #tpu.memory_space<semaphore_mem>>)
        %dma_wait3A_230 = tpu.memref_slice %arg4[%mul3A_184] : memref<327680xi32, #tpu.memory_space<hbm>> -> memref<128xi32, #tpu.memory_space<hbm>>
        %dma_wait3A_231 = tpu.memref_slice %arg4[%mul3A_184] : memref<327680xi32, #tpu.memory_space<hbm>> -> memref<128xi32, #tpu.memory_space<hbm>>
        tpu.wait_dma2 semaphore(%run_scoped3A : memref<!tpu.dma_semaphore, #tpu.memory_space<semaphore_mem>>) src(%dma_wait3A_231 : memref<128xi32, #tpu.memory_space<hbm>>) dst(%arg13 : memref<128xi32, #tpu.memory_space<vmem>>)
        tpu.yield
      }) : () -> ()
      %dma_wait3A_185 = arith.constant 0 : i32
      %dma_wait3A_186 = arith.constant 0 : i32
      %dma_wait3A_187 = tpu.memref_slice %arg2[%dma_wait3A_185, %dma_wait3A_186] : memref<320000x128xf32, #tpu.memory_space<hbm>> -> memref<320000x128xf32, #tpu.memory_space<hbm>>
      tpu.wait_indirect_dma semaphore(%arg22 : memref<!tpu.dma_semaphore, #tpu.memory_space<semaphore_mem>>) src(%dma_wait3A_187 : memref<320000x128xf32, #tpu.memory_space<hbm>>) dst(%arg17 : memref<128x128xf32, #tpu.memory_space<vmem>>)
      "tpu.region"() ({
        %run_scoped3A = tpu.sem_alloc : memref<!tpu.dma_semaphore, #tpu.memory_space<semaphore_mem>>
        %dma_start3A_228 = arith.constant 0 : i32
        %dma_start3A_229 = arith.constant 0 : i32
        %dma_start3A_230 = tpu.memref_slice %arg20[%dma_start3A_228, %dma_start3A_229] : memref<10112x128xf32, #tpu.memory_space<vmem_shared>> -> memref<10112x128xf32, #tpu.memory_space<vmem_shared>>
        tpu.enqueue_indirect_dma source(%arg17 : memref<128x128xf32, #tpu.memory_space<vmem>>) target(%dma_start3A_230 : memref<10112x128xf32, #tpu.memory_space<vmem_shared>>) offsets(%arg11 : memref<128xi32, #tpu.memory_space<vmem>>) semaphore(%run_scoped3A : memref<!tpu.dma_semaphore, #tpu.memory_space<semaphore_mem>>) {add = true}
        %dma_wait3A_231 = arith.constant 0 : i32
        %dma_wait3A_232 = arith.constant 0 : i32
        %dma_wait3A_233 = tpu.memref_slice %arg20[%dma_wait3A_231, %dma_wait3A_232] : memref<10112x128xf32, #tpu.memory_space<vmem_shared>> -> memref<10112x128xf32, #tpu.memory_space<vmem_shared>>
        tpu.wait_indirect_dma semaphore(%run_scoped3A : memref<!tpu.dma_semaphore, #tpu.memory_space<semaphore_mem>>) src(%arg17 : memref<128x128xf32, #tpu.memory_space<vmem>>) dst(%dma_wait3A_233 : memref<10112x128xf32, #tpu.memory_space<vmem_shared>>)
        tpu.yield
      }) : () -> ()
      "tpu.region"() ({
        %run_scoped3A = tpu.sem_alloc : memref<!tpu.dma_semaphore, #tpu.memory_space<semaphore_mem>>
        %dma_start3A_228 = arith.constant 0 : i32
        %dma_start3A_229 = tpu.memref_slice %arg21[%dma_start3A_228] : memref<10112xf32, #tpu.memory_space<vmem_shared>> -> memref<10112xf32, #tpu.memory_space<vmem_shared>>
        tpu.enqueue_indirect_dma source(%arg18 : memref<128xf32, #tpu.memory_space<vmem>>) target(%dma_start3A_229 : memref<10112xf32, #tpu.memory_space<vmem_shared>>) offsets(%arg11 : memref<128xi32, #tpu.memory_space<vmem>>) semaphore(%run_scoped3A : memref<!tpu.dma_semaphore, #tpu.memory_space<semaphore_mem>>) {add = true}
        %dma_wait3A_230 = arith.constant 0 : i32
        %dma_wait3A_231 = tpu.memref_slice %arg21[%dma_wait3A_230] : memref<10112xf32, #tpu.memory_space<vmem_shared>> -> memref<10112xf32, #tpu.memory_space<vmem_shared>>
        tpu.wait_indirect_dma semaphore(%run_scoped3A : memref<!tpu.dma_semaphore, #tpu.memory_space<semaphore_mem>>) src(%arg18 : memref<128xf32, #tpu.memory_space<vmem>>) dst(%dma_wait3A_231 : memref<10112xf32, #tpu.memory_space<vmem_shared>>)
        tpu.yield
      }) : () -> ()
      %dma_start3A_188 = arith.constant 0 : i32
      %dma_start3A_189 = arith.constant 0 : i32
      %dma_start3A_190 = tpu.memref_slice %arg2[%dma_start3A_188, %dma_start3A_189] : memref<320000x128xf32, #tpu.memory_space<hbm>> -> memref<320000x128xf32, #tpu.memory_space<hbm>>
      tpu.enqueue_indirect_dma source(%dma_start3A_190 : memref<320000x128xf32, #tpu.memory_space<hbm>>) target(%arg17 : memref<128x128xf32, #tpu.memory_space<vmem>>) offsets(%arg13 : memref<128xi32, #tpu.memory_space<vmem>>) semaphore(%arg22 : memref<!tpu.dma_semaphore, #tpu.memory_space<semaphore_mem>>)
      %add3A_191 = arith.constant 4 : i32
      %add3A_192 = arith.addi %mul3A_114, %add3A_191 : i32
      %add3A_193 = arith.constant 2 : i32
      %add3A_194 = arith.addi %add3A_192, %add3A_193 : i32
      %mul3A_195 = arith.constant 32 : i32
      %mul3A_196 = arith.muli %mul3A_195, %add3A_194 : i32
      %add3A_197 = arith.addi %add3A, %mul3A_196 : i32
      %mul3A_198 = arith.constant 128 : i32
      %mul3A_199 = arith.muli %add3A_197, %mul3A_198 : i32
      "tpu.region"() ({
        %run_scoped3A = tpu.sem_alloc : memref<!tpu.dma_semaphore, #tpu.memory_space<semaphore_mem>>
        %dma_start3A_228 = tpu.memref_slice %arg3[%mul3A_199] : memref<327680xi32, #tpu.memory_space<hbm>> -> memref<128xi32, #tpu.memory_space<hbm>>
        %dma_start3A_229 = tpu.memref_slice %arg3[%mul3A_199] : memref<327680xi32, #tpu.memory_space<hbm>> -> memref<128xi32, #tpu.memory_space<hbm>>
        tpu.enqueue_dma source(%dma_start3A_229 : memref<128xi32, #tpu.memory_space<hbm>>) target(%arg10 : memref<128xi32, #tpu.memory_space<vmem>>) target_semaphore(%run_scoped3A : memref<!tpu.dma_semaphore, #tpu.memory_space<semaphore_mem>>)
        %dma_wait3A_230 = tpu.memref_slice %arg3[%mul3A_199] : memref<327680xi32, #tpu.memory_space<hbm>> -> memref<128xi32, #tpu.memory_space<hbm>>
        %dma_wait3A_231 = tpu.memref_slice %arg3[%mul3A_199] : memref<327680xi32, #tpu.memory_space<hbm>> -> memref<128xi32, #tpu.memory_space<hbm>>
        tpu.wait_dma2 semaphore(%run_scoped3A : memref<!tpu.dma_semaphore, #tpu.memory_space<semaphore_mem>>) src(%dma_wait3A_231 : memref<128xi32, #tpu.memory_space<hbm>>) dst(%arg10 : memref<128xi32, #tpu.memory_space<vmem>>)
        tpu.yield
      }) : () -> ()
      "tpu.region"() ({
        %run_scoped3A = tpu.sem_alloc : memref<!tpu.dma_semaphore, #tpu.memory_space<semaphore_mem>>
        %dma_start3A_228 = tpu.memref_slice %arg4[%mul3A_199] : memref<327680xi32, #tpu.memory_space<hbm>> -> memref<128xi32, #tpu.memory_space<hbm>>
        %dma_start3A_229 = tpu.memref_slice %arg4[%mul3A_199] : memref<327680xi32, #tpu.memory_space<hbm>> -> memref<128xi32, #tpu.memory_space<hbm>>
        tpu.enqueue_dma source(%dma_start3A_229 : memref<128xi32, #tpu.memory_space<hbm>>) target(%arg14 : memref<128xi32, #tpu.memory_space<vmem>>) target_semaphore(%run_scoped3A : memref<!tpu.dma_semaphore, #tpu.memory_space<semaphore_mem>>)
        %dma_wait3A_230 = tpu.memref_slice %arg4[%mul3A_199] : memref<327680xi32, #tpu.memory_space<hbm>> -> memref<128xi32, #tpu.memory_space<hbm>>
        %dma_wait3A_231 = tpu.memref_slice %arg4[%mul3A_199] : memref<327680xi32, #tpu.memory_space<hbm>> -> memref<128xi32, #tpu.memory_space<hbm>>
        tpu.wait_dma2 semaphore(%run_scoped3A : memref<!tpu.dma_semaphore, #tpu.memory_space<semaphore_mem>>) src(%dma_wait3A_231 : memref<128xi32, #tpu.memory_space<hbm>>) dst(%arg14 : memref<128xi32, #tpu.memory_space<vmem>>)
        tpu.yield
      }) : () -> ()
      %dma_wait3A_200 = arith.constant 0 : i32
      %dma_wait3A_201 = arith.constant 0 : i32
      %dma_wait3A_202 = tpu.memref_slice %arg2[%dma_wait3A_200, %dma_wait3A_201] : memref<320000x128xf32, #tpu.memory_space<hbm>> -> memref<320000x128xf32, #tpu.memory_space<hbm>>
      tpu.wait_indirect_dma semaphore(%arg22 : memref<!tpu.dma_semaphore, #tpu.memory_space<semaphore_mem>>) src(%dma_wait3A_202 : memref<320000x128xf32, #tpu.memory_space<hbm>>) dst(%arg16 : memref<128x128xf32, #tpu.memory_space<vmem>>)
      "tpu.region"() ({
        %run_scoped3A = tpu.sem_alloc : memref<!tpu.dma_semaphore, #tpu.memory_space<semaphore_mem>>
        %dma_start3A_228 = arith.constant 0 : i32
        %dma_start3A_229 = arith.constant 0 : i32
        %dma_start3A_230 = tpu.memref_slice %arg20[%dma_start3A_228, %dma_start3A_229] : memref<10112x128xf32, #tpu.memory_space<vmem_shared>> -> memref<10112x128xf32, #tpu.memory_space<vmem_shared>>
        tpu.enqueue_indirect_dma source(%arg16 : memref<128x128xf32, #tpu.memory_space<vmem>>) target(%dma_start3A_230 : memref<10112x128xf32, #tpu.memory_space<vmem_shared>>) offsets(%arg8 : memref<128xi32, #tpu.memory_space<vmem>>) semaphore(%run_scoped3A : memref<!tpu.dma_semaphore, #tpu.memory_space<semaphore_mem>>) {add = true}
        %dma_wait3A_231 = arith.constant 0 : i32
        %dma_wait3A_232 = arith.constant 0 : i32
        %dma_wait3A_233 = tpu.memref_slice %arg20[%dma_wait3A_231, %dma_wait3A_232] : memref<10112x128xf32, #tpu.memory_space<vmem_shared>> -> memref<10112x128xf32, #tpu.memory_space<vmem_shared>>
        tpu.wait_indirect_dma semaphore(%run_scoped3A : memref<!tpu.dma_semaphore, #tpu.memory_space<semaphore_mem>>) src(%arg16 : memref<128x128xf32, #tpu.memory_space<vmem>>) dst(%dma_wait3A_233 : memref<10112x128xf32, #tpu.memory_space<vmem_shared>>)
        tpu.yield
      }) : () -> ()
      "tpu.region"() ({
        %run_scoped3A = tpu.sem_alloc : memref<!tpu.dma_semaphore, #tpu.memory_space<semaphore_mem>>
        %dma_start3A_228 = arith.constant 0 : i32
        %dma_start3A_229 = tpu.memref_slice %arg21[%dma_start3A_228] : memref<10112xf32, #tpu.memory_space<vmem_shared>> -> memref<10112xf32, #tpu.memory_space<vmem_shared>>
        tpu.enqueue_indirect_dma source(%arg18 : memref<128xf32, #tpu.memory_space<vmem>>) target(%dma_start3A_229 : memref<10112xf32, #tpu.memory_space<vmem_shared>>) offsets(%arg8 : memref<128xi32, #tpu.memory_space<vmem>>) semaphore(%run_scoped3A : memref<!tpu.dma_semaphore, #tpu.memory_space<semaphore_mem>>) {add = true}
        %dma_wait3A_230 = arith.constant 0 : i32
        %dma_wait3A_231 = tpu.memref_slice %arg21[%dma_wait3A_230] : memref<10112xf32, #tpu.memory_space<vmem_shared>> -> memref<10112xf32, #tpu.memory_space<vmem_shared>>
        tpu.wait_indirect_dma semaphore(%run_scoped3A : memref<!tpu.dma_semaphore, #tpu.memory_space<semaphore_mem>>) src(%arg18 : memref<128xf32, #tpu.memory_space<vmem>>) dst(%dma_wait3A_231 : memref<10112xf32, #tpu.memory_space<vmem_shared>>)
        tpu.yield
      }) : () -> ()
      %dma_start3A_203 = arith.constant 0 : i32
      %dma_start3A_204 = arith.constant 0 : i32
      %dma_start3A_205 = tpu.memref_slice %arg2[%dma_start3A_203, %dma_start3A_204] : memref<320000x128xf32, #tpu.memory_space<hbm>> -> memref<320000x128xf32, #tpu.memory_space<hbm>>
      tpu.enqueue_indirect_dma source(%dma_start3A_205 : memref<320000x128xf32, #tpu.memory_space<hbm>>) target(%arg16 : memref<128x128xf32, #tpu.memory_space<vmem>>) offsets(%arg14 : memref<128xi32, #tpu.memory_space<vmem>>) semaphore(%arg22 : memref<!tpu.dma_semaphore, #tpu.memory_space<semaphore_mem>>)
      %add3A_206 = arith.constant 5 : i32
      %add3A_207 = arith.addi %mul3A_114, %add3A_206 : i32
      %add3A_208 = arith.constant 2 : i32
      %add3A_209 = arith.addi %add3A_207, %add3A_208 : i32
      %mul3A_210 = arith.constant 32 : i32
      %mul3A_211 = arith.muli %mul3A_210, %add3A_209 : i32
      %add3A_212 = arith.addi %add3A, %mul3A_211 : i32
      %mul3A_213 = arith.constant 128 : i32
      %mul3A_214 = arith.muli %add3A_212, %mul3A_213 : i32
      "tpu.region"() ({
        %run_scoped3A = tpu.sem_alloc : memref<!tpu.dma_semaphore, #tpu.memory_space<semaphore_mem>>
        %dma_start3A_228 = tpu.memref_slice %arg3[%mul3A_214] : memref<327680xi32, #tpu.memory_space<hbm>> -> memref<128xi32, #tpu.memory_space<hbm>>
        %dma_start3A_229 = tpu.memref_slice %arg3[%mul3A_214] : memref<327680xi32, #tpu.memory_space<hbm>> -> memref<128xi32, #tpu.memory_space<hbm>>
        tpu.enqueue_dma source(%dma_start3A_229 : memref<128xi32, #tpu.memory_space<hbm>>) target(%arg11 : memref<128xi32, #tpu.memory_space<vmem>>) target_semaphore(%run_scoped3A : memref<!tpu.dma_semaphore, #tpu.memory_space<semaphore_mem>>)
        %dma_wait3A_230 = tpu.memref_slice %arg3[%mul3A_214] : memref<327680xi32, #tpu.memory_space<hbm>> -> memref<128xi32, #tpu.memory_space<hbm>>
        %dma_wait3A_231 = tpu.memref_slice %arg3[%mul3A_214] : memref<327680xi32, #tpu.memory_space<hbm>> -> memref<128xi32, #tpu.memory_space<hbm>>
        tpu.wait_dma2 semaphore(%run_scoped3A : memref<!tpu.dma_semaphore, #tpu.memory_space<semaphore_mem>>) src(%dma_wait3A_231 : memref<128xi32, #tpu.memory_space<hbm>>) dst(%arg11 : memref<128xi32, #tpu.memory_space<vmem>>)
        tpu.yield
      }) : () -> ()
      "tpu.region"() ({
        %run_scoped3A = tpu.sem_alloc : memref<!tpu.dma_semaphore, #tpu.memory_space<semaphore_mem>>
        %dma_start3A_228 = tpu.memref_slice %arg4[%mul3A_214] : memref<327680xi32, #tpu.memory_space<hbm>> -> memref<128xi32, #tpu.memory_space<hbm>>
        %dma_start3A_229 = tpu.memref_slice %arg4[%mul3A_214] : memref<327680xi32, #tpu.memory_space<hbm>> -> memref<128xi32, #tpu.memory_space<hbm>>
        tpu.enqueue_dma source(%dma_start3A_229 : memref<128xi32, #tpu.memory_space<hbm>>) target(%arg15 : memref<128xi32, #tpu.memory_space<vmem>>) target_semaphore(%run_scoped3A : memref<!tpu.dma_semaphore, #tpu.memory_space<semaphore_mem>>)
        %dma_wait3A_230 = tpu.memref_slice %arg4[%mul3A_214] : memref<327680xi32, #tpu.memory_space<hbm>> -> memref<128xi32, #tpu.memory_space<hbm>>
        %dma_wait3A_231 = tpu.memref_slice %arg4[%mul3A_214] : memref<327680xi32, #tpu.memory_space<hbm>> -> memref<128xi32, #tpu.memory_space<hbm>>
        tpu.wait_dma2 semaphore(%run_scoped3A : memref<!tpu.dma_semaphore, #tpu.memory_space<semaphore_mem>>) src(%dma_wait3A_231 : memref<128xi32, #tpu.memory_space<hbm>>) dst(%arg15 : memref<128xi32, #tpu.memory_space<vmem>>)
        tpu.yield
      }) : () -> ()
      %dma_wait3A_215 = arith.constant 0 : i32
      %dma_wait3A_216 = arith.constant 0 : i32
      %dma_wait3A_217 = tpu.memref_slice %arg2[%dma_wait3A_215, %dma_wait3A_216] : memref<320000x128xf32, #tpu.memory_space<hbm>> -> memref<320000x128xf32, #tpu.memory_space<hbm>>
      tpu.wait_indirect_dma semaphore(%arg22 : memref<!tpu.dma_semaphore, #tpu.memory_space<semaphore_mem>>) src(%dma_wait3A_217 : memref<320000x128xf32, #tpu.memory_space<hbm>>) dst(%arg17 : memref<128x128xf32, #tpu.memory_space<vmem>>)
      "tpu.region"() ({
        %run_scoped3A = tpu.sem_alloc : memref<!tpu.dma_semaphore, #tpu.memory_space<semaphore_mem>>
        %dma_start3A_228 = arith.constant 0 : i32
        %dma_start3A_229 = arith.constant 0 : i32
        %dma_start3A_230 = tpu.memref_slice %arg20[%dma_start3A_228, %dma_start3A_229] : memref<10112x128xf32, #tpu.memory_space<vmem_shared>> -> memref<10112x128xf32, #tpu.memory_space<vmem_shared>>
        tpu.enqueue_indirect_dma source(%arg17 : memref<128x128xf32, #tpu.memory_space<vmem>>) target(%dma_start3A_230 : memref<10112x128xf32, #tpu.memory_space<vmem_shared>>) offsets(%arg9 : memref<128xi32, #tpu.memory_space<vmem>>) semaphore(%run_scoped3A : memref<!tpu.dma_semaphore, #tpu.memory_space<semaphore_mem>>) {add = true}
        %dma_wait3A_231 = arith.constant 0 : i32
        %dma_wait3A_232 = arith.constant 0 : i32
        %dma_wait3A_233 = tpu.memref_slice %arg20[%dma_wait3A_231, %dma_wait3A_232] : memref<10112x128xf32, #tpu.memory_space<vmem_shared>> -> memref<10112x128xf32, #tpu.memory_space<vmem_shared>>
        tpu.wait_indirect_dma semaphore(%run_scoped3A : memref<!tpu.dma_semaphore, #tpu.memory_space<semaphore_mem>>) src(%arg17 : memref<128x128xf32, #tpu.memory_space<vmem>>) dst(%dma_wait3A_233 : memref<10112x128xf32, #tpu.memory_space<vmem_shared>>)
        tpu.yield
      }) : () -> ()
      "tpu.region"() ({
        %run_scoped3A = tpu.sem_alloc : memref<!tpu.dma_semaphore, #tpu.memory_space<semaphore_mem>>
        %dma_start3A_228 = arith.constant 0 : i32
        %dma_start3A_229 = tpu.memref_slice %arg21[%dma_start3A_228] : memref<10112xf32, #tpu.memory_space<vmem_shared>> -> memref<10112xf32, #tpu.memory_space<vmem_shared>>
        tpu.enqueue_indirect_dma source(%arg18 : memref<128xf32, #tpu.memory_space<vmem>>) target(%dma_start3A_229 : memref<10112xf32, #tpu.memory_space<vmem_shared>>) offsets(%arg9 : memref<128xi32, #tpu.memory_space<vmem>>) semaphore(%run_scoped3A : memref<!tpu.dma_semaphore, #tpu.memory_space<semaphore_mem>>) {add = true}
        %dma_wait3A_230 = arith.constant 0 : i32
        %dma_wait3A_231 = tpu.memref_slice %arg21[%dma_wait3A_230] : memref<10112xf32, #tpu.memory_space<vmem_shared>> -> memref<10112xf32, #tpu.memory_space<vmem_shared>>
        tpu.wait_indirect_dma semaphore(%run_scoped3A : memref<!tpu.dma_semaphore, #tpu.memory_space<semaphore_mem>>) src(%arg18 : memref<128xf32, #tpu.memory_space<vmem>>) dst(%dma_wait3A_231 : memref<10112xf32, #tpu.memory_space<vmem_shared>>)
        tpu.yield
      }) : () -> ()
      %dma_start3A_218 = arith.constant 0 : i32
      %dma_start3A_219 = arith.constant 0 : i32
      %dma_start3A_220 = tpu.memref_slice %arg2[%dma_start3A_218, %dma_start3A_219] : memref<320000x128xf32, #tpu.memory_space<hbm>> -> memref<320000x128xf32, #tpu.memory_space<hbm>>
      tpu.enqueue_indirect_dma source(%dma_start3A_220 : memref<320000x128xf32, #tpu.memory_space<hbm>>) target(%arg17 : memref<128x128xf32, #tpu.memory_space<vmem>>) offsets(%arg15 : memref<128xi32, #tpu.memory_space<vmem>>) semaphore(%arg22 : memref<!tpu.dma_semaphore, #tpu.memory_space<semaphore_mem>>)
      %dma_wait3A_221 = arith.constant 0 : i32
      %dma_wait3A_222 = arith.constant 0 : i32
      %dma_wait3A_223 = tpu.memref_slice %arg2[%dma_wait3A_221, %dma_wait3A_222] : memref<320000x128xf32, #tpu.memory_space<hbm>> -> memref<320000x128xf32, #tpu.memory_space<hbm>>
      tpu.wait_indirect_dma semaphore(%arg22 : memref<!tpu.dma_semaphore, #tpu.memory_space<semaphore_mem>>) src(%dma_wait3A_223 : memref<320000x128xf32, #tpu.memory_space<hbm>>) dst(%arg16 : memref<128x128xf32, #tpu.memory_space<vmem>>)
      "tpu.region"() ({
        %run_scoped3A = tpu.sem_alloc : memref<!tpu.dma_semaphore, #tpu.memory_space<semaphore_mem>>
        %dma_start3A_228 = arith.constant 0 : i32
        %dma_start3A_229 = arith.constant 0 : i32
        %dma_start3A_230 = tpu.memref_slice %arg20[%dma_start3A_228, %dma_start3A_229] : memref<10112x128xf32, #tpu.memory_space<vmem_shared>> -> memref<10112x128xf32, #tpu.memory_space<vmem_shared>>
        tpu.enqueue_indirect_dma source(%arg16 : memref<128x128xf32, #tpu.memory_space<vmem>>) target(%dma_start3A_230 : memref<10112x128xf32, #tpu.memory_space<vmem_shared>>) offsets(%arg10 : memref<128xi32, #tpu.memory_space<vmem>>) semaphore(%run_scoped3A : memref<!tpu.dma_semaphore, #tpu.memory_space<semaphore_mem>>) {add = true}
        %dma_wait3A_231 = arith.constant 0 : i32
        %dma_wait3A_232 = arith.constant 0 : i32
        %dma_wait3A_233 = tpu.memref_slice %arg20[%dma_wait3A_231, %dma_wait3A_232] : memref<10112x128xf32, #tpu.memory_space<vmem_shared>> -> memref<10112x128xf32, #tpu.memory_space<vmem_shared>>
        tpu.wait_indirect_dma semaphore(%run_scoped3A : memref<!tpu.dma_semaphore, #tpu.memory_space<semaphore_mem>>) src(%arg16 : memref<128x128xf32, #tpu.memory_space<vmem>>) dst(%dma_wait3A_233 : memref<10112x128xf32, #tpu.memory_space<vmem_shared>>)
        tpu.yield
      }) : () -> ()
      "tpu.region"() ({
        %run_scoped3A = tpu.sem_alloc : memref<!tpu.dma_semaphore, #tpu.memory_space<semaphore_mem>>
        %dma_start3A_228 = arith.constant 0 : i32
        %dma_start3A_229 = tpu.memref_slice %arg21[%dma_start3A_228] : memref<10112xf32, #tpu.memory_space<vmem_shared>> -> memref<10112xf32, #tpu.memory_space<vmem_shared>>
        tpu.enqueue_indirect_dma source(%arg18 : memref<128xf32, #tpu.memory_space<vmem>>) target(%dma_start3A_229 : memref<10112xf32, #tpu.memory_space<vmem_shared>>) offsets(%arg10 : memref<128xi32, #tpu.memory_space<vmem>>) semaphore(%run_scoped3A : memref<!tpu.dma_semaphore, #tpu.memory_space<semaphore_mem>>) {add = true}
        %dma_wait3A_230 = arith.constant 0 : i32
        %dma_wait3A_231 = tpu.memref_slice %arg21[%dma_wait3A_230] : memref<10112xf32, #tpu.memory_space<vmem_shared>> -> memref<10112xf32, #tpu.memory_space<vmem_shared>>
        tpu.wait_indirect_dma semaphore(%run_scoped3A : memref<!tpu.dma_semaphore, #tpu.memory_space<semaphore_mem>>) src(%arg18 : memref<128xf32, #tpu.memory_space<vmem>>) dst(%dma_wait3A_231 : memref<10112xf32, #tpu.memory_space<vmem_shared>>)
        tpu.yield
      }) : () -> ()
      %dma_wait3A_224 = arith.constant 0 : i32
      %dma_wait3A_225 = arith.constant 0 : i32
      %dma_wait3A_226 = tpu.memref_slice %arg2[%dma_wait3A_224, %dma_wait3A_225] : memref<320000x128xf32, #tpu.memory_space<hbm>> -> memref<320000x128xf32, #tpu.memory_space<hbm>>
      tpu.wait_indirect_dma semaphore(%arg22 : memref<!tpu.dma_semaphore, #tpu.memory_space<semaphore_mem>>) src(%dma_wait3A_226 : memref<320000x128xf32, #tpu.memory_space<hbm>>) dst(%arg17 : memref<128x128xf32, #tpu.memory_space<vmem>>)
      "tpu.region"() ({
        %run_scoped3A = tpu.sem_alloc : memref<!tpu.dma_semaphore, #tpu.memory_space<semaphore_mem>>
        %dma_start3A_228 = arith.constant 0 : i32
        %dma_start3A_229 = arith.constant 0 : i32
        %dma_start3A_230 = tpu.memref_slice %arg20[%dma_start3A_228, %dma_start3A_229] : memref<10112x128xf32, #tpu.memory_space<vmem_shared>> -> memref<10112x128xf32, #tpu.memory_space<vmem_shared>>
        tpu.enqueue_indirect_dma source(%arg17 : memref<128x128xf32, #tpu.memory_space<vmem>>) target(%dma_start3A_230 : memref<10112x128xf32, #tpu.memory_space<vmem_shared>>) offsets(%arg11 : memref<128xi32, #tpu.memory_space<vmem>>) semaphore(%run_scoped3A : memref<!tpu.dma_semaphore, #tpu.memory_space<semaphore_mem>>) {add = true}
        %dma_wait3A_231 = arith.constant 0 : i32
        %dma_wait3A_232 = arith.constant 0 : i32
        %dma_wait3A_233 = tpu.memref_slice %arg20[%dma_wait3A_231, %dma_wait3A_232] : memref<10112x128xf32, #tpu.memory_space<vmem_shared>> -> memref<10112x128xf32, #tpu.memory_space<vmem_shared>>
        tpu.wait_indirect_dma semaphore(%run_scoped3A : memref<!tpu.dma_semaphore, #tpu.memory_space<semaphore_mem>>) src(%arg17 : memref<128x128xf32, #tpu.memory_space<vmem>>) dst(%dma_wait3A_233 : memref<10112x128xf32, #tpu.memory_space<vmem_shared>>)
        tpu.yield
      }) : () -> ()
      "tpu.region"() ({
        %run_scoped3A = tpu.sem_alloc : memref<!tpu.dma_semaphore, #tpu.memory_space<semaphore_mem>>
        %dma_start3A_228 = arith.constant 0 : i32
        %dma_start3A_229 = tpu.memref_slice %arg21[%dma_start3A_228] : memref<10112xf32, #tpu.memory_space<vmem_shared>> -> memref<10112xf32, #tpu.memory_space<vmem_shared>>
        tpu.enqueue_indirect_dma source(%arg18 : memref<128xf32, #tpu.memory_space<vmem>>) target(%dma_start3A_229 : memref<10112xf32, #tpu.memory_space<vmem_shared>>) offsets(%arg11 : memref<128xi32, #tpu.memory_space<vmem>>) semaphore(%run_scoped3A : memref<!tpu.dma_semaphore, #tpu.memory_space<semaphore_mem>>) {add = true}
        %dma_wait3A_230 = arith.constant 0 : i32
        %dma_wait3A_231 = tpu.memref_slice %arg21[%dma_wait3A_230] : memref<10112xf32, #tpu.memory_space<vmem_shared>> -> memref<10112xf32, #tpu.memory_space<vmem_shared>>
        tpu.wait_indirect_dma semaphore(%run_scoped3A : memref<!tpu.dma_semaphore, #tpu.memory_space<semaphore_mem>>) src(%arg18 : memref<128xf32, #tpu.memory_space<vmem>>) dst(%dma_wait3A_231 : memref<10112xf32, #tpu.memory_space<vmem_shared>>)
        tpu.yield
      }) : () -> ()
      %scan3A_227 = arith.constant 0 : i32
      scf.yield %scan3A_227 : i32
    }
    %scan3A_52 = arith.constant 10 : i32
    %barrier3A_53 = arith.constant 0 : index
    tpu.barrier barrier_id(%barrier3A_53)
    %add3A_54 = arith.constant 0 : i32
    %add3A_55 = arith.addi %mul3A_25, %add3A_54 : i32
    "tpu.region"() ({
      %run_scoped3A = tpu.sem_alloc : memref<!tpu.dma_semaphore, #tpu.memory_space<semaphore_mem>>
      %dma_start3A = arith.constant 0 : i32
      %dma_start3A_111 = arith.constant 0 : i32
      %dma_start3A_112 = tpu.memref_slice %arg16[%dma_start3A, %dma_start3A_111] : memref<128x128xf32, #tpu.memory_space<vmem>> -> memref<128x128xf32, #tpu.memory_space<vmem>>
      %dma_start3A_113 = arith.constant 0 : i32
      %dma_start3A_114 = tpu.memref_slice %arg20[%add3A_55, %dma_start3A_113] : memref<10112x128xf32, #tpu.memory_space<vmem_shared>> -> memref<128x128xf32, #tpu.memory_space<vmem_shared>>
      %dma_start3A_115 = arith.constant 0 : i32
      %dma_start3A_116 = arith.constant 0 : i32
      %dma_start3A_117 = tpu.memref_slice %arg16[%dma_start3A_115, %dma_start3A_116] : memref<128x128xf32, #tpu.memory_space<vmem>> -> memref<128x128xf32, #tpu.memory_space<vmem>>
      %dma_start3A_118 = arith.constant 0 : i32
      %dma_start3A_119 = tpu.memref_slice %arg20[%add3A_55, %dma_start3A_118] : memref<10112x128xf32, #tpu.memory_space<vmem_shared>> -> memref<128x128xf32, #tpu.memory_space<vmem_shared>>
      tpu.enqueue_dma source(%dma_start3A_119 : memref<128x128xf32, #tpu.memory_space<vmem_shared>>) target(%dma_start3A_117 : memref<128x128xf32, #tpu.memory_space<vmem>>) target_semaphore(%run_scoped3A : memref<!tpu.dma_semaphore, #tpu.memory_space<semaphore_mem>>)
      %dma_wait3A = arith.constant 0 : i32
      %dma_wait3A_120 = arith.constant 0 : i32
      %dma_wait3A_121 = tpu.memref_slice %arg16[%dma_wait3A, %dma_wait3A_120] : memref<128x128xf32, #tpu.memory_space<vmem>> -> memref<128x128xf32, #tpu.memory_space<vmem>>
      %dma_wait3A_122 = arith.constant 0 : i32
      %dma_wait3A_123 = tpu.memref_slice %arg20[%add3A_55, %dma_wait3A_122] : memref<10112x128xf32, #tpu.memory_space<vmem_shared>> -> memref<128x128xf32, #tpu.memory_space<vmem_shared>>
      %dma_wait3A_124 = arith.constant 0 : i32
      %dma_wait3A_125 = arith.constant 0 : i32
      %dma_wait3A_126 = tpu.memref_slice %arg16[%dma_wait3A_124, %dma_wait3A_125] : memref<128x128xf32, #tpu.memory_space<vmem>> -> memref<128x128xf32, #tpu.memory_space<vmem>>
      %dma_wait3A_127 = arith.constant 0 : i32
      %dma_wait3A_128 = tpu.memref_slice %arg20[%add3A_55, %dma_wait3A_127] : memref<10112x128xf32, #tpu.memory_space<vmem_shared>> -> memref<128x128xf32, #tpu.memory_space<vmem_shared>>
      tpu.wait_dma2 semaphore(%run_scoped3A : memref<!tpu.dma_semaphore, #tpu.memory_space<semaphore_mem>>) src(%dma_wait3A_128 : memref<128x128xf32, #tpu.memory_space<vmem_shared>>) dst(%dma_wait3A_126 : memref<128x128xf32, #tpu.memory_space<vmem>>)
      tpu.yield
    }) : () -> ()
    "tpu.region"() ({
      %run_scoped3A = tpu.sem_alloc : memref<!tpu.dma_semaphore, #tpu.memory_space<semaphore_mem>>
      %dma_start3A = arith.constant 0 : i32
      %dma_start3A_111 = arith.constant 0 : i32
      %dma_start3A_112 = tpu.memref_slice %arg16[%dma_start3A, %dma_start3A_111] : memref<128x128xf32, #tpu.memory_space<vmem>> -> memref<128x128xf32, #tpu.memory_space<vmem>>
      %dma_start3A_113 = arith.constant 0 : i32
      %dma_start3A_114 = tpu.memref_slice %arg5[%arg0, %add3A_55, %dma_start3A_113] : memref<2x10112x128xf32, #tpu.memory_space<hbm>> -> memref<1x128x128xf32, #tpu.memory_space<hbm>>
      %dma_start3A_115 = tpu.memref_squeeze %dma_start3A_114 : memref<1x128x128xf32, #tpu.memory_space<hbm>> -> memref<128x128xf32, #tpu.memory_space<hbm>>
      %dma_start3A_116 = arith.constant 0 : i32
      %dma_start3A_117 = tpu.memref_slice %arg5[%arg0, %add3A_55, %dma_start3A_116] : memref<2x10112x128xf32, #tpu.memory_space<hbm>> -> memref<1x128x128xf32, #tpu.memory_space<hbm>>
      %dma_start3A_118 = tpu.memref_squeeze %dma_start3A_117 : memref<1x128x128xf32, #tpu.memory_space<hbm>> -> memref<128x128xf32, #tpu.memory_space<hbm>>
      %dma_start3A_119 = arith.constant 0 : i32
      %dma_start3A_120 = arith.constant 0 : i32
      %dma_start3A_121 = tpu.memref_slice %arg16[%dma_start3A_119, %dma_start3A_120] : memref<128x128xf32, #tpu.memory_space<vmem>> -> memref<128x128xf32, #tpu.memory_space<vmem>>
      tpu.enqueue_dma source(%dma_start3A_121 : memref<128x128xf32, #tpu.memory_space<vmem>>) target(%dma_start3A_118 : memref<128x128xf32, #tpu.memory_space<hbm>>) target_semaphore(%run_scoped3A : memref<!tpu.dma_semaphore, #tpu.memory_space<semaphore_mem>>)
      %dma_wait3A = arith.constant 0 : i32
      %dma_wait3A_122 = arith.constant 0 : i32
      %dma_wait3A_123 = tpu.memref_slice %arg16[%dma_wait3A, %dma_wait3A_122] : memref<128x128xf32, #tpu.memory_space<vmem>> -> memref<128x128xf32, #tpu.memory_space<vmem>>
      %dma_wait3A_124 = arith.constant 0 : i32
      %dma_wait3A_125 = tpu.memref_slice %arg5[%arg0, %add3A_55, %dma_wait3A_124] : memref<2x10112x128xf32, #tpu.memory_space<hbm>> -> memref<1x128x128xf32, #tpu.memory_space<hbm>>
      %dma_wait3A_126 = tpu.memref_squeeze %dma_wait3A_125 : memref<1x128x128xf32, #tpu.memory_space<hbm>> -> memref<128x128xf32, #tpu.memory_space<hbm>>
      %dma_wait3A_127 = arith.constant 0 : i32
      %dma_wait3A_128 = tpu.memref_slice %arg5[%arg0, %add3A_55, %dma_wait3A_127] : memref<2x10112x128xf32, #tpu.memory_space<hbm>> -> memref<1x128x128xf32, #tpu.memory_space<hbm>>
      %dma_wait3A_129 = tpu.memref_squeeze %dma_wait3A_128 : memref<1x128x128xf32, #tpu.memory_space<hbm>> -> memref<128x128xf32, #tpu.memory_space<hbm>>
      %dma_wait3A_130 = arith.constant 0 : i32
      %dma_wait3A_131 = arith.constant 0 : i32
      %dma_wait3A_132 = tpu.memref_slice %arg16[%dma_wait3A_130, %dma_wait3A_131] : memref<128x128xf32, #tpu.memory_space<vmem>> -> memref<128x128xf32, #tpu.memory_space<vmem>>
      tpu.wait_dma2 semaphore(%run_scoped3A : memref<!tpu.dma_semaphore, #tpu.memory_space<semaphore_mem>>) src(%dma_wait3A_132 : memref<128x128xf32, #tpu.memory_space<vmem>>) dst(%dma_wait3A_129 : memref<128x128xf32, #tpu.memory_space<hbm>>)
      tpu.yield
    }) : () -> ()
    "tpu.region"() ({
      %run_scoped3A = tpu.sem_alloc : memref<!tpu.dma_semaphore, #tpu.memory_space<semaphore_mem>>
      %dma_start3A = arith.constant 0 : i32
      %dma_start3A_111 = tpu.memref_slice %arg19[%dma_start3A] : memref<128xf32, #tpu.memory_space<vmem>> -> memref<128xf32, #tpu.memory_space<vmem>>
      %dma_start3A_112 = tpu.memref_slice %arg21[%add3A_55] : memref<10112xf32, #tpu.memory_space<vmem_shared>> -> memref<128xf32, #tpu.memory_space<vmem_shared>>
      %dma_start3A_113 = arith.constant 0 : i32
      %dma_start3A_114 = tpu.memref_slice %arg19[%dma_start3A_113] : memref<128xf32, #tpu.memory_space<vmem>> -> memref<128xf32, #tpu.memory_space<vmem>>
      %dma_start3A_115 = tpu.memref_slice %arg21[%add3A_55] : memref<10112xf32, #tpu.memory_space<vmem_shared>> -> memref<128xf32, #tpu.memory_space<vmem_shared>>
      tpu.enqueue_dma source(%dma_start3A_115 : memref<128xf32, #tpu.memory_space<vmem_shared>>) target(%dma_start3A_114 : memref<128xf32, #tpu.memory_space<vmem>>) target_semaphore(%run_scoped3A : memref<!tpu.dma_semaphore, #tpu.memory_space<semaphore_mem>>)
      %dma_wait3A = arith.constant 0 : i32
      %dma_wait3A_116 = tpu.memref_slice %arg19[%dma_wait3A] : memref<128xf32, #tpu.memory_space<vmem>> -> memref<128xf32, #tpu.memory_space<vmem>>
      %dma_wait3A_117 = tpu.memref_slice %arg21[%add3A_55] : memref<10112xf32, #tpu.memory_space<vmem_shared>> -> memref<128xf32, #tpu.memory_space<vmem_shared>>
      %dma_wait3A_118 = arith.constant 0 : i32
      %dma_wait3A_119 = tpu.memref_slice %arg19[%dma_wait3A_118] : memref<128xf32, #tpu.memory_space<vmem>> -> memref<128xf32, #tpu.memory_space<vmem>>
      %dma_wait3A_120 = tpu.memref_slice %arg21[%add3A_55] : memref<10112xf32, #tpu.memory_space<vmem_shared>> -> memref<128xf32, #tpu.memory_space<vmem_shared>>
      tpu.wait_dma2 semaphore(%run_scoped3A : memref<!tpu.dma_semaphore, #tpu.memory_space<semaphore_mem>>) src(%dma_wait3A_120 : memref<128xf32, #tpu.memory_space<vmem_shared>>) dst(%dma_wait3A_119 : memref<128xf32, #tpu.memory_space<vmem>>)
      tpu.yield
    }) : () -> ()
    %eq3A = arith.constant 0 : i32
    %eq3A_56 = arith.cmpi eq, %arg0, %eq3A : i32
    %convert_element_type3A = arith.extui %eq3A_56 : i1 to i32
    %cond3A = arith.constant 0 : i32
    %cond3A_57 = arith.cmpi ne, %convert_element_type3A, %cond3A : i32
    scf.if %cond3A_57 {
      "tpu.region"() ({
        %run_scoped3A = tpu.sem_alloc : memref<!tpu.dma_semaphore, #tpu.memory_space<semaphore_mem>>
        %dma_start3A = arith.constant 0 : i32
        %dma_start3A_111 = tpu.memref_slice %arg19[%dma_start3A] : memref<128xf32, #tpu.memory_space<vmem>> -> memref<128xf32, #tpu.memory_space<vmem>>
        %dma_start3A_112 = tpu.memref_slice %arg6[%add3A_55] : memref<10112xf32, #tpu.memory_space<hbm>> -> memref<128xf32, #tpu.memory_space<hbm>>
        %dma_start3A_113 = tpu.memref_slice %arg6[%add3A_55] : memref<10112xf32, #tpu.memory_space<hbm>> -> memref<128xf32, #tpu.memory_space<hbm>>
        %dma_start3A_114 = arith.constant 0 : i32
        %dma_start3A_115 = tpu.memref_slice %arg19[%dma_start3A_114] : memref<128xf32, #tpu.memory_space<vmem>> -> memref<128xf32, #tpu.memory_space<vmem>>
        tpu.enqueue_dma source(%dma_start3A_115 : memref<128xf32, #tpu.memory_space<vmem>>) target(%dma_start3A_113 : memref<128xf32, #tpu.memory_space<hbm>>) target_semaphore(%run_scoped3A : memref<!tpu.dma_semaphore, #tpu.memory_space<semaphore_mem>>)
        %dma_wait3A = arith.constant 0 : i32
        %dma_wait3A_116 = tpu.memref_slice %arg19[%dma_wait3A] : memref<128xf32, #tpu.memory_space<vmem>> -> memref<128xf32, #tpu.memory_space<vmem>>
        %dma_wait3A_117 = tpu.memref_slice %arg6[%add3A_55] : memref<10112xf32, #tpu.memory_space<hbm>> -> memref<128xf32, #tpu.memory_space<hbm>>
        %dma_wait3A_118 = tpu.memref_slice %arg6[%add3A_55] : memref<10112xf32, #tpu.memory_space<hbm>> -> memref<128xf32, #tpu.memory_space<hbm>>
        %dma_wait3A_119 = arith.constant 0 : i32
        %dma_wait3A_120 = tpu.memref_slice %arg19[%dma_wait3A_119] : memref<128xf32, #tpu.memory_space<vmem>> -> memref<128xf32, #tpu.memory_space<vmem>>
        tpu.wait_dma2 semaphore(%run_scoped3A : memref<!tpu.dma_semaphore, #tpu.memory_space<semaphore_mem>>) src(%dma_wait3A_120 : memref<128xf32, #tpu.memory_space<vmem>>) dst(%dma_wait3A_118 : memref<128xf32, #tpu.memory_space<hbm>>)
        tpu.yield
      }) : () -> ()
    } else {
    }
    %eq3A_58 = arith.constant 1 : i32
    %eq3A_59 = arith.cmpi eq, %arg0, %eq3A_58 : i32
    %convert_element_type3A_60 = arith.extui %eq3A_59 : i1 to i32
    %cond3A_61 = arith.constant 0 : i32
    %cond3A_62 = arith.cmpi ne, %convert_element_type3A_60, %cond3A_61 : i32
    scf.if %cond3A_62 {
      "tpu.region"() ({
        %run_scoped3A = tpu.sem_alloc : memref<!tpu.dma_semaphore, #tpu.memory_space<semaphore_mem>>
        %dma_start3A = arith.constant 0 : i32
        %dma_start3A_111 = tpu.memref_slice %arg19[%dma_start3A] : memref<128xf32, #tpu.memory_space<vmem>> -> memref<128xf32, #tpu.memory_space<vmem>>
        %dma_start3A_112 = tpu.memref_slice %arg7[%add3A_55] : memref<10112xf32, #tpu.memory_space<hbm>> -> memref<128xf32, #tpu.memory_space<hbm>>
        %dma_start3A_113 = tpu.memref_slice %arg7[%add3A_55] : memref<10112xf32, #tpu.memory_space<hbm>> -> memref<128xf32, #tpu.memory_space<hbm>>
        %dma_start3A_114 = arith.constant 0 : i32
        %dma_start3A_115 = tpu.memref_slice %arg19[%dma_start3A_114] : memref<128xf32, #tpu.memory_space<vmem>> -> memref<128xf32, #tpu.memory_space<vmem>>
        tpu.enqueue_dma source(%dma_start3A_115 : memref<128xf32, #tpu.memory_space<vmem>>) target(%dma_start3A_113 : memref<128xf32, #tpu.memory_space<hbm>>) target_semaphore(%run_scoped3A : memref<!tpu.dma_semaphore, #tpu.memory_space<semaphore_mem>>)
        %dma_wait3A = arith.constant 0 : i32
        %dma_wait3A_116 = tpu.memref_slice %arg19[%dma_wait3A] : memref<128xf32, #tpu.memory_space<vmem>> -> memref<128xf32, #tpu.memory_space<vmem>>
        %dma_wait3A_117 = tpu.memref_slice %arg7[%add3A_55] : memref<10112xf32, #tpu.memory_space<hbm>> -> memref<128xf32, #tpu.memory_space<hbm>>
        %dma_wait3A_118 = tpu.memref_slice %arg7[%add3A_55] : memref<10112xf32, #tpu.memory_space<hbm>> -> memref<128xf32, #tpu.memory_space<hbm>>
        %dma_wait3A_119 = arith.constant 0 : i32
        %dma_wait3A_120 = tpu.memref_slice %arg19[%dma_wait3A_119] : memref<128xf32, #tpu.memory_space<vmem>> -> memref<128xf32, #tpu.memory_space<vmem>>
        tpu.wait_dma2 semaphore(%run_scoped3A : memref<!tpu.dma_semaphore, #tpu.memory_space<semaphore_mem>>) src(%dma_wait3A_120 : memref<128xf32, #tpu.memory_space<vmem>>) dst(%dma_wait3A_118 : memref<128xf32, #tpu.memory_space<hbm>>)
        tpu.yield
      }) : () -> ()
    } else {
    }
    %add3A_63 = arith.constant 128 : i32
    %add3A_64 = arith.addi %mul3A_25, %add3A_63 : i32
    "tpu.region"() ({
      %run_scoped3A = tpu.sem_alloc : memref<!tpu.dma_semaphore, #tpu.memory_space<semaphore_mem>>
      %dma_start3A = arith.constant 0 : i32
      %dma_start3A_111 = arith.constant 0 : i32
      %dma_start3A_112 = tpu.memref_slice %arg16[%dma_start3A, %dma_start3A_111] : memref<128x128xf32, #tpu.memory_space<vmem>> -> memref<128x128xf32, #tpu.memory_space<vmem>>
      %dma_start3A_113 = arith.constant 0 : i32
      %dma_start3A_114 = tpu.memref_slice %arg20[%add3A_64, %dma_start3A_113] : memref<10112x128xf32, #tpu.memory_space<vmem_shared>> -> memref<128x128xf32, #tpu.memory_space<vmem_shared>>
      %dma_start3A_115 = arith.constant 0 : i32
      %dma_start3A_116 = arith.constant 0 : i32
      %dma_start3A_117 = tpu.memref_slice %arg16[%dma_start3A_115, %dma_start3A_116] : memref<128x128xf32, #tpu.memory_space<vmem>> -> memref<128x128xf32, #tpu.memory_space<vmem>>
      %dma_start3A_118 = arith.constant 0 : i32
      %dma_start3A_119 = tpu.memref_slice %arg20[%add3A_64, %dma_start3A_118] : memref<10112x128xf32, #tpu.memory_space<vmem_shared>> -> memref<128x128xf32, #tpu.memory_space<vmem_shared>>
      tpu.enqueue_dma source(%dma_start3A_119 : memref<128x128xf32, #tpu.memory_space<vmem_shared>>) target(%dma_start3A_117 : memref<128x128xf32, #tpu.memory_space<vmem>>) target_semaphore(%run_scoped3A : memref<!tpu.dma_semaphore, #tpu.memory_space<semaphore_mem>>)
      %dma_wait3A = arith.constant 0 : i32
      %dma_wait3A_120 = arith.constant 0 : i32
      %dma_wait3A_121 = tpu.memref_slice %arg16[%dma_wait3A, %dma_wait3A_120] : memref<128x128xf32, #tpu.memory_space<vmem>> -> memref<128x128xf32, #tpu.memory_space<vmem>>
      %dma_wait3A_122 = arith.constant 0 : i32
      %dma_wait3A_123 = tpu.memref_slice %arg20[%add3A_64, %dma_wait3A_122] : memref<10112x128xf32, #tpu.memory_space<vmem_shared>> -> memref<128x128xf32, #tpu.memory_space<vmem_shared>>
      %dma_wait3A_124 = arith.constant 0 : i32
      %dma_wait3A_125 = arith.constant 0 : i32
      %dma_wait3A_126 = tpu.memref_slice %arg16[%dma_wait3A_124, %dma_wait3A_125] : memref<128x128xf32, #tpu.memory_space<vmem>> -> memref<128x128xf32, #tpu.memory_space<vmem>>
      %dma_wait3A_127 = arith.constant 0 : i32
      %dma_wait3A_128 = tpu.memref_slice %arg20[%add3A_64, %dma_wait3A_127] : memref<10112x128xf32, #tpu.memory_space<vmem_shared>> -> memref<128x128xf32, #tpu.memory_space<vmem_shared>>
      tpu.wait_dma2 semaphore(%run_scoped3A : memref<!tpu.dma_semaphore, #tpu.memory_space<semaphore_mem>>) src(%dma_wait3A_128 : memref<128x128xf32, #tpu.memory_space<vmem_shared>>) dst(%dma_wait3A_126 : memref<128x128xf32, #tpu.memory_space<vmem>>)
      tpu.yield
    }) : () -> ()
    "tpu.region"() ({
      %run_scoped3A = tpu.sem_alloc : memref<!tpu.dma_semaphore, #tpu.memory_space<semaphore_mem>>
      %dma_start3A = arith.constant 0 : i32
      %dma_start3A_111 = arith.constant 0 : i32
      %dma_start3A_112 = tpu.memref_slice %arg16[%dma_start3A, %dma_start3A_111] : memref<128x128xf32, #tpu.memory_space<vmem>> -> memref<128x128xf32, #tpu.memory_space<vmem>>
      %dma_start3A_113 = arith.constant 0 : i32
      %dma_start3A_114 = tpu.memref_slice %arg5[%arg0, %add3A_64, %dma_start3A_113] : memref<2x10112x128xf32, #tpu.memory_space<hbm>> -> memref<1x128x128xf32, #tpu.memory_space<hbm>>
      %dma_start3A_115 = tpu.memref_squeeze %dma_start3A_114 : memref<1x128x128xf32, #tpu.memory_space<hbm>> -> memref<128x128xf32, #tpu.memory_space<hbm>>
      %dma_start3A_116 = arith.constant 0 : i32
      %dma_start3A_117 = tpu.memref_slice %arg5[%arg0, %add3A_64, %dma_start3A_116] : memref<2x10112x128xf32, #tpu.memory_space<hbm>> -> memref<1x128x128xf32, #tpu.memory_space<hbm>>
      %dma_start3A_118 = tpu.memref_squeeze %dma_start3A_117 : memref<1x128x128xf32, #tpu.memory_space<hbm>> -> memref<128x128xf32, #tpu.memory_space<hbm>>
      %dma_start3A_119 = arith.constant 0 : i32
      %dma_start3A_120 = arith.constant 0 : i32
      %dma_start3A_121 = tpu.memref_slice %arg16[%dma_start3A_119, %dma_start3A_120] : memref<128x128xf32, #tpu.memory_space<vmem>> -> memref<128x128xf32, #tpu.memory_space<vmem>>
      tpu.enqueue_dma source(%dma_start3A_121 : memref<128x128xf32, #tpu.memory_space<vmem>>) target(%dma_start3A_118 : memref<128x128xf32, #tpu.memory_space<hbm>>) target_semaphore(%run_scoped3A : memref<!tpu.dma_semaphore, #tpu.memory_space<semaphore_mem>>)
      %dma_wait3A = arith.constant 0 : i32
      %dma_wait3A_122 = arith.constant 0 : i32
      %dma_wait3A_123 = tpu.memref_slice %arg16[%dma_wait3A, %dma_wait3A_122] : memref<128x128xf32, #tpu.memory_space<vmem>> -> memref<128x128xf32, #tpu.memory_space<vmem>>
      %dma_wait3A_124 = arith.constant 0 : i32
      %dma_wait3A_125 = tpu.memref_slice %arg5[%arg0, %add3A_64, %dma_wait3A_124] : memref<2x10112x128xf32, #tpu.memory_space<hbm>> -> memref<1x128x128xf32, #tpu.memory_space<hbm>>
      %dma_wait3A_126 = tpu.memref_squeeze %dma_wait3A_125 : memref<1x128x128xf32, #tpu.memory_space<hbm>> -> memref<128x128xf32, #tpu.memory_space<hbm>>
      %dma_wait3A_127 = arith.constant 0 : i32
      %dma_wait3A_128 = tpu.memref_slice %arg5[%arg0, %add3A_64, %dma_wait3A_127] : memref<2x10112x128xf32, #tpu.memory_space<hbm>> -> memref<1x128x128xf32, #tpu.memory_space<hbm>>
      %dma_wait3A_129 = tpu.memref_squeeze %dma_wait3A_128 : memref<1x128x128xf32, #tpu.memory_space<hbm>> -> memref<128x128xf32, #tpu.memory_space<hbm>>
      %dma_wait3A_130 = arith.constant 0 : i32
      %dma_wait3A_131 = arith.constant 0 : i32
      %dma_wait3A_132 = tpu.memref_slice %arg16[%dma_wait3A_130, %dma_wait3A_131] : memref<128x128xf32, #tpu.memory_space<vmem>> -> memref<128x128xf32, #tpu.memory_space<vmem>>
      tpu.wait_dma2 semaphore(%run_scoped3A : memref<!tpu.dma_semaphore, #tpu.memory_space<semaphore_mem>>) src(%dma_wait3A_132 : memref<128x128xf32, #tpu.memory_space<vmem>>) dst(%dma_wait3A_129 : memref<128x128xf32, #tpu.memory_space<hbm>>)
      tpu.yield
    }) : () -> ()
    "tpu.region"() ({
      %run_scoped3A = tpu.sem_alloc : memref<!tpu.dma_semaphore, #tpu.memory_space<semaphore_mem>>
      %dma_start3A = arith.constant 0 : i32
      %dma_start3A_111 = tpu.memref_slice %arg19[%dma_start3A] : memref<128xf32, #tpu.memory_space<vmem>> -> memref<128xf32, #tpu.memory_space<vmem>>
      %dma_start3A_112 = tpu.memref_slice %arg21[%add3A_64] : memref<10112xf32, #tpu.memory_space<vmem_shared>> -> memref<128xf32, #tpu.memory_space<vmem_shared>>
      %dma_start3A_113 = arith.constant 0 : i32
      %dma_start3A_114 = tpu.memref_slice %arg19[%dma_start3A_113] : memref<128xf32, #tpu.memory_space<vmem>> -> memref<128xf32, #tpu.memory_space<vmem>>
      %dma_start3A_115 = tpu.memref_slice %arg21[%add3A_64] : memref<10112xf32, #tpu.memory_space<vmem_shared>> -> memref<128xf32, #tpu.memory_space<vmem_shared>>
      tpu.enqueue_dma source(%dma_start3A_115 : memref<128xf32, #tpu.memory_space<vmem_shared>>) target(%dma_start3A_114 : memref<128xf32, #tpu.memory_space<vmem>>) target_semaphore(%run_scoped3A : memref<!tpu.dma_semaphore, #tpu.memory_space<semaphore_mem>>)
      %dma_wait3A = arith.constant 0 : i32
      %dma_wait3A_116 = tpu.memref_slice %arg19[%dma_wait3A] : memref<128xf32, #tpu.memory_space<vmem>> -> memref<128xf32, #tpu.memory_space<vmem>>
      %dma_wait3A_117 = tpu.memref_slice %arg21[%add3A_64] : memref<10112xf32, #tpu.memory_space<vmem_shared>> -> memref<128xf32, #tpu.memory_space<vmem_shared>>
      %dma_wait3A_118 = arith.constant 0 : i32
      %dma_wait3A_119 = tpu.memref_slice %arg19[%dma_wait3A_118] : memref<128xf32, #tpu.memory_space<vmem>> -> memref<128xf32, #tpu.memory_space<vmem>>
      %dma_wait3A_120 = tpu.memref_slice %arg21[%add3A_64] : memref<10112xf32, #tpu.memory_space<vmem_shared>> -> memref<128xf32, #tpu.memory_space<vmem_shared>>
      tpu.wait_dma2 semaphore(%run_scoped3A : memref<!tpu.dma_semaphore, #tpu.memory_space<semaphore_mem>>) src(%dma_wait3A_120 : memref<128xf32, #tpu.memory_space<vmem_shared>>) dst(%dma_wait3A_119 : memref<128xf32, #tpu.memory_space<vmem>>)
      tpu.yield
    }) : () -> ()
    %eq3A_65 = arith.constant 0 : i32
    %eq3A_66 = arith.cmpi eq, %arg0, %eq3A_65 : i32
    %convert_element_type3A_67 = arith.extui %eq3A_66 : i1 to i32
    %cond3A_68 = arith.constant 0 : i32
    %cond3A_69 = arith.cmpi ne, %convert_element_type3A_67, %cond3A_68 : i32
    scf.if %cond3A_69 {
      "tpu.region"() ({
        %run_scoped3A = tpu.sem_alloc : memref<!tpu.dma_semaphore, #tpu.memory_space<semaphore_mem>>
        %dma_start3A = arith.constant 0 : i32
        %dma_start3A_111 = tpu.memref_slice %arg19[%dma_start3A] : memref<128xf32, #tpu.memory_space<vmem>> -> memref<128xf32, #tpu.memory_space<vmem>>
        %dma_start3A_112 = tpu.memref_slice %arg6[%add3A_64] : memref<10112xf32, #tpu.memory_space<hbm>> -> memref<128xf32, #tpu.memory_space<hbm>>
        %dma_start3A_113 = tpu.memref_slice %arg6[%add3A_64] : memref<10112xf32, #tpu.memory_space<hbm>> -> memref<128xf32, #tpu.memory_space<hbm>>
        %dma_start3A_114 = arith.constant 0 : i32
        %dma_start3A_115 = tpu.memref_slice %arg19[%dma_start3A_114] : memref<128xf32, #tpu.memory_space<vmem>> -> memref<128xf32, #tpu.memory_space<vmem>>
        tpu.enqueue_dma source(%dma_start3A_115 : memref<128xf32, #tpu.memory_space<vmem>>) target(%dma_start3A_113 : memref<128xf32, #tpu.memory_space<hbm>>) target_semaphore(%run_scoped3A : memref<!tpu.dma_semaphore, #tpu.memory_space<semaphore_mem>>)
        %dma_wait3A = arith.constant 0 : i32
        %dma_wait3A_116 = tpu.memref_slice %arg19[%dma_wait3A] : memref<128xf32, #tpu.memory_space<vmem>> -> memref<128xf32, #tpu.memory_space<vmem>>
        %dma_wait3A_117 = tpu.memref_slice %arg6[%add3A_64] : memref<10112xf32, #tpu.memory_space<hbm>> -> memref<128xf32, #tpu.memory_space<hbm>>
        %dma_wait3A_118 = tpu.memref_slice %arg6[%add3A_64] : memref<10112xf32, #tpu.memory_space<hbm>> -> memref<128xf32, #tpu.memory_space<hbm>>
        %dma_wait3A_119 = arith.constant 0 : i32
        %dma_wait3A_120 = tpu.memref_slice %arg19[%dma_wait3A_119] : memref<128xf32, #tpu.memory_space<vmem>> -> memref<128xf32, #tpu.memory_space<vmem>>
        tpu.wait_dma2 semaphore(%run_scoped3A : memref<!tpu.dma_semaphore, #tpu.memory_space<semaphore_mem>>) src(%dma_wait3A_120 : memref<128xf32, #tpu.memory_space<vmem>>) dst(%dma_wait3A_118 : memref<128xf32, #tpu.memory_space<hbm>>)
        tpu.yield
      }) : () -> ()
    } else {
    }
    %eq3A_70 = arith.constant 1 : i32
    %eq3A_71 = arith.cmpi eq, %arg0, %eq3A_70 : i32
    %convert_element_type3A_72 = arith.extui %eq3A_71 : i1 to i32
    %cond3A_73 = arith.constant 0 : i32
    %cond3A_74 = arith.cmpi ne, %convert_element_type3A_72, %cond3A_73 : i32
    scf.if %cond3A_74 {
      "tpu.region"() ({
        %run_scoped3A = tpu.sem_alloc : memref<!tpu.dma_semaphore, #tpu.memory_space<semaphore_mem>>
        %dma_start3A = arith.constant 0 : i32
        %dma_start3A_111 = tpu.memref_slice %arg19[%dma_start3A] : memref<128xf32, #tpu.memory_space<vmem>> -> memref<128xf32, #tpu.memory_space<vmem>>
        %dma_start3A_112 = tpu.memref_slice %arg7[%add3A_64] : memref<10112xf32, #tpu.memory_space<hbm>> -> memref<128xf32, #tpu.memory_space<hbm>>
        %dma_start3A_113 = tpu.memref_slice %arg7[%add3A_64] : memref<10112xf32, #tpu.memory_space<hbm>> -> memref<128xf32, #tpu.memory_space<hbm>>
        %dma_start3A_114 = arith.constant 0 : i32
        %dma_start3A_115 = tpu.memref_slice %arg19[%dma_start3A_114] : memref<128xf32, #tpu.memory_space<vmem>> -> memref<128xf32, #tpu.memory_space<vmem>>
        tpu.enqueue_dma source(%dma_start3A_115 : memref<128xf32, #tpu.memory_space<vmem>>) target(%dma_start3A_113 : memref<128xf32, #tpu.memory_space<hbm>>) target_semaphore(%run_scoped3A : memref<!tpu.dma_semaphore, #tpu.memory_space<semaphore_mem>>)
        %dma_wait3A = arith.constant 0 : i32
        %dma_wait3A_116 = tpu.memref_slice %arg19[%dma_wait3A] : memref<128xf32, #tpu.memory_space<vmem>> -> memref<128xf32, #tpu.memory_space<vmem>>
        %dma_wait3A_117 = tpu.memref_slice %arg7[%add3A_64] : memref<10112xf32, #tpu.memory_space<hbm>> -> memref<128xf32, #tpu.memory_space<hbm>>
        %dma_wait3A_118 = tpu.memref_slice %arg7[%add3A_64] : memref<10112xf32, #tpu.memory_space<hbm>> -> memref<128xf32, #tpu.memory_space<hbm>>
        %dma_wait3A_119 = arith.constant 0 : i32
        %dma_wait3A_120 = tpu.memref_slice %arg19[%dma_wait3A_119] : memref<128xf32, #tpu.memory_space<vmem>> -> memref<128xf32, #tpu.memory_space<vmem>>
        tpu.wait_dma2 semaphore(%run_scoped3A : memref<!tpu.dma_semaphore, #tpu.memory_space<semaphore_mem>>) src(%dma_wait3A_120 : memref<128xf32, #tpu.memory_space<vmem>>) dst(%dma_wait3A_118 : memref<128xf32, #tpu.memory_space<hbm>>)
        tpu.yield
      }) : () -> ()
    } else {
    }
    %add3A_75 = arith.constant 256 : i32
    %add3A_76 = arith.addi %mul3A_25, %add3A_75 : i32
    "tpu.region"() ({
      %run_scoped3A = tpu.sem_alloc : memref<!tpu.dma_semaphore, #tpu.memory_space<semaphore_mem>>
      %dma_start3A = arith.constant 0 : i32
      %dma_start3A_111 = arith.constant 0 : i32
      %dma_start3A_112 = tpu.memref_slice %arg16[%dma_start3A, %dma_start3A_111] : memref<128x128xf32, #tpu.memory_space<vmem>> -> memref<128x128xf32, #tpu.memory_space<vmem>>
      %dma_start3A_113 = arith.constant 0 : i32
      %dma_start3A_114 = tpu.memref_slice %arg20[%add3A_76, %dma_start3A_113] : memref<10112x128xf32, #tpu.memory_space<vmem_shared>> -> memref<128x128xf32, #tpu.memory_space<vmem_shared>>
      %dma_start3A_115 = arith.constant 0 : i32
      %dma_start3A_116 = arith.constant 0 : i32
      %dma_start3A_117 = tpu.memref_slice %arg16[%dma_start3A_115, %dma_start3A_116] : memref<128x128xf32, #tpu.memory_space<vmem>> -> memref<128x128xf32, #tpu.memory_space<vmem>>
      %dma_start3A_118 = arith.constant 0 : i32
      %dma_start3A_119 = tpu.memref_slice %arg20[%add3A_76, %dma_start3A_118] : memref<10112x128xf32, #tpu.memory_space<vmem_shared>> -> memref<128x128xf32, #tpu.memory_space<vmem_shared>>
      tpu.enqueue_dma source(%dma_start3A_119 : memref<128x128xf32, #tpu.memory_space<vmem_shared>>) target(%dma_start3A_117 : memref<128x128xf32, #tpu.memory_space<vmem>>) target_semaphore(%run_scoped3A : memref<!tpu.dma_semaphore, #tpu.memory_space<semaphore_mem>>)
      %dma_wait3A = arith.constant 0 : i32
      %dma_wait3A_120 = arith.constant 0 : i32
      %dma_wait3A_121 = tpu.memref_slice %arg16[%dma_wait3A, %dma_wait3A_120] : memref<128x128xf32, #tpu.memory_space<vmem>> -> memref<128x128xf32, #tpu.memory_space<vmem>>
      %dma_wait3A_122 = arith.constant 0 : i32
      %dma_wait3A_123 = tpu.memref_slice %arg20[%add3A_76, %dma_wait3A_122] : memref<10112x128xf32, #tpu.memory_space<vmem_shared>> -> memref<128x128xf32, #tpu.memory_space<vmem_shared>>
      %dma_wait3A_124 = arith.constant 0 : i32
      %dma_wait3A_125 = arith.constant 0 : i32
      %dma_wait3A_126 = tpu.memref_slice %arg16[%dma_wait3A_124, %dma_wait3A_125] : memref<128x128xf32, #tpu.memory_space<vmem>> -> memref<128x128xf32, #tpu.memory_space<vmem>>
      %dma_wait3A_127 = arith.constant 0 : i32
      %dma_wait3A_128 = tpu.memref_slice %arg20[%add3A_76, %dma_wait3A_127] : memref<10112x128xf32, #tpu.memory_space<vmem_shared>> -> memref<128x128xf32, #tpu.memory_space<vmem_shared>>
      tpu.wait_dma2 semaphore(%run_scoped3A : memref<!tpu.dma_semaphore, #tpu.memory_space<semaphore_mem>>) src(%dma_wait3A_128 : memref<128x128xf32, #tpu.memory_space<vmem_shared>>) dst(%dma_wait3A_126 : memref<128x128xf32, #tpu.memory_space<vmem>>)
      tpu.yield
    }) : () -> ()
    "tpu.region"() ({
      %run_scoped3A = tpu.sem_alloc : memref<!tpu.dma_semaphore, #tpu.memory_space<semaphore_mem>>
      %dma_start3A = arith.constant 0 : i32
      %dma_start3A_111 = arith.constant 0 : i32
      %dma_start3A_112 = tpu.memref_slice %arg16[%dma_start3A, %dma_start3A_111] : memref<128x128xf32, #tpu.memory_space<vmem>> -> memref<128x128xf32, #tpu.memory_space<vmem>>
      %dma_start3A_113 = arith.constant 0 : i32
      %dma_start3A_114 = tpu.memref_slice %arg5[%arg0, %add3A_76, %dma_start3A_113] : memref<2x10112x128xf32, #tpu.memory_space<hbm>> -> memref<1x128x128xf32, #tpu.memory_space<hbm>>
      %dma_start3A_115 = tpu.memref_squeeze %dma_start3A_114 : memref<1x128x128xf32, #tpu.memory_space<hbm>> -> memref<128x128xf32, #tpu.memory_space<hbm>>
      %dma_start3A_116 = arith.constant 0 : i32
      %dma_start3A_117 = tpu.memref_slice %arg5[%arg0, %add3A_76, %dma_start3A_116] : memref<2x10112x128xf32, #tpu.memory_space<hbm>> -> memref<1x128x128xf32, #tpu.memory_space<hbm>>
      %dma_start3A_118 = tpu.memref_squeeze %dma_start3A_117 : memref<1x128x128xf32, #tpu.memory_space<hbm>> -> memref<128x128xf32, #tpu.memory_space<hbm>>
      %dma_start3A_119 = arith.constant 0 : i32
      %dma_start3A_120 = arith.constant 0 : i32
      %dma_start3A_121 = tpu.memref_slice %arg16[%dma_start3A_119, %dma_start3A_120] : memref<128x128xf32, #tpu.memory_space<vmem>> -> memref<128x128xf32, #tpu.memory_space<vmem>>
      tpu.enqueue_dma source(%dma_start3A_121 : memref<128x128xf32, #tpu.memory_space<vmem>>) target(%dma_start3A_118 : memref<128x128xf32, #tpu.memory_space<hbm>>) target_semaphore(%run_scoped3A : memref<!tpu.dma_semaphore, #tpu.memory_space<semaphore_mem>>)
      %dma_wait3A = arith.constant 0 : i32
      %dma_wait3A_122 = arith.constant 0 : i32
      %dma_wait3A_123 = tpu.memref_slice %arg16[%dma_wait3A, %dma_wait3A_122] : memref<128x128xf32, #tpu.memory_space<vmem>> -> memref<128x128xf32, #tpu.memory_space<vmem>>
      %dma_wait3A_124 = arith.constant 0 : i32
      %dma_wait3A_125 = tpu.memref_slice %arg5[%arg0, %add3A_76, %dma_wait3A_124] : memref<2x10112x128xf32, #tpu.memory_space<hbm>> -> memref<1x128x128xf32, #tpu.memory_space<hbm>>
      %dma_wait3A_126 = tpu.memref_squeeze %dma_wait3A_125 : memref<1x128x128xf32, #tpu.memory_space<hbm>> -> memref<128x128xf32, #tpu.memory_space<hbm>>
      %dma_wait3A_127 = arith.constant 0 : i32
      %dma_wait3A_128 = tpu.memref_slice %arg5[%arg0, %add3A_76, %dma_wait3A_127] : memref<2x10112x128xf32, #tpu.memory_space<hbm>> -> memref<1x128x128xf32, #tpu.memory_space<hbm>>
      %dma_wait3A_129 = tpu.memref_squeeze %dma_wait3A_128 : memref<1x128x128xf32, #tpu.memory_space<hbm>> -> memref<128x128xf32, #tpu.memory_space<hbm>>
      %dma_wait3A_130 = arith.constant 0 : i32
      %dma_wait3A_131 = arith.constant 0 : i32
      %dma_wait3A_132 = tpu.memref_slice %arg16[%dma_wait3A_130, %dma_wait3A_131] : memref<128x128xf32, #tpu.memory_space<vmem>> -> memref<128x128xf32, #tpu.memory_space<vmem>>
      tpu.wait_dma2 semaphore(%run_scoped3A : memref<!tpu.dma_semaphore, #tpu.memory_space<semaphore_mem>>) src(%dma_wait3A_132 : memref<128x128xf32, #tpu.memory_space<vmem>>) dst(%dma_wait3A_129 : memref<128x128xf32, #tpu.memory_space<hbm>>)
      tpu.yield
    }) : () -> ()
    "tpu.region"() ({
      %run_scoped3A = tpu.sem_alloc : memref<!tpu.dma_semaphore, #tpu.memory_space<semaphore_mem>>
      %dma_start3A = arith.constant 0 : i32
      %dma_start3A_111 = tpu.memref_slice %arg19[%dma_start3A] : memref<128xf32, #tpu.memory_space<vmem>> -> memref<128xf32, #tpu.memory_space<vmem>>
      %dma_start3A_112 = tpu.memref_slice %arg21[%add3A_76] : memref<10112xf32, #tpu.memory_space<vmem_shared>> -> memref<128xf32, #tpu.memory_space<vmem_shared>>
      %dma_start3A_113 = arith.constant 0 : i32
      %dma_start3A_114 = tpu.memref_slice %arg19[%dma_start3A_113] : memref<128xf32, #tpu.memory_space<vmem>> -> memref<128xf32, #tpu.memory_space<vmem>>
      %dma_start3A_115 = tpu.memref_slice %arg21[%add3A_76] : memref<10112xf32, #tpu.memory_space<vmem_shared>> -> memref<128xf32, #tpu.memory_space<vmem_shared>>
      tpu.enqueue_dma source(%dma_start3A_115 : memref<128xf32, #tpu.memory_space<vmem_shared>>) target(%dma_start3A_114 : memref<128xf32, #tpu.memory_space<vmem>>) target_semaphore(%run_scoped3A : memref<!tpu.dma_semaphore, #tpu.memory_space<semaphore_mem>>)
      %dma_wait3A = arith.constant 0 : i32
      %dma_wait3A_116 = tpu.memref_slice %arg19[%dma_wait3A] : memref<128xf32, #tpu.memory_space<vmem>> -> memref<128xf32, #tpu.memory_space<vmem>>
      %dma_wait3A_117 = tpu.memref_slice %arg21[%add3A_76] : memref<10112xf32, #tpu.memory_space<vmem_shared>> -> memref<128xf32, #tpu.memory_space<vmem_shared>>
      %dma_wait3A_118 = arith.constant 0 : i32
      %dma_wait3A_119 = tpu.memref_slice %arg19[%dma_wait3A_118] : memref<128xf32, #tpu.memory_space<vmem>> -> memref<128xf32, #tpu.memory_space<vmem>>
      %dma_wait3A_120 = tpu.memref_slice %arg21[%add3A_76] : memref<10112xf32, #tpu.memory_space<vmem_shared>> -> memref<128xf32, #tpu.memory_space<vmem_shared>>
      tpu.wait_dma2 semaphore(%run_scoped3A : memref<!tpu.dma_semaphore, #tpu.memory_space<semaphore_mem>>) src(%dma_wait3A_120 : memref<128xf32, #tpu.memory_space<vmem_shared>>) dst(%dma_wait3A_119 : memref<128xf32, #tpu.memory_space<vmem>>)
      tpu.yield
    }) : () -> ()
    %eq3A_77 = arith.constant 0 : i32
    %eq3A_78 = arith.cmpi eq, %arg0, %eq3A_77 : i32
    %convert_element_type3A_79 = arith.extui %eq3A_78 : i1 to i32
    %cond3A_80 = arith.constant 0 : i32
    %cond3A_81 = arith.cmpi ne, %convert_element_type3A_79, %cond3A_80 : i32
    scf.if %cond3A_81 {
      "tpu.region"() ({
        %run_scoped3A = tpu.sem_alloc : memref<!tpu.dma_semaphore, #tpu.memory_space<semaphore_mem>>
        %dma_start3A = arith.constant 0 : i32
        %dma_start3A_111 = tpu.memref_slice %arg19[%dma_start3A] : memref<128xf32, #tpu.memory_space<vmem>> -> memref<128xf32, #tpu.memory_space<vmem>>
        %dma_start3A_112 = tpu.memref_slice %arg6[%add3A_76] : memref<10112xf32, #tpu.memory_space<hbm>> -> memref<128xf32, #tpu.memory_space<hbm>>
        %dma_start3A_113 = tpu.memref_slice %arg6[%add3A_76] : memref<10112xf32, #tpu.memory_space<hbm>> -> memref<128xf32, #tpu.memory_space<hbm>>
        %dma_start3A_114 = arith.constant 0 : i32
        %dma_start3A_115 = tpu.memref_slice %arg19[%dma_start3A_114] : memref<128xf32, #tpu.memory_space<vmem>> -> memref<128xf32, #tpu.memory_space<vmem>>
        tpu.enqueue_dma source(%dma_start3A_115 : memref<128xf32, #tpu.memory_space<vmem>>) target(%dma_start3A_113 : memref<128xf32, #tpu.memory_space<hbm>>) target_semaphore(%run_scoped3A : memref<!tpu.dma_semaphore, #tpu.memory_space<semaphore_mem>>)
        %dma_wait3A = arith.constant 0 : i32
        %dma_wait3A_116 = tpu.memref_slice %arg19[%dma_wait3A] : memref<128xf32, #tpu.memory_space<vmem>> -> memref<128xf32, #tpu.memory_space<vmem>>
        %dma_wait3A_117 = tpu.memref_slice %arg6[%add3A_76] : memref<10112xf32, #tpu.memory_space<hbm>> -> memref<128xf32, #tpu.memory_space<hbm>>
        %dma_wait3A_118 = tpu.memref_slice %arg6[%add3A_76] : memref<10112xf32, #tpu.memory_space<hbm>> -> memref<128xf32, #tpu.memory_space<hbm>>
        %dma_wait3A_119 = arith.constant 0 : i32
        %dma_wait3A_120 = tpu.memref_slice %arg19[%dma_wait3A_119] : memref<128xf32, #tpu.memory_space<vmem>> -> memref<128xf32, #tpu.memory_space<vmem>>
        tpu.wait_dma2 semaphore(%run_scoped3A : memref<!tpu.dma_semaphore, #tpu.memory_space<semaphore_mem>>) src(%dma_wait3A_120 : memref<128xf32, #tpu.memory_space<vmem>>) dst(%dma_wait3A_118 : memref<128xf32, #tpu.memory_space<hbm>>)
        tpu.yield
      }) : () -> ()
    } else {
    }
    %eq3A_82 = arith.constant 1 : i32
    %eq3A_83 = arith.cmpi eq, %arg0, %eq3A_82 : i32
    %convert_element_type3A_84 = arith.extui %eq3A_83 : i1 to i32
    %cond3A_85 = arith.constant 0 : i32
    %cond3A_86 = arith.cmpi ne, %convert_element_type3A_84, %cond3A_85 : i32
    scf.if %cond3A_86 {
      "tpu.region"() ({
        %run_scoped3A = tpu.sem_alloc : memref<!tpu.dma_semaphore, #tpu.memory_space<semaphore_mem>>
        %dma_start3A = arith.constant 0 : i32
        %dma_start3A_111 = tpu.memref_slice %arg19[%dma_start3A] : memref<128xf32, #tpu.memory_space<vmem>> -> memref<128xf32, #tpu.memory_space<vmem>>
        %dma_start3A_112 = tpu.memref_slice %arg7[%add3A_76] : memref<10112xf32, #tpu.memory_space<hbm>> -> memref<128xf32, #tpu.memory_space<hbm>>
        %dma_start3A_113 = tpu.memref_slice %arg7[%add3A_76] : memref<10112xf32, #tpu.memory_space<hbm>> -> memref<128xf32, #tpu.memory_space<hbm>>
        %dma_start3A_114 = arith.constant 0 : i32
        %dma_start3A_115 = tpu.memref_slice %arg19[%dma_start3A_114] : memref<128xf32, #tpu.memory_space<vmem>> -> memref<128xf32, #tpu.memory_space<vmem>>
        tpu.enqueue_dma source(%dma_start3A_115 : memref<128xf32, #tpu.memory_space<vmem>>) target(%dma_start3A_113 : memref<128xf32, #tpu.memory_space<hbm>>) target_semaphore(%run_scoped3A : memref<!tpu.dma_semaphore, #tpu.memory_space<semaphore_mem>>)
        %dma_wait3A = arith.constant 0 : i32
        %dma_wait3A_116 = tpu.memref_slice %arg19[%dma_wait3A] : memref<128xf32, #tpu.memory_space<vmem>> -> memref<128xf32, #tpu.memory_space<vmem>>
        %dma_wait3A_117 = tpu.memref_slice %arg7[%add3A_76] : memref<10112xf32, #tpu.memory_space<hbm>> -> memref<128xf32, #tpu.memory_space<hbm>>
        %dma_wait3A_118 = tpu.memref_slice %arg7[%add3A_76] : memref<10112xf32, #tpu.memory_space<hbm>> -> memref<128xf32, #tpu.memory_space<hbm>>
        %dma_wait3A_119 = arith.constant 0 : i32
        %dma_wait3A_120 = tpu.memref_slice %arg19[%dma_wait3A_119] : memref<128xf32, #tpu.memory_space<vmem>> -> memref<128xf32, #tpu.memory_space<vmem>>
        tpu.wait_dma2 semaphore(%run_scoped3A : memref<!tpu.dma_semaphore, #tpu.memory_space<semaphore_mem>>) src(%dma_wait3A_120 : memref<128xf32, #tpu.memory_space<vmem>>) dst(%dma_wait3A_118 : memref<128xf32, #tpu.memory_space<hbm>>)
        tpu.yield
      }) : () -> ()
    } else {
    }
    %add3A_87 = arith.constant 384 : i32
    %add3A_88 = arith.addi %mul3A_25, %add3A_87 : i32
    "tpu.region"() ({
      %run_scoped3A = tpu.sem_alloc : memref<!tpu.dma_semaphore, #tpu.memory_space<semaphore_mem>>
      %dma_start3A = arith.constant 0 : i32
      %dma_start3A_111 = arith.constant 0 : i32
      %dma_start3A_112 = tpu.memref_slice %arg16[%dma_start3A, %dma_start3A_111] : memref<128x128xf32, #tpu.memory_space<vmem>> -> memref<128x128xf32, #tpu.memory_space<vmem>>
      %dma_start3A_113 = arith.constant 0 : i32
      %dma_start3A_114 = tpu.memref_slice %arg20[%add3A_88, %dma_start3A_113] : memref<10112x128xf32, #tpu.memory_space<vmem_shared>> -> memref<128x128xf32, #tpu.memory_space<vmem_shared>>
      %dma_start3A_115 = arith.constant 0 : i32
      %dma_start3A_116 = arith.constant 0 : i32
      %dma_start3A_117 = tpu.memref_slice %arg16[%dma_start3A_115, %dma_start3A_116] : memref<128x128xf32, #tpu.memory_space<vmem>> -> memref<128x128xf32, #tpu.memory_space<vmem>>
      %dma_start3A_118 = arith.constant 0 : i32
      %dma_start3A_119 = tpu.memref_slice %arg20[%add3A_88, %dma_start3A_118] : memref<10112x128xf32, #tpu.memory_space<vmem_shared>> -> memref<128x128xf32, #tpu.memory_space<vmem_shared>>
      tpu.enqueue_dma source(%dma_start3A_119 : memref<128x128xf32, #tpu.memory_space<vmem_shared>>) target(%dma_start3A_117 : memref<128x128xf32, #tpu.memory_space<vmem>>) target_semaphore(%run_scoped3A : memref<!tpu.dma_semaphore, #tpu.memory_space<semaphore_mem>>)
      %dma_wait3A = arith.constant 0 : i32
      %dma_wait3A_120 = arith.constant 0 : i32
      %dma_wait3A_121 = tpu.memref_slice %arg16[%dma_wait3A, %dma_wait3A_120] : memref<128x128xf32, #tpu.memory_space<vmem>> -> memref<128x128xf32, #tpu.memory_space<vmem>>
      %dma_wait3A_122 = arith.constant 0 : i32
      %dma_wait3A_123 = tpu.memref_slice %arg20[%add3A_88, %dma_wait3A_122] : memref<10112x128xf32, #tpu.memory_space<vmem_shared>> -> memref<128x128xf32, #tpu.memory_space<vmem_shared>>
      %dma_wait3A_124 = arith.constant 0 : i32
      %dma_wait3A_125 = arith.constant 0 : i32
      %dma_wait3A_126 = tpu.memref_slice %arg16[%dma_wait3A_124, %dma_wait3A_125] : memref<128x128xf32, #tpu.memory_space<vmem>> -> memref<128x128xf32, #tpu.memory_space<vmem>>
      %dma_wait3A_127 = arith.constant 0 : i32
      %dma_wait3A_128 = tpu.memref_slice %arg20[%add3A_88, %dma_wait3A_127] : memref<10112x128xf32, #tpu.memory_space<vmem_shared>> -> memref<128x128xf32, #tpu.memory_space<vmem_shared>>
      tpu.wait_dma2 semaphore(%run_scoped3A : memref<!tpu.dma_semaphore, #tpu.memory_space<semaphore_mem>>) src(%dma_wait3A_128 : memref<128x128xf32, #tpu.memory_space<vmem_shared>>) dst(%dma_wait3A_126 : memref<128x128xf32, #tpu.memory_space<vmem>>)
      tpu.yield
    }) : () -> ()
    "tpu.region"() ({
      %run_scoped3A = tpu.sem_alloc : memref<!tpu.dma_semaphore, #tpu.memory_space<semaphore_mem>>
      %dma_start3A = arith.constant 0 : i32
      %dma_start3A_111 = arith.constant 0 : i32
      %dma_start3A_112 = tpu.memref_slice %arg16[%dma_start3A, %dma_start3A_111] : memref<128x128xf32, #tpu.memory_space<vmem>> -> memref<128x128xf32, #tpu.memory_space<vmem>>
      %dma_start3A_113 = arith.constant 0 : i32
      %dma_start3A_114 = tpu.memref_slice %arg5[%arg0, %add3A_88, %dma_start3A_113] : memref<2x10112x128xf32, #tpu.memory_space<hbm>> -> memref<1x128x128xf32, #tpu.memory_space<hbm>>
      %dma_start3A_115 = tpu.memref_squeeze %dma_start3A_114 : memref<1x128x128xf32, #tpu.memory_space<hbm>> -> memref<128x128xf32, #tpu.memory_space<hbm>>
      %dma_start3A_116 = arith.constant 0 : i32
      %dma_start3A_117 = tpu.memref_slice %arg5[%arg0, %add3A_88, %dma_start3A_116] : memref<2x10112x128xf32, #tpu.memory_space<hbm>> -> memref<1x128x128xf32, #tpu.memory_space<hbm>>
      %dma_start3A_118 = tpu.memref_squeeze %dma_start3A_117 : memref<1x128x128xf32, #tpu.memory_space<hbm>> -> memref<128x128xf32, #tpu.memory_space<hbm>>
      %dma_start3A_119 = arith.constant 0 : i32
      %dma_start3A_120 = arith.constant 0 : i32
      %dma_start3A_121 = tpu.memref_slice %arg16[%dma_start3A_119, %dma_start3A_120] : memref<128x128xf32, #tpu.memory_space<vmem>> -> memref<128x128xf32, #tpu.memory_space<vmem>>
      tpu.enqueue_dma source(%dma_start3A_121 : memref<128x128xf32, #tpu.memory_space<vmem>>) target(%dma_start3A_118 : memref<128x128xf32, #tpu.memory_space<hbm>>) target_semaphore(%run_scoped3A : memref<!tpu.dma_semaphore, #tpu.memory_space<semaphore_mem>>)
      %dma_wait3A = arith.constant 0 : i32
      %dma_wait3A_122 = arith.constant 0 : i32
      %dma_wait3A_123 = tpu.memref_slice %arg16[%dma_wait3A, %dma_wait3A_122] : memref<128x128xf32, #tpu.memory_space<vmem>> -> memref<128x128xf32, #tpu.memory_space<vmem>>
      %dma_wait3A_124 = arith.constant 0 : i32
      %dma_wait3A_125 = tpu.memref_slice %arg5[%arg0, %add3A_88, %dma_wait3A_124] : memref<2x10112x128xf32, #tpu.memory_space<hbm>> -> memref<1x128x128xf32, #tpu.memory_space<hbm>>
      %dma_wait3A_126 = tpu.memref_squeeze %dma_wait3A_125 : memref<1x128x128xf32, #tpu.memory_space<hbm>> -> memref<128x128xf32, #tpu.memory_space<hbm>>
      %dma_wait3A_127 = arith.constant 0 : i32
      %dma_wait3A_128 = tpu.memref_slice %arg5[%arg0, %add3A_88, %dma_wait3A_127] : memref<2x10112x128xf32, #tpu.memory_space<hbm>> -> memref<1x128x128xf32, #tpu.memory_space<hbm>>
      %dma_wait3A_129 = tpu.memref_squeeze %dma_wait3A_128 : memref<1x128x128xf32, #tpu.memory_space<hbm>> -> memref<128x128xf32, #tpu.memory_space<hbm>>
      %dma_wait3A_130 = arith.constant 0 : i32
      %dma_wait3A_131 = arith.constant 0 : i32
      %dma_wait3A_132 = tpu.memref_slice %arg16[%dma_wait3A_130, %dma_wait3A_131] : memref<128x128xf32, #tpu.memory_space<vmem>> -> memref<128x128xf32, #tpu.memory_space<vmem>>
      tpu.wait_dma2 semaphore(%run_scoped3A : memref<!tpu.dma_semaphore, #tpu.memory_space<semaphore_mem>>) src(%dma_wait3A_132 : memref<128x128xf32, #tpu.memory_space<vmem>>) dst(%dma_wait3A_129 : memref<128x128xf32, #tpu.memory_space<hbm>>)
      tpu.yield
    }) : () -> ()
    "tpu.region"() ({
      %run_scoped3A = tpu.sem_alloc : memref<!tpu.dma_semaphore, #tpu.memory_space<semaphore_mem>>
      %dma_start3A = arith.constant 0 : i32
      %dma_start3A_111 = tpu.memref_slice %arg19[%dma_start3A] : memref<128xf32, #tpu.memory_space<vmem>> -> memref<128xf32, #tpu.memory_space<vmem>>
      %dma_start3A_112 = tpu.memref_slice %arg21[%add3A_88] : memref<10112xf32, #tpu.memory_space<vmem_shared>> -> memref<128xf32, #tpu.memory_space<vmem_shared>>
      %dma_start3A_113 = arith.constant 0 : i32
      %dma_start3A_114 = tpu.memref_slice %arg19[%dma_start3A_113] : memref<128xf32, #tpu.memory_space<vmem>> -> memref<128xf32, #tpu.memory_space<vmem>>
      %dma_start3A_115 = tpu.memref_slice %arg21[%add3A_88] : memref<10112xf32, #tpu.memory_space<vmem_shared>> -> memref<128xf32, #tpu.memory_space<vmem_shared>>
      tpu.enqueue_dma source(%dma_start3A_115 : memref<128xf32, #tpu.memory_space<vmem_shared>>) target(%dma_start3A_114 : memref<128xf32, #tpu.memory_space<vmem>>) target_semaphore(%run_scoped3A : memref<!tpu.dma_semaphore, #tpu.memory_space<semaphore_mem>>)
      %dma_wait3A = arith.constant 0 : i32
      %dma_wait3A_116 = tpu.memref_slice %arg19[%dma_wait3A] : memref<128xf32, #tpu.memory_space<vmem>> -> memref<128xf32, #tpu.memory_space<vmem>>
      %dma_wait3A_117 = tpu.memref_slice %arg21[%add3A_88] : memref<10112xf32, #tpu.memory_space<vmem_shared>> -> memref<128xf32, #tpu.memory_space<vmem_shared>>
      %dma_wait3A_118 = arith.constant 0 : i32
      %dma_wait3A_119 = tpu.memref_slice %arg19[%dma_wait3A_118] : memref<128xf32, #tpu.memory_space<vmem>> -> memref<128xf32, #tpu.memory_space<vmem>>
      %dma_wait3A_120 = tpu.memref_slice %arg21[%add3A_88] : memref<10112xf32, #tpu.memory_space<vmem_shared>> -> memref<128xf32, #tpu.memory_space<vmem_shared>>
      tpu.wait_dma2 semaphore(%run_scoped3A : memref<!tpu.dma_semaphore, #tpu.memory_space<semaphore_mem>>) src(%dma_wait3A_120 : memref<128xf32, #tpu.memory_space<vmem_shared>>) dst(%dma_wait3A_119 : memref<128xf32, #tpu.memory_space<vmem>>)
      tpu.yield
    }) : () -> ()
    %eq3A_89 = arith.constant 0 : i32
    %eq3A_90 = arith.cmpi eq, %arg0, %eq3A_89 : i32
    %convert_element_type3A_91 = arith.extui %eq3A_90 : i1 to i32
    %cond3A_92 = arith.constant 0 : i32
    %cond3A_93 = arith.cmpi ne, %convert_element_type3A_91, %cond3A_92 : i32
    scf.if %cond3A_93 {
      "tpu.region"() ({
        %run_scoped3A = tpu.sem_alloc : memref<!tpu.dma_semaphore, #tpu.memory_space<semaphore_mem>>
        %dma_start3A = arith.constant 0 : i32
        %dma_start3A_111 = tpu.memref_slice %arg19[%dma_start3A] : memref<128xf32, #tpu.memory_space<vmem>> -> memref<128xf32, #tpu.memory_space<vmem>>
        %dma_start3A_112 = tpu.memref_slice %arg6[%add3A_88] : memref<10112xf32, #tpu.memory_space<hbm>> -> memref<128xf32, #tpu.memory_space<hbm>>
        %dma_start3A_113 = tpu.memref_slice %arg6[%add3A_88] : memref<10112xf32, #tpu.memory_space<hbm>> -> memref<128xf32, #tpu.memory_space<hbm>>
        %dma_start3A_114 = arith.constant 0 : i32
        %dma_start3A_115 = tpu.memref_slice %arg19[%dma_start3A_114] : memref<128xf32, #tpu.memory_space<vmem>> -> memref<128xf32, #tpu.memory_space<vmem>>
        tpu.enqueue_dma source(%dma_start3A_115 : memref<128xf32, #tpu.memory_space<vmem>>) target(%dma_start3A_113 : memref<128xf32, #tpu.memory_space<hbm>>) target_semaphore(%run_scoped3A : memref<!tpu.dma_semaphore, #tpu.memory_space<semaphore_mem>>)
        %dma_wait3A = arith.constant 0 : i32
        %dma_wait3A_116 = tpu.memref_slice %arg19[%dma_wait3A] : memref<128xf32, #tpu.memory_space<vmem>> -> memref<128xf32, #tpu.memory_space<vmem>>
        %dma_wait3A_117 = tpu.memref_slice %arg6[%add3A_88] : memref<10112xf32, #tpu.memory_space<hbm>> -> memref<128xf32, #tpu.memory_space<hbm>>
        %dma_wait3A_118 = tpu.memref_slice %arg6[%add3A_88] : memref<10112xf32, #tpu.memory_space<hbm>> -> memref<128xf32, #tpu.memory_space<hbm>>
        %dma_wait3A_119 = arith.constant 0 : i32
        %dma_wait3A_120 = tpu.memref_slice %arg19[%dma_wait3A_119] : memref<128xf32, #tpu.memory_space<vmem>> -> memref<128xf32, #tpu.memory_space<vmem>>
        tpu.wait_dma2 semaphore(%run_scoped3A : memref<!tpu.dma_semaphore, #tpu.memory_space<semaphore_mem>>) src(%dma_wait3A_120 : memref<128xf32, #tpu.memory_space<vmem>>) dst(%dma_wait3A_118 : memref<128xf32, #tpu.memory_space<hbm>>)
        tpu.yield
      }) : () -> ()
    } else {
    }
    %eq3A_94 = arith.constant 1 : i32
    %eq3A_95 = arith.cmpi eq, %arg0, %eq3A_94 : i32
    %convert_element_type3A_96 = arith.extui %eq3A_95 : i1 to i32
    %cond3A_97 = arith.constant 0 : i32
    %cond3A_98 = arith.cmpi ne, %convert_element_type3A_96, %cond3A_97 : i32
    scf.if %cond3A_98 {
      "tpu.region"() ({
        %run_scoped3A = tpu.sem_alloc : memref<!tpu.dma_semaphore, #tpu.memory_space<semaphore_mem>>
        %dma_start3A = arith.constant 0 : i32
        %dma_start3A_111 = tpu.memref_slice %arg19[%dma_start3A] : memref<128xf32, #tpu.memory_space<vmem>> -> memref<128xf32, #tpu.memory_space<vmem>>
        %dma_start3A_112 = tpu.memref_slice %arg7[%add3A_88] : memref<10112xf32, #tpu.memory_space<hbm>> -> memref<128xf32, #tpu.memory_space<hbm>>
        %dma_start3A_113 = tpu.memref_slice %arg7[%add3A_88] : memref<10112xf32, #tpu.memory_space<hbm>> -> memref<128xf32, #tpu.memory_space<hbm>>
        %dma_start3A_114 = arith.constant 0 : i32
        %dma_start3A_115 = tpu.memref_slice %arg19[%dma_start3A_114] : memref<128xf32, #tpu.memory_space<vmem>> -> memref<128xf32, #tpu.memory_space<vmem>>
        tpu.enqueue_dma source(%dma_start3A_115 : memref<128xf32, #tpu.memory_space<vmem>>) target(%dma_start3A_113 : memref<128xf32, #tpu.memory_space<hbm>>) target_semaphore(%run_scoped3A : memref<!tpu.dma_semaphore, #tpu.memory_space<semaphore_mem>>)
        %dma_wait3A = arith.constant 0 : i32
        %dma_wait3A_116 = tpu.memref_slice %arg19[%dma_wait3A] : memref<128xf32, #tpu.memory_space<vmem>> -> memref<128xf32, #tpu.memory_space<vmem>>
        %dma_wait3A_117 = tpu.memref_slice %arg7[%add3A_88] : memref<10112xf32, #tpu.memory_space<hbm>> -> memref<128xf32, #tpu.memory_space<hbm>>
        %dma_wait3A_118 = tpu.memref_slice %arg7[%add3A_88] : memref<10112xf32, #tpu.memory_space<hbm>> -> memref<128xf32, #tpu.memory_space<hbm>>
        %dma_wait3A_119 = arith.constant 0 : i32
        %dma_wait3A_120 = tpu.memref_slice %arg19[%dma_wait3A_119] : memref<128xf32, #tpu.memory_space<vmem>> -> memref<128xf32, #tpu.memory_space<vmem>>
        tpu.wait_dma2 semaphore(%run_scoped3A : memref<!tpu.dma_semaphore, #tpu.memory_space<semaphore_mem>>) src(%dma_wait3A_120 : memref<128xf32, #tpu.memory_space<vmem>>) dst(%dma_wait3A_118 : memref<128xf32, #tpu.memory_space<hbm>>)
        tpu.yield
      }) : () -> ()
    } else {
    }
    %add3A_99 = arith.constant 512 : i32
    %add3A_100 = arith.addi %mul3A_25, %add3A_99 : i32
    "tpu.region"() ({
      %run_scoped3A = tpu.sem_alloc : memref<!tpu.dma_semaphore, #tpu.memory_space<semaphore_mem>>
      %dma_start3A = arith.constant 0 : i32
      %dma_start3A_111 = arith.constant 0 : i32
      %dma_start3A_112 = tpu.memref_slice %arg16[%dma_start3A, %dma_start3A_111] : memref<128x128xf32, #tpu.memory_space<vmem>> -> memref<120x128xf32, #tpu.memory_space<vmem>>
      %dma_start3A_113 = arith.constant 0 : i32
      %dma_start3A_114 = tpu.memref_slice %arg20[%add3A_100, %dma_start3A_113] : memref<10112x128xf32, #tpu.memory_space<vmem_shared>> -> memref<120x128xf32, #tpu.memory_space<vmem_shared>>
      %dma_start3A_115 = arith.constant 0 : i32
      %dma_start3A_116 = arith.constant 0 : i32
      %dma_start3A_117 = tpu.memref_slice %arg16[%dma_start3A_115, %dma_start3A_116] : memref<128x128xf32, #tpu.memory_space<vmem>> -> memref<120x128xf32, #tpu.memory_space<vmem>>
      %dma_start3A_118 = arith.constant 0 : i32
      %dma_start3A_119 = tpu.memref_slice %arg20[%add3A_100, %dma_start3A_118] : memref<10112x128xf32, #tpu.memory_space<vmem_shared>> -> memref<120x128xf32, #tpu.memory_space<vmem_shared>>
      tpu.enqueue_dma source(%dma_start3A_119 : memref<120x128xf32, #tpu.memory_space<vmem_shared>>) target(%dma_start3A_117 : memref<120x128xf32, #tpu.memory_space<vmem>>) target_semaphore(%run_scoped3A : memref<!tpu.dma_semaphore, #tpu.memory_space<semaphore_mem>>)
      %dma_wait3A = arith.constant 0 : i32
      %dma_wait3A_120 = arith.constant 0 : i32
      %dma_wait3A_121 = tpu.memref_slice %arg16[%dma_wait3A, %dma_wait3A_120] : memref<128x128xf32, #tpu.memory_space<vmem>> -> memref<120x128xf32, #tpu.memory_space<vmem>>
      %dma_wait3A_122 = arith.constant 0 : i32
      %dma_wait3A_123 = tpu.memref_slice %arg20[%add3A_100, %dma_wait3A_122] : memref<10112x128xf32, #tpu.memory_space<vmem_shared>> -> memref<120x128xf32, #tpu.memory_space<vmem_shared>>
      %dma_wait3A_124 = arith.constant 0 : i32
      %dma_wait3A_125 = arith.constant 0 : i32
      %dma_wait3A_126 = tpu.memref_slice %arg16[%dma_wait3A_124, %dma_wait3A_125] : memref<128x128xf32, #tpu.memory_space<vmem>> -> memref<120x128xf32, #tpu.memory_space<vmem>>
      %dma_wait3A_127 = arith.constant 0 : i32
      %dma_wait3A_128 = tpu.memref_slice %arg20[%add3A_100, %dma_wait3A_127] : memref<10112x128xf32, #tpu.memory_space<vmem_shared>> -> memref<120x128xf32, #tpu.memory_space<vmem_shared>>
      tpu.wait_dma2 semaphore(%run_scoped3A : memref<!tpu.dma_semaphore, #tpu.memory_space<semaphore_mem>>) src(%dma_wait3A_128 : memref<120x128xf32, #tpu.memory_space<vmem_shared>>) dst(%dma_wait3A_126 : memref<120x128xf32, #tpu.memory_space<vmem>>)
      tpu.yield
    }) : () -> ()
    "tpu.region"() ({
      %run_scoped3A = tpu.sem_alloc : memref<!tpu.dma_semaphore, #tpu.memory_space<semaphore_mem>>
      %dma_start3A = arith.constant 0 : i32
      %dma_start3A_111 = arith.constant 0 : i32
      %dma_start3A_112 = tpu.memref_slice %arg16[%dma_start3A, %dma_start3A_111] : memref<128x128xf32, #tpu.memory_space<vmem>> -> memref<120x128xf32, #tpu.memory_space<vmem>>
      %dma_start3A_113 = arith.constant 0 : i32
      %dma_start3A_114 = tpu.memref_slice %arg5[%arg0, %add3A_100, %dma_start3A_113] : memref<2x10112x128xf32, #tpu.memory_space<hbm>> -> memref<1x120x128xf32, #tpu.memory_space<hbm>>
      %dma_start3A_115 = tpu.memref_squeeze %dma_start3A_114 : memref<1x120x128xf32, #tpu.memory_space<hbm>> -> memref<120x128xf32, #tpu.memory_space<hbm>>
      %dma_start3A_116 = arith.constant 0 : i32
      %dma_start3A_117 = tpu.memref_slice %arg5[%arg0, %add3A_100, %dma_start3A_116] : memref<2x10112x128xf32, #tpu.memory_space<hbm>> -> memref<1x120x128xf32, #tpu.memory_space<hbm>>
      %dma_start3A_118 = tpu.memref_squeeze %dma_start3A_117 : memref<1x120x128xf32, #tpu.memory_space<hbm>> -> memref<120x128xf32, #tpu.memory_space<hbm>>
      %dma_start3A_119 = arith.constant 0 : i32
      %dma_start3A_120 = arith.constant 0 : i32
      %dma_start3A_121 = tpu.memref_slice %arg16[%dma_start3A_119, %dma_start3A_120] : memref<128x128xf32, #tpu.memory_space<vmem>> -> memref<120x128xf32, #tpu.memory_space<vmem>>
      tpu.enqueue_dma source(%dma_start3A_121 : memref<120x128xf32, #tpu.memory_space<vmem>>) target(%dma_start3A_118 : memref<120x128xf32, #tpu.memory_space<hbm>>) target_semaphore(%run_scoped3A : memref<!tpu.dma_semaphore, #tpu.memory_space<semaphore_mem>>)
      %dma_wait3A = arith.constant 0 : i32
      %dma_wait3A_122 = arith.constant 0 : i32
      %dma_wait3A_123 = tpu.memref_slice %arg16[%dma_wait3A, %dma_wait3A_122] : memref<128x128xf32, #tpu.memory_space<vmem>> -> memref<120x128xf32, #tpu.memory_space<vmem>>
      %dma_wait3A_124 = arith.constant 0 : i32
      %dma_wait3A_125 = tpu.memref_slice %arg5[%arg0, %add3A_100, %dma_wait3A_124] : memref<2x10112x128xf32, #tpu.memory_space<hbm>> -> memref<1x120x128xf32, #tpu.memory_space<hbm>>
      %dma_wait3A_126 = tpu.memref_squeeze %dma_wait3A_125 : memref<1x120x128xf32, #tpu.memory_space<hbm>> -> memref<120x128xf32, #tpu.memory_space<hbm>>
      %dma_wait3A_127 = arith.constant 0 : i32
      %dma_wait3A_128 = tpu.memref_slice %arg5[%arg0, %add3A_100, %dma_wait3A_127] : memref<2x10112x128xf32, #tpu.memory_space<hbm>> -> memref<1x120x128xf32, #tpu.memory_space<hbm>>
      %dma_wait3A_129 = tpu.memref_squeeze %dma_wait3A_128 : memref<1x120x128xf32, #tpu.memory_space<hbm>> -> memref<120x128xf32, #tpu.memory_space<hbm>>
      %dma_wait3A_130 = arith.constant 0 : i32
      %dma_wait3A_131 = arith.constant 0 : i32
      %dma_wait3A_132 = tpu.memref_slice %arg16[%dma_wait3A_130, %dma_wait3A_131] : memref<128x128xf32, #tpu.memory_space<vmem>> -> memref<120x128xf32, #tpu.memory_space<vmem>>
      tpu.wait_dma2 semaphore(%run_scoped3A : memref<!tpu.dma_semaphore, #tpu.memory_space<semaphore_mem>>) src(%dma_wait3A_132 : memref<120x128xf32, #tpu.memory_space<vmem>>) dst(%dma_wait3A_129 : memref<120x128xf32, #tpu.memory_space<hbm>>)
      tpu.yield
    }) : () -> ()
    "tpu.region"() ({
      %run_scoped3A = tpu.sem_alloc : memref<!tpu.dma_semaphore, #tpu.memory_space<semaphore_mem>>
      %dma_start3A = arith.constant 0 : i32
      %dma_start3A_111 = tpu.memref_slice %arg19[%dma_start3A] : memref<128xf32, #tpu.memory_space<vmem>> -> memref<120xf32, #tpu.memory_space<vmem>>
      %dma_start3A_112 = tpu.memref_slice %arg21[%add3A_100] : memref<10112xf32, #tpu.memory_space<vmem_shared>> -> memref<120xf32, #tpu.memory_space<vmem_shared>>
      %dma_start3A_113 = arith.constant 0 : i32
      %dma_start3A_114 = tpu.memref_slice %arg19[%dma_start3A_113] : memref<128xf32, #tpu.memory_space<vmem>> -> memref<120xf32, #tpu.memory_space<vmem>>
      %dma_start3A_115 = tpu.memref_slice %arg21[%add3A_100] : memref<10112xf32, #tpu.memory_space<vmem_shared>> -> memref<120xf32, #tpu.memory_space<vmem_shared>>
      tpu.enqueue_dma source(%dma_start3A_115 : memref<120xf32, #tpu.memory_space<vmem_shared>>) target(%dma_start3A_114 : memref<120xf32, #tpu.memory_space<vmem>>) target_semaphore(%run_scoped3A : memref<!tpu.dma_semaphore, #tpu.memory_space<semaphore_mem>>)
      %dma_wait3A = arith.constant 0 : i32
      %dma_wait3A_116 = tpu.memref_slice %arg19[%dma_wait3A] : memref<128xf32, #tpu.memory_space<vmem>> -> memref<120xf32, #tpu.memory_space<vmem>>
      %dma_wait3A_117 = tpu.memref_slice %arg21[%add3A_100] : memref<10112xf32, #tpu.memory_space<vmem_shared>> -> memref<120xf32, #tpu.memory_space<vmem_shared>>
      %dma_wait3A_118 = arith.constant 0 : i32
      %dma_wait3A_119 = tpu.memref_slice %arg19[%dma_wait3A_118] : memref<128xf32, #tpu.memory_space<vmem>> -> memref<120xf32, #tpu.memory_space<vmem>>
      %dma_wait3A_120 = tpu.memref_slice %arg21[%add3A_100] : memref<10112xf32, #tpu.memory_space<vmem_shared>> -> memref<120xf32, #tpu.memory_space<vmem_shared>>
      tpu.wait_dma2 semaphore(%run_scoped3A : memref<!tpu.dma_semaphore, #tpu.memory_space<semaphore_mem>>) src(%dma_wait3A_120 : memref<120xf32, #tpu.memory_space<vmem_shared>>) dst(%dma_wait3A_119 : memref<120xf32, #tpu.memory_space<vmem>>)
      tpu.yield
    }) : () -> ()
    %eq3A_101 = arith.constant 0 : i32
    %eq3A_102 = arith.cmpi eq, %arg0, %eq3A_101 : i32
    %convert_element_type3A_103 = arith.extui %eq3A_102 : i1 to i32
    %cond3A_104 = arith.constant 0 : i32
    %cond3A_105 = arith.cmpi ne, %convert_element_type3A_103, %cond3A_104 : i32
    scf.if %cond3A_105 {
      "tpu.region"() ({
        %run_scoped3A = tpu.sem_alloc : memref<!tpu.dma_semaphore, #tpu.memory_space<semaphore_mem>>
        %dma_start3A = arith.constant 0 : i32
        %dma_start3A_111 = tpu.memref_slice %arg19[%dma_start3A] : memref<128xf32, #tpu.memory_space<vmem>> -> memref<120xf32, #tpu.memory_space<vmem>>
        %dma_start3A_112 = tpu.memref_slice %arg6[%add3A_100] : memref<10112xf32, #tpu.memory_space<hbm>> -> memref<120xf32, #tpu.memory_space<hbm>>
        %dma_start3A_113 = tpu.memref_slice %arg6[%add3A_100] : memref<10112xf32, #tpu.memory_space<hbm>> -> memref<120xf32, #tpu.memory_space<hbm>>
        %dma_start3A_114 = arith.constant 0 : i32
        %dma_start3A_115 = tpu.memref_slice %arg19[%dma_start3A_114] : memref<128xf32, #tpu.memory_space<vmem>> -> memref<120xf32, #tpu.memory_space<vmem>>
        tpu.enqueue_dma source(%dma_start3A_115 : memref<120xf32, #tpu.memory_space<vmem>>) target(%dma_start3A_113 : memref<120xf32, #tpu.memory_space<hbm>>) target_semaphore(%run_scoped3A : memref<!tpu.dma_semaphore, #tpu.memory_space<semaphore_mem>>)
        %dma_wait3A = arith.constant 0 : i32
        %dma_wait3A_116 = tpu.memref_slice %arg19[%dma_wait3A] : memref<128xf32, #tpu.memory_space<vmem>> -> memref<120xf32, #tpu.memory_space<vmem>>
        %dma_wait3A_117 = tpu.memref_slice %arg6[%add3A_100] : memref<10112xf32, #tpu.memory_space<hbm>> -> memref<120xf32, #tpu.memory_space<hbm>>
        %dma_wait3A_118 = tpu.memref_slice %arg6[%add3A_100] : memref<10112xf32, #tpu.memory_space<hbm>> -> memref<120xf32, #tpu.memory_space<hbm>>
        %dma_wait3A_119 = arith.constant 0 : i32
        %dma_wait3A_120 = tpu.memref_slice %arg19[%dma_wait3A_119] : memref<128xf32, #tpu.memory_space<vmem>> -> memref<120xf32, #tpu.memory_space<vmem>>
        tpu.wait_dma2 semaphore(%run_scoped3A : memref<!tpu.dma_semaphore, #tpu.memory_space<semaphore_mem>>) src(%dma_wait3A_120 : memref<120xf32, #tpu.memory_space<vmem>>) dst(%dma_wait3A_118 : memref<120xf32, #tpu.memory_space<hbm>>)
        tpu.yield
      }) : () -> ()
    } else {
    }
    %eq3A_106 = arith.constant 1 : i32
    %eq3A_107 = arith.cmpi eq, %arg0, %eq3A_106 : i32
    %convert_element_type3A_108 = arith.extui %eq3A_107 : i1 to i32
    %cond3A_109 = arith.constant 0 : i32
    %cond3A_110 = arith.cmpi ne, %convert_element_type3A_108, %cond3A_109 : i32
    scf.if %cond3A_110 {
      "tpu.region"() ({
        %run_scoped3A = tpu.sem_alloc : memref<!tpu.dma_semaphore, #tpu.memory_space<semaphore_mem>>
        %dma_start3A = arith.constant 0 : i32
        %dma_start3A_111 = tpu.memref_slice %arg19[%dma_start3A] : memref<128xf32, #tpu.memory_space<vmem>> -> memref<120xf32, #tpu.memory_space<vmem>>
        %dma_start3A_112 = tpu.memref_slice %arg7[%add3A_100] : memref<10112xf32, #tpu.memory_space<hbm>> -> memref<120xf32, #tpu.memory_space<hbm>>
        %dma_start3A_113 = tpu.memref_slice %arg7[%add3A_100] : memref<10112xf32, #tpu.memory_space<hbm>> -> memref<120xf32, #tpu.memory_space<hbm>>
        %dma_start3A_114 = arith.constant 0 : i32
        %dma_start3A_115 = tpu.memref_slice %arg19[%dma_start3A_114] : memref<128xf32, #tpu.memory_space<vmem>> -> memref<120xf32, #tpu.memory_space<vmem>>
        tpu.enqueue_dma source(%dma_start3A_115 : memref<120xf32, #tpu.memory_space<vmem>>) target(%dma_start3A_113 : memref<120xf32, #tpu.memory_space<hbm>>) target_semaphore(%run_scoped3A : memref<!tpu.dma_semaphore, #tpu.memory_space<semaphore_mem>>)
        %dma_wait3A = arith.constant 0 : i32
        %dma_wait3A_116 = tpu.memref_slice %arg19[%dma_wait3A] : memref<128xf32, #tpu.memory_space<vmem>> -> memref<120xf32, #tpu.memory_space<vmem>>
        %dma_wait3A_117 = tpu.memref_slice %arg7[%add3A_100] : memref<10112xf32, #tpu.memory_space<hbm>> -> memref<120xf32, #tpu.memory_space<hbm>>
        %dma_wait3A_118 = tpu.memref_slice %arg7[%add3A_100] : memref<10112xf32, #tpu.memory_space<hbm>> -> memref<120xf32, #tpu.memory_space<hbm>>
        %dma_wait3A_119 = arith.constant 0 : i32
        %dma_wait3A_120 = tpu.memref_slice %arg19[%dma_wait3A_119] : memref<128xf32, #tpu.memory_space<vmem>> -> memref<120xf32, #tpu.memory_space<vmem>>
        tpu.wait_dma2 semaphore(%run_scoped3A : memref<!tpu.dma_semaphore, #tpu.memory_space<semaphore_mem>>) src(%dma_wait3A_120 : memref<120xf32, #tpu.memory_space<vmem>>) dst(%dma_wait3A_118 : memref<120xf32, #tpu.memory_space<hbm>>)
        tpu.yield
      }) : () -> ()
    } else {
    }
    return
  }
}

module attributes {stable_mosaic.version = 14 : i64} {
  func.func @_div_body(%arg0: i32, %arg1: memref<2x1000x128xf32, #tpu.memory_space<vmem>>, %arg2: memref<1000x1xf32, #tpu.memory_space<vmem>>, %arg3: memref<1000x1xf32, #tpu.memory_space<vmem>>, %arg4: memref<1000x128xf32, #tpu.memory_space<vmem>>) attributes {dimension_semantics = [#tpu.dimension_semantics<arbitrary>], iteration_bounds = array<i64: 10>, scalar_prefetch = 0 : i64, scratch_operands = 0 : i64, tpu.core_type = #tpu.core_type<tc>, window_params = [{transform_indices = @transform_0, window_bounds = array<i64: 2, 1000, 128>}, {transform_indices = @transform_1, window_bounds = array<i64: 1000, 1>}, {transform_indices = @transform_2, window_bounds = array<i64: 1000, 1>}, {transform_indices = @transform_3, window_bounds = array<i64: 1000, 128>}]} {
    %get3A = arith.constant 0 : index
    %get3A_0 = arith.constant 0 : index
    %get3A_1 = arith.constant 0 : index
    %get3A_2 = vector.load %arg1[%get3A, %get3A_0, %get3A_1] : memref<2x1000x128xf32, #tpu.memory_space<vmem>>, vector<1x1000x128xf32>
    %get3A_3 = vector.shape_cast %get3A_2 : vector<1x1000x128xf32> to vector<1000x128xf32>
    %get3A_4 = arith.constant 1 : index
    %get3A_5 = arith.constant 0 : index
    %get3A_6 = arith.constant 0 : index
    %get3A_7 = vector.load %arg1[%get3A_4, %get3A_5, %get3A_6] : memref<2x1000x128xf32, #tpu.memory_space<vmem>>, vector<1x1000x128xf32>
    %get3A_8 = vector.shape_cast %get3A_7 : vector<1x1000x128xf32> to vector<1000x128xf32>
    %add3A = arith.addf %get3A_3, %get3A_8 : vector<1000x128xf32>
    %get3A_9 = arith.constant 0 : index
    %get3A_10 = arith.constant 0 : index
    %get3A_11 = vector.load %arg2[%get3A_9, %get3A_10] : memref<1000x1xf32, #tpu.memory_space<vmem>>, vector<1000x1xf32>
    %get3A_12 = arith.constant 0 : index
    %get3A_13 = arith.constant 0 : index
    %get3A_14 = vector.load %arg3[%get3A_12, %get3A_13] : memref<1000x1xf32, #tpu.memory_space<vmem>>, vector<1000x1xf32>
    %add3A_15 = arith.addf %get3A_11, %get3A_14 : vector<1000x1xf32>
    %max3A = arith.constant 1.000000e+00 : f32
    %max3A_16 = vector.broadcast %max3A : f32 to vector<1000x1xf32>
    %max3A_17 = arith.maximumf %add3A_15, %max3A_16 : vector<1000x1xf32>
    %div3A = vector.broadcast %max3A_17 : vector<1000x1xf32> to vector<1000x128xf32>
    %div3A_18 = arith.divf %add3A, %div3A : vector<1000x128xf32>
    %swap3A = arith.constant 0 : index
    %swap3A_19 = arith.constant 0 : index
    %swap3A_20 = vector.load %arg4[%swap3A, %swap3A_19] : memref<1000x128xf32, #tpu.memory_space<vmem>>, vector<1000x128xf32>
    tpu.vector_store %arg4[%swap3A, %swap3A_19], %div3A_18 {strides = array<i32>} : memref<1000x128xf32, #tpu.memory_space<vmem>>, vector<1000x128xf32>,
    return
  }
  func.func @transform_0(%arg0: i32) -> (i32, i32, i32) {
    %c0_i32 = arith.constant 0 : i32
    %c0_i32_0 = arith.constant 0 : i32
    %c0_i32_1 = arith.constant 0 : i32
    return %c0_i32, %arg0, %c0_i32_0 : i32, i32, i32
  }
  func.func @transform_1(%arg0: i32) -> (i32, i32) {
    %c0_i32 = arith.constant 0 : i32
    %c0_i32_0 = arith.constant 0 : i32
    return %arg0, %c0_i32 : i32, i32
  }
  func.func @transform_2(%arg0: i32) -> (i32, i32) {
    %c0_i32 = arith.constant 0 : i32
    %c0_i32_0 = arith.constant 0 : i32
    return %arg0, %c0_i32 : i32, i32
  }
  func.func @transform_3(%arg0: i32) -> (i32, i32) {
    %c0_i32 = arith.constant 0 : i32
    %c0_i32_0 = arith.constant 0 : i32
    return %arg0, %c0_i32 : i32, i32
  }
}

</mosaic_0001>

<sc_bundles>
// kernel: kernel.4.cloned.1.call-start
scs
__scs_entry_jumppad:
0x0: {  	(pc) =	sbr.rel $0x88, $3  }
0x1: {  	(tag) =	ssettag $0x0;
	lr =	simm.s32 $0x1  }
0x2: {  	[smem:$0x3F9E] =	sst lr;
	_ =	strace $0xD0000000  }
0x3: {  	_ = 	snop  }
0x4: {  	_ = 	snop  }
0x5: {  	_ = 	snop  }
0x6: {  	_ = 	snop  }
0x7: {  	_ = 	snop  }
__scs_overlays_trampoline_lowered:
0x8: {  	[smem:$0x3FAD] =	sst s0  }
0x9: {  	[smem:$0x3FAE] =	sst s1  }
0xa: {  	[smem:$0x3FAF] =	sst s2  }
0xb: {  	[smem:$0x3FB0] =	sst s3  }
0xc: {  	[smem:$0x3FB1] =	sst s4  }
0xd: {  	[smem:$0x3FB2] =	sst s5  }
0xe: {  	[smem:$0x3FB3] =	sst s6  }
0xf: {  	[smem:$0x3FB4] =	sst s7  }
0x10: {  	[smem:$0x3FB5] =	sst s8  }
0x11: {  	[smem:$0x3FB6] =	sst s9;
	s0 =	simm.s32 @!p0 $0x0  }
0x12: {  	s1 =	sld [smem:$0x3F9C];
	s0 =	simm.s32 @p0 $0x1  }
0x13: {  	[smem:$0x3FB7] =	sst s0;
	s0 =	simm.s32 @!p1 $0x0  }
0x14: {  	s2 =	sld [smem:$0x3F9B];
	s0 =	simm.s32 @p1 $0x1  }
0x15: {  	[smem:$0x3FB8] =	sst s0;
	s0 =	simm.s32 @!p2 $0x0  }
0x16: {  	s3 =	sld [smem:$0x3FDB];
	s0 =	simm.s32 @p2 $0x1  }
0x17: {  	s4 =	simm.s32 $0x1BF5;
	[smem:$0x3FBA] =	sst s0  }
0x18: {  	s0 =	sld [smem:$0x3F9D];
	_ =	swait.ge [sflag:s4], $0x0  }
0x19: {  	s7 =	sld [smem:$0x3F9E]  }
0x1a: {  	s8 =	sadd.s32 $0xFFFFE003, lr  }
0x1b: {  	s9 =	sadd.s32 $0xFFFFFEF7, lr;
	s5 =	simm.s32 $0xFFFFFFFF;
	p2 =	slt.u32 s8, $0xFFFFF086  }
0x1c: {  	p1 =	slt.u32 s9, $0xF7A;
	s5 =	simm.s32 @!p2 $0x0  }
0x1d: {  	s5 =	simm.s32 @p1 $0x1;
	p0 =	seq.s32 s7, s2  }
0x1e: {  	s7 =	smul.u32 @!p0 $0xF7A, s2;
	p2 =	seq.s32 @!p0 s5, $0x0  }
0x1f: {  	s9 =	smul.u32 $0xF7A, s1;
	s8 =	simm.s32 @!p0 $0x1BF5;
	p2 =	por !p2, p0  }
0x20: {  	[sflag:s8] =	ssyncset.s32 @!p0 $0xFFFFF086;
	s6 =	sadd.s32 @!p0 s3, s7;
	s7 =	simm.s32 @!p0 $0x108  }
0x21: {  	s3 =	sadd.s32 s3, s9;
	s6 =	sadd.s32 @!p0 $0x88, s6;
	s7 =	simm.s32 @p2 $0x1082  }
0x22: {  	[simem:s7], [sflag:s8] =	dma.local @!p0 [hbm:s6], $0xF7A  }
0x23: {  	s9 =	sor.u32 $0xD0000000, s2;
	s6 =	simm.s32 $0x108;
	_ =	swait.ge @!p0 [sflag:s8], $0x0  }
0x24: {  	s3 =	sadd.s32 $0x88, s3;
	s6 =	simm.s32 @!p1 $0x1082;
	[sflag:s4] =	ssyncset.s32 $0xFFFFF086  }
0x25: {  	[simem:s6], [sflag:s4] =	dma.local [hbm:s3], $0xF7A  }
0x26: {  	[smem:$0x3F9E] =	sst s1;
	(tag) =	ssettag s2;
	_ =	strace s9  }
0x27: {  	s1 =	sld [smem:$0x3FAE]  }
0x28: {  	s2 =	sld [smem:$0x3FAF]  }
0x29: {  	s4 =	sld [smem:$0x3FB1]  }
0x2a: {  	p0 =	seq.s32 s5, $0x0;
	s5 =	sld [smem:$0x3FB2]  }
0x2b: {  	s6 =	sld [smem:$0x3FB3]  }
0x2c: {  	s7 =	sld [smem:$0x3FB4]  }
0x2d: {  	s3 =	simm.s32 $0x108;
	s8 =	sld [smem:$0x3FB5]  }
0x2e: {  	s3 =	simm.s32 @!p0 $0x1082;
	s9 =	sld [smem:$0x3FB6]  }
0x2f: {  	lr =	sadd.s32 s0, s3;
	s0 =	sld [smem:$0x3FAD]  }
0x30: {  	s3 =	sld [smem:$0x3FB0]  }
0x31: {  	[smem:$0x3FB9] =	sst s10  }
0x32: {  	s10 =	sld [smem:$0x3FB7];
	_ =	sdelay $0x3  }
0x33: {  	p0 =	seq.s32 s10, $0x1;
	s10 =	sld [smem:$0x3FB9];
	_ =	sdelay $0x3  }
0x34: {  	[smem:$0x3FB9] =	sst s10  }
0x35: {  	s10 =	sld [smem:$0x3FB8];
	_ =	sdelay $0x3  }
0x36: {  	p1 =	seq.s32 s10, $0x1;
	s10 =	sld [smem:$0x3FB9];
	_ =	sdelay $0x3  }
0x37: {  	[smem:$0x3FB9] =	sst s10  }
0x38: {  	s10 =	sld [smem:$0x3FBA]  }
0x39: {  	_ = 	snop;
	(pc) =	sbr.ind lr, $3  }
0x3a: {  	_ = 	snop  }
0x3b: {  	_ = 	snop  }
0x3c: {  	p2 =	seq.s32 s10, $0x1;
	s10 =	sld [smem:$0x3FB9]  }
0x3d: {  	_ =	shalt  }
0x3e: {  	_ =	shalt  }
0x3f: {  	_ =	shalt  }
0x40: {  	_ =	shalt  }
0x41: {  	_ =	shalt  }
0x42: {  	_ =	shalt  }
0x43: {  	_ =	shalt  }
0x44: {  	_ =	shalt  }
0x45: {  	_ =	shalt  }
0x46: {  	_ =	shalt  }
0x47: {  	_ =	shalt  }
0x48: {  	_ =	shalt  }
0x49: {  	_ =	shalt  }
0x4a: {  	_ =	shalt  }
0x4b: {  	_ =	shalt  }
0x4c: {  	_ =	shalt  }
0x4d: {  	_ =	shalt  }
0x4e: {  	_ =	shalt  }
0x4f: {  	_ =	shalt  }
0x50: {  	_ =	shalt  }
0x51: {  	_ =	shalt  }
0x52: {  	_ =	shalt  }
0x53: {  	_ =	shalt  }
0x54: {  	_ =	shalt  }
0x55: {  	_ =	shalt  }
0x56: {  	_ =	shalt  }
0x57: {  	_ =	shalt  }
0x58: {  	_ =	shalt  }
0x59: {  	_ =	shalt  }
0x5a: {  	_ =	shalt  }
0x5b: {  	_ =	shalt  }
0x5c: {  	_ =	shalt  }
0x5d: {  	_ =	shalt  }
0x5e: {  	_ =	shalt  }
0x5f: {  	_ =	shalt  }
0x60: {  	_ =	shalt  }
0x61: {  	_ =	shalt  }
0x62: {  	_ =	shalt  }
0x63: {  	_ =	shalt  }
0x64: {  	_ =	shalt  }
0x65: {  	_ =	shalt  }
0x66: {  	_ =	shalt  }
0x67: {  	_ =	shalt  }
0x68: {  	_ =	shalt  }
0x69: {  	_ =	shalt  }
0x6a: {  	_ =	shalt  }
0x6b: {  	_ =	shalt  }
0x6c: {  	_ =	shalt  }
0x6d: {  	_ =	shalt  }
0x6e: {  	_ =	shalt  }
0x6f: {  	_ =	shalt  }
0x70: {  	_ =	shalt  }
0x71: {  	_ =	shalt  }
0x72: {  	_ =	shalt  }
0x73: {  	_ =	shalt  }
0x74: {  	_ =	shalt  }
0x75: {  	_ =	shalt  }
0x76: {  	_ =	shalt  }
0x77: {  	_ =	shalt  }
0x78: {  	_ =	shalt  }
0x79: {  	_ =	shalt  }
0x7a: {  	_ =	shalt  }
0x7b: {  	_ =	shalt  }
0x7c: {  	_ =	shalt  }
0x7d: {  	_ =	shalt  }
0x7e: {  	_ =	shalt  }
0x7f: {  	_ =	shalt  }
0x80: {  	_ =	shalt  }
0x81: {  	_ =	shalt  }
0x82: {  	_ =	shalt  }
0x83: {  	_ =	shalt  }
0x84: {  	_ =	shalt  }
0x85: {  	_ =	shalt  }
0x86: {  	_ =	shalt  }
0x87: {  	_ =	shalt  }
.Lfunc_end0:
.L_simem_size_0:
called_computation_lowered:
.L_overlay_start_0:
0x88: {  	s2 =	sld [smem:$0x3FD9]  }
0x89: {  	s3 =	sld [smem:$0x3FFE];
	_ =	sdelay $0x1  }
0x8a: {  	s1 =	srdreg.scid  }
0x8b: {  	s0 =	sand.u32 $0x1, s1  }
0x8c: {  	s17 =	sshll.u32 s0, $0xA;
	s2 =	sadd.s32 s3, s2  }
0x8d: {  	s2 =	sadd.s32 s2, s17  }
0x8e: {  	[smem:$0x3FC5] =	sst s2  }
0x8f: {  	_ = 	snop  }
0x90: {  	s2 =	sld [smem:$0x3FC9]  }
0x91: {  	s18 =	sld [smem:$0x3FD0];
	(tm) =	ssettm $0x1  }
0x92: {  	s4 =	sld [smem:$0x3FFB];
	_ =	sdelay $0x3  }
0x93: {  	_ =	strace s4  }
0x94: {  	s4 =	sld [smem:$0x3FFC];
	_ =	sdelay $0x3  }
0x95: {  	_ =	strace s4  }
0x96: {  	s4 =	sld [smem:$0x3FFD];
	_ =	sdelay $0x3  }
0x97: {  	_ =	strace s4  }
0x98: {  	_ =	strace $0x8FFFFFFF  }
0x99: {  	s19 =	sld [smem:$0x3FDB];
	_ =	sdelay $0x1  }
0x9a: {  	s5 =	simm.s32 $_scs_section_size  }
0x9b: {  	s6 =	simm.s32 $_size__tile_overlayer_lowered;
	s7 =	simm.s32 $_tile_overlayer_lowered  }
0x9c: {  	s22 =	simm.s32 $0x1BFF;
	s21 =	sshll.u32 s7, $0x1;
	s4 =	sadd.s32 s5, s19  }
0x9d: {  	s8 =	simm.s32 $0x0;
	s20 =	sshll.u32 s6, $0x1;
	s6 =	sadd.s32 s21, s4  }
0x9e: {  	[timem:s8], [sflag:s22] =	dma.local [hbm:s6], s20  }
0x9f: {  	_ =	swait.ge [sflag:s22], s20  }
0xa0: {  	s5 =	ssub.s32 $0x0, s20;
	[sflag:s22] =	ssyncset.done $0x0  }
0xa1: {  	[sflag:s22] =	ssyncadd.s32 s5;
	_ =	sdelay $0x1  }
0xa2: {  	s23 =	simm.s32 $0x1B8B  }
0xa3: {  	_ =	swait.ge [sflag:s23], $0x1  }
0xa4: {  	[sflag:s23] =	ssyncset.done $0x0  }
0xa5: {  	s25 =	simm.s32 $0x1B8E;
	s24 =	sld [smem:$0x3FFE];
	[sflag:s23] =	ssyncadd.s32 $0xFFFFFFFF  }
0xa6: {  	s26 =	simm.s32 $execute0_lowered;
	[smem:$0x3FD2] =	sst s25  }
0xa7: {  	s6 =	sshll.u32 s26, $0x1;
	_ =	strace $0x80000046;
	[dreg:$0x1] =	wrdreg $0xFFFFFFFF  }
0xa8: {  	s28 =	simm.s32 $_size_execute0_lowered;
	s4 =	sadd.s32 s4, s6;
	[dreg:$0x0] =	wrdreg $0x0  }
0xa9: {  	s6 =	sshll.u32 s28, $0x1;
	[dreg:$0x2] =	wrdreg s4  }
0xaa: {  	[dreg:$0x3] =	wrdreg s6  }
0xab: {  	[dreg:$0x4] =	wrdreg $0xC0  }
0xac: {  	_ =	task [dreg:s8], $0x5FFFF  }
0xad: {  	[dreg:$0x1] =	wrdreg $0xFFFFFFFF  }
0xae: {  	[dreg:$0x0] =	wrdreg $0x60  }
0xaf: {  	[dreg:$0x2] =	wrdreg s2  }
0xb0: {  	[dreg:$0x3] =	wrdreg s18  }
0xb1: {  	[dreg:$0x4] =	wrdreg s24  }
0xb2: {  	[dreg:$0x5] =	wrdreg $0x85000  }
0xb3: {  	[dreg:$0x6] =	wrdreg $0x1C1000  }
0xb4: {  	[dreg:$0x7] =	wrdreg $0x9  }
0xb5: {  	_ =	task.clear_ibuf [dreg:s8], $0x8FFFF;
	_ =	strace $0x90000046  }
0xb6: {  	s29 =	simm.s32 $0x9;
	_ =	strace $0x80000048  }
0xb7: {  	_ =	swait.ge [sflag:s29], $0x1  }
0xb8: {  	[sflag:s29] =	ssyncadd.s32 $0xFFFFFFFF  }
0xb9: {  	_ =	strace $0x90000048  }
0xba: {  	_ =	sfence  }
0xbb: {  	s30 =	sld [smem:$0x0];
	_ =	sdelay $0x2  }
0xbc: {  	s31 =	sshll.u32 s1, $0xD;
	s1 =	sshrl.u32 s1, $0x2  }
0xbd: {  	s3 =	sand.u32 $0x4000, s31;
	s1 =	sadd.s32 s1, s30  }
0xbe: {  	s0 =	sor.u32 s3, s0;
	s1 =	sshll.u32 s1, $0x11  }
0xbf: {  	s0 =	sor.u32 s1, s0  }
0xc0: {  	s0 =	sadd.s32 $0x8F2B, s0  }
0xc1: {  	[sflag:s0] =	ssyncadd.remote.s32 $0x1  }
0xc2: {  	_ =	sfence.sel $0xFFFF  }
0xc3: {  	[dreg:$0x0] =	wrdreg $0xFFFFFFFF;
	(pc) =	sbr.abs _section_cstart, $3  }
0xc4: {  	[dreg:$0x1] =	wrdreg $0xFFFFFFFF  }
0xc5: {  	_ =	task.clear_ibuf [dreg:s8], $0x2FFFF;
	_ =	strace $0x9FFFFFFF  }
0xc6: {  	(tm) =	ssettm $0x7FFFFFFF  }
0xc7: {  	_ =	shalt  }
tec
execute0_lowered:
.L_overlay_start_1:
0x0: {  	(tag) =	ssettag $0x1  }
0x1: {  	s1 =	rddreg [dreg:$0x0]  }
0x2: {  	s0 =	rddreg [dreg:$0x1]  }
0x3: {  	s2 =	rddreg [dreg:$0x2]  }
0x4: {  	s3 =	rddreg [dreg:$0x3]  }
0x5: {  	s4 =	rddreg [dreg:$0x4]  }
0x6: {  	s17 =	stileid.u32;
	s6 =	srdreg.scid  }
0x7: {  	s5 =	simm.s32 $0x0;
	s28 =	simm.s32 $0x400;
	s29 =	simm.s32 $0x2  }
0x8: {  	s30 =	simm.s32 $0x8480;
	s31 =	simm.s32 $0x200;
	s7 =	smul.u32 $0x278, s17  }
0x9: {  	s6 =	sand.u32 $0x1, s6;
	s8 =	sadd.s32 $0xB800, s2;
	s13 =	smul.u32 $0x13C00, s17  }
0xa: {  	s18 =	smul.u32 $0x4F000, s17;
	[smem:$0x7FF] =	sst s5;
	s9 =	ssub.s32 $0x2, s6  }
0xb: {  	s10 =	smul.u32 $0x13C000, s6;
	p0 =	seq.s32 s6, $0x0;
	s6 =	sshll.u32 s6, $0x4  }
0xc: {  	s11 =	sshrl.u32 s9, $0x1;
	s12 =	sadd.s32 $0x80, s7;
	s14 =	sadd.s32 $0x100, s7  }
0xd: {  	s23 =	sadd.s32 $0x180, s7;
	s25 =	sadd.s32 $0x200, s7;
	s9 =	ssub.s32 s9, s11  }
0xe: {  	s11 =	sshll.u32 s12, $0x7;
	s15 =	sshll.u32 s14, $0x7;
	s13 =	sadd.s32 s13, s10  }
0xf: {  	s22 =	sshll.u32 s23, $0x7;
	s24 =	sshll.u32 s25, $0x7;
	s13 =	sshrl.u32 s13, $0x3  }
0x10: {  	s19 =	sadd.s32 s10, s11;
	s16 =	sadd.s32 s10, s15;
	s21 =	sadd.s32 s10, s22  }
0x11: {  	s10 =	sadd.s32 s10, s24;
	s22 =	sadd.s32 s22, s3;
	s24 =	sadd.s32 s24, s3  }
0x12: {  	s13 =	sadd.s32 s8, s13;
	s20 =	sshrl.u32 s16, $0x3;
	s26 =	sshrl.u32 s21, $0x3  }
0x13: {  	s10 =	sshrl.u32 s10, $0x3;
	s16 =	sshll.u32 s17, $0x5;
	s21 =	sshrl.u32 s12, $0x3  }
0x14: {  	s17 =	sadd.s32 s11, s3;
	[dreg:$0x8] =	wrdreg s13;
	s13 =	sshrl.u32 s19, $0x3  }
0x15: {  	s11 =	simm.s32 $0x180;
	s0 =	sadd.s32 s16, s0;
	s13 =	sadd.s32 s8, s13  }
0x16: {  	s19 =	sshrl.u32 s18, $0x2;
	[dreg:$0x9] =	wrdreg s13;
	s13 =	sadd.s32 s8, s20  }
0x17: {  	s18 =	smax.u32 s9, $0x1;
	[dreg:$0xa] =	wrdreg s13;
	s13 =	sadd.s32 s8, s26  }
0x18: {  	s9 =	simm.s32 $0x1;
	s8 =	sadd.s32 s8, s10;
	[dreg:$0xb] =	wrdreg s13  }
0x19: {  	s0 =	sadd.s32 s6, s0;
	s20 =	sshrl.u32 s7, $0x3;
	[dreg:$0xc] =	wrdreg s8  }
0x1a: {  	s13 =	simm.s32 $0xAC00;
	_ =	strace $0x80000047;
	[dreg:$0x6] =	wrdreg s0  }
0x1b: {  	s26 =	sshrl.u32 s14, $0x3;
	s13 =	simm.s32 @!p0 $0xB200;
	[dreg:$0x12] =	wrdreg s17  }
0x1c: {  	s8 =	simm.s32 $0x300;
	[dreg:$0x13] =	wrdreg s18;
	s10 =	sadd.s32 s13, s2  }
0x1d: {  	s2 =	sadd.s32 s16, s2;
	s16 =	sshrl.u32 s25, $0x3;
	s25 =	sadd.s32 s25, s4  }
0x1e: {  	s2 =	sadd.s32 s6, s2;
	s0 =	sadd.s32 s10, s20;
	s6 =	sadd.s32 s10, s21  }
0x1f: {  	s20 =	sadd.s32 s15, s3;
	s21 =	sadd.s32 s14, s4;
	[dreg:$0xd] =	wrdreg s0  }
0x20: {  	[dreg:$0xe] =	wrdreg s6;
	s0 =	sadd.s32 s10, s26;
	s6 =	sshrl.u32 s23, $0x3  }
0x21: {  	s13 =	sadd.s32 $0xC00, s2;
	s2 =	sadd.s32 s10, s16;
	s16 =	sadd.s32 s19, s3  }
0x22: {  	s26 =	sadd.s32 s7, s4;
	s19 =	sadd.s32 s12, s4;
	[dreg:$0xf] =	wrdreg s0  }
0x23: {  	s23 =	sadd.s32 s23, s4;
	s7 =	simm.s32 $0x100;
	[dreg:$0x11] =	wrdreg s2  }
0x24: {  	s12 =	simm.s32 $0x380;
	s0 =	sadd.s32 s10, s6;
	[dreg:$0x7] =	wrdreg s13  }
0x25: {  	s2 =	simm.s32 $0x280;
	s6 =	simm.s32 $0x4400;
	s10 =	simm.s32 $0x8400  }
0x26: {  	v0 =	vimm.f32 $0.0e+00;
	v1 =	vimm.f32 $1.000000000e+00;
	s13 =	simm.s32 $0x0;
	[dreg:$0x10] =	wrdreg s0;
	s0 =	simm.s32 $0x80  }
.LBB2_1:
0x27: {  	s14 =	simm.s32 $0x0;
	s15 =	simm.s32 $0x200  }
.LBB2_2:
0x28: {  	p0 =	sne.s32 s15, $0xFE00;
	[tilespmem:s14+$0x470] =	vst v0  }
0x29: {  	[tilespmem:s14+$0x400] =	vst v0  }
0x2a: {  	[tilespmem:s14+$0x410] =	vst v0  }
.Ltmp0:
0x2b: {  	[tilespmem:s14+$0x420] =	vst v0;
	(pc) =	sbr.rel @p0 .LBB2_2-.Ltmp0, $4  }
0x2c: {  	[tilespmem:s14+$0x430] =	vst v0  }
0x2d: {  	[tilespmem:s14+$0x440] =	vst v0  }
0x2e: {  	[tilespmem:s14+$0x450] =	vst v0  }
0x2f: {  	[tilespmem:s14+$0x460] =	vst v0;
	s14 =	sshra.s32 s15, $0x2;
	s15 =	sadd.s32 $0x200, s15  }
0x30: {  	[tilespmem:s14+$0x470] =	vst v0  }
0x31: {  	[tilespmem:s14+$0x400] =	vst v0  }
0x32: {  	[tilespmem:s14+$0x410] =	vst v0  }
0x33: {  	[tilespmem:s14+$0x420] =	vst v0  }
0x34: {  	[tilespmem:s14+$0x430] =	vst v0  }
0x35: {  	[tilespmem:s14+$0x440] =	vst v0  }
0x36: {  	[tilespmem:s14+$0x450] =	vst v0  }
0x37: {  	[tilespmem:s14+$0x460] =	vst v0  }
0x38: {  	[tilespmem:$0x8480] =	vst v0  }
0x39: {  	[tilespmem:$0x8490] =	vst v0  }
0x3a: {  	[tilespmem:$0x84A0] =	vst v0  }
0x3b: {  	[tilespmem:$0x84B0] =	vst v0  }
0x3c: {  	[tilespmem:$0x84C0] =	vst v0  }
0x3d: {  	[tilespmem:$0x84D0] =	vst v0  }
0x3e: {  	[tilespmem:$0x84E0] =	vst v0  }
0x3f: {  	[tilespmem:$0x84F0] =	vst v0  }
0x40: {  	[tilespmem:$0x8400] =	vst v1  }
0x41: {  	[tilespmem:$0x8410] =	vst v1  }
0x42: {  	[tilespmem:$0x8420] =	vst v1  }
0x43: {  	[tilespmem:$0x8430] =	vst v1  }
0x44: {  	[tilespmem:$0x8440] =	vst v1  }
0x45: {  	[tilespmem:$0x8450] =	vst v1  }
0x46: {  	[tilespmem:$0x8460] =	vst v1  }
0x47: {  	[tilespmem:$0x8470] =	vst v1  }
0x48: {  	[spmem:s16] =	stream.linear.scatter [tilespmem:s28], [sflag:$0x2], $0x4000, $0x38;
	[tilespmem:$0x1C378] =	vst v63  }
0x49: {  	_ =	swait.ge [sflag:s29], $0x4000  }
0x4a: {  	[sflag:s29] =	ssyncset.done $0x0  }
0x4b: {  	[sflag:s29] =	ssyncadd.s32 $0xFFFFC000  }
0x4c: {  	[spmem:s26] =	stream.linear.scatter [tilespmem:s30], [sflag:$0x2], $0x80, $0x38;
	[tilespmem:$0x1C378] =	vst v63  }
0x4d: {  	_ =	swait.ge [sflag:s29], $0x80  }
0x4e: {  	[sflag:s29] =	ssyncset.done $0x0  }
0x4f: {  	s18 =	smov.u32 s26;
	s26 =	rddreg [dreg:$0x12];
	[sflag:s29] =	ssyncadd.s32 $0xFFFFFF80  }
0x50: {  	[spmem:s26] =	stream.linear.scatter [tilespmem:s28], [sflag:$0x2], $0x4000, $0x38;
	[tilespmem:$0x1C378] =	vst v63  }
0x51: {  	_ =	swait.ge [sflag:s29], $0x4000  }
0x52: {  	[sflag:s29] =	ssyncset.done $0x0  }
0x53: {  	[sflag:s29] =	ssyncadd.s32 $0xFFFFC000  }
0x54: {  	[spmem:s19] =	stream.linear.scatter [tilespmem:s30], [sflag:$0x2], $0x80, $0x38;
	[tilespmem:$0x1C378] =	vst v63  }
0x55: {  	_ =	swait.ge [sflag:s29], $0x80  }
0x56: {  	[sflag:s29] =	ssyncset.done $0x0  }
0x57: {  	[sflag:s29] =	ssyncadd.s32 $0xFFFFFF80  }
0x58: {  	[spmem:s20] =	stream.linear.scatter [tilespmem:s28], [sflag:$0x2], $0x4000, $0x38;
	[tilespmem:$0x1C378] =	vst v63  }
0x59: {  	_ =	swait.ge [sflag:s29], $0x4000  }
0x5a: {  	[sflag:s29] =	ssyncset.done $0x0  }
0x5b: {  	[sflag:s29] =	ssyncadd.s32 $0xFFFFC000  }
0x5c: {  	[spmem:s21] =	stream.linear.scatter [tilespmem:s30], [sflag:$0x2], $0x80, $0x38;
	[tilespmem:$0x1C378] =	vst v63  }
0x5d: {  	_ =	swait.ge [sflag:s29], $0x80  }
0x5e: {  	[sflag:s29] =	ssyncset.done $0x0  }
0x5f: {  	[sflag:s29] =	ssyncadd.s32 $0xFFFFFF80  }
0x60: {  	[spmem:s22] =	stream.linear.scatter [tilespmem:s28], [sflag:$0x2], $0x4000, $0x38;
	[tilespmem:$0x1C378] =	vst v63  }
0x61: {  	_ =	swait.ge [sflag:s29], $0x4000  }
0x62: {  	[sflag:s29] =	ssyncset.done $0x0  }
0x63: {  	[sflag:s29] =	ssyncadd.s32 $0xFFFFC000  }
0x64: {  	[spmem:s23] =	stream.linear.scatter [tilespmem:s30], [sflag:$0x2], $0x80, $0x38;
	[tilespmem:$0x1C378] =	vst v63  }
0x65: {  	_ =	swait.ge [sflag:s29], $0x80  }
0x66: {  	[sflag:s29] =	ssyncset.done $0x0  }
0x67: {  	[sflag:s29] =	ssyncadd.s32 $0xFFFFFF80  }
0x68: {  	[spmem:s24] =	stream.linear.scatter [tilespmem:s28], [sflag:$0x2], $0x3C00, $0x38;
	[tilespmem:$0x1C378] =	vst v63  }
0x69: {  	_ =	swait.ge [sflag:s29], $0x3C00  }
0x6a: {  	[sflag:s29] =	ssyncset.done $0x0  }
0x6b: {  	[sflag:s29] =	ssyncadd.s32 $0xFFFFC400  }
0x6c: {  	[spmem:s25] =	stream.linear.scatter [tilespmem:s30], [sflag:$0x2], $0x78, $0x38;
	[tilespmem:$0x1C378] =	vst v63  }
0x6d: {  	_ =	swait.ge [sflag:s29], $0x78  }
0x6e: {  	[sflag:s29] =	ssyncset.done $0x0  }
0x6f: {  	[sflag:s29] =	ssyncadd.s32 $0xFFFFFF88  }
0x70: {  	[bflag:$0x0] =	sbarrier.arrive $0xFFFF  }
0x71: {  	s15 =	rddreg [dreg:$0x6]  }
0x72: {  	s14 =	sadd.s32 $0x0, s15  }
0x73: {  	[tilespmem:s5], [sflag:$0x2] =	stream.linear.gather [hbm4b:s14+s5], $0x80, $0x38;
	[tilespmem:$0x1C378] =	vst v63  }
0x74: {  	_ =	swait.ge [sflag:s29], $0x80  }
0x75: {  	s15 =	rddreg [dreg:$0x7];
	[sflag:s29] =	ssyncset.done $0x0  }
0x76: {  	[sflag:s29] =	ssyncadd.s32 $0xFFFFFF80;
	s15 =	sadd.s32 $0x0, s15  }
0x77: {  	[tilespmem:s31], [sflag:$0x2] =	stream.linear.gather [hbm4b:s15+s5], $0x80, $0x38;
	[tilespmem:$0x1C378] =	vst v63  }
0x78: {  	_ =	swait.ge [sflag:s29], $0x80  }
0x79: {  	[sflag:s29] =	ssyncset.done $0x0  }
0x7a: {  	s17 =	smov.u32 s16;
	s16 =	sadd.s32 $0x200, s14;
	[sflag:s29] =	ssyncadd.s32 $0xFFFFFF80  }
0x7b: {  	[tilespmem:s0], [sflag:$0x2] =	stream.linear.gather [hbm4b:s16+s5], $0x80, $0x38;
	[tilespmem:$0x1C378] =	vst v63  }
0x7c: {  	_ =	swait.ge [sflag:s29], $0x80  }
0x7d: {  	[sflag:s29] =	ssyncset.done $0x0  }
0x7e: {  	s16 =	sadd.s32 $0x200, s15;
	[sflag:s29] =	ssyncadd.s32 $0xFFFFFF80  }
0x7f: {  	[tilespmem:s2], [sflag:$0x2] =	stream.linear.gather [hbm4b:s16+s5], $0x80, $0x38;
	[tilespmem:$0x1C378] =	vst v63  }
0x80: {  	_ =	swait.ge [sflag:s29], $0x80  }
0x81: {  	[sflag:s29] =	ssyncset.done $0x0  }
0x82: {  	[sflag:s29] =	ssyncadd.s32 $0xFFFFFF80  }
0x83: {  	[tilespmem:s28], [sflag:$0x1] =	stream.indirect.gather [hbm4b:s1+s0], $0x80, s31, s0, $0xb8;
	[tilespmem:$0x1C378] =	vst v63  }
0x84: {  	_ = 	snop  }
0x85: {  	[tilespmem:s6], [sflag:$0x1] =	stream.indirect.gather [hbm4b:s1+s0], $0x80, s2, s0, $0xb8;
	[tilespmem:$0x1C378] =	vst v63  }
0x86: {  	s16 =	sadd.s32 $0x400, s14  }
0x87: {  	[tilespmem:s7], [sflag:$0x2] =	stream.linear.gather [hbm4b:s16+s5], $0x80, $0x38;
	[tilespmem:$0x1C378] =	vst v63  }
0x88: {  	_ =	swait.ge [sflag:s29], $0x80  }
0x89: {  	[sflag:s29] =	ssyncset.done $0x0  }
0x8a: {  	s16 =	sadd.s32 $0x400, s15;
	[sflag:s29] =	ssyncadd.s32 $0xFFFFFF80  }
0x8b: {  	[tilespmem:s8], [sflag:$0x2] =	stream.linear.gather [hbm4b:s16+s5], $0x80, $0x38;
	[tilespmem:$0x1C378] =	vst v63  }
0x8c: {  	_ =	swait.ge [sflag:s29], $0x80  }
0x8d: {  	[sflag:s29] =	ssyncset.done $0x0  }
0x8e: {  	[sflag:s29] =	ssyncadd.s32 $0xFFFFFF80  }
0x8f: {  	_ =	swait.ge [sflag:s9], $0x4000  }
0x90: {  	[sflag:s9] =	ssyncset.done $0x0  }
0x91: {  	[sflag:s9] =	ssyncadd.s32 $0xFFFFC000  }
0x92: {  	[spmem:s3] =	stream.indirect.scatter.add.f32 [tilespmem:s28], [sflag:$0x2], $0x80, s5, s0, $0xb8;
	[tilespmem:$0x1C378] =	vst v63  }
0x93: {  	_ =	swait.ge [sflag:s29], $0x4000  }
0x94: {  	[sflag:s29] =	ssyncset.done $0x0  }
0x95: {  	[sflag:s29] =	ssyncadd.s32 $0xFFFFC000  }
0x96: {  	[spmem:s4] =	stream.indirect.scatter.add.f32 [tilespmem:s10], [sflag:$0x2], $0x1, s5, s0, $0xb8;
	[tilespmem:$0x1C378] =	vst v63  }
0x97: {  	_ =	swait.ge [sflag:s29], $0x80  }
0x98: {  	[sflag:s29] =	ssyncset.done $0x0  }
0x99: {  	[sflag:s29] =	ssyncadd.s32 $0xFFFFFF80  }
0x9a: {  	[tilespmem:s28], [sflag:$0x1] =	stream.indirect.gather [hbm4b:s1+s0], $0x80, s8, s0, $0xb8;
	[tilespmem:$0x1C378] =	vst v63  }
0x9b: {  	s16 =	sadd.s32 $0x600, s14  }
0x9c: {  	[tilespmem:s11], [sflag:$0x2] =	stream.linear.gather [hbm4b:s16+s5], $0x80, $0x38;
	[tilespmem:$0x1C378] =	vst v63  }
0x9d: {  	_ =	swait.ge [sflag:s29], $0x80  }
0x9e: {  	[sflag:s29] =	ssyncset.done $0x0  }
0x9f: {  	s16 =	sadd.s32 $0x600, s15;
	[sflag:s29] =	ssyncadd.s32 $0xFFFFFF80  }
0xa0: {  	[tilespmem:s12], [sflag:$0x2] =	stream.linear.gather [hbm4b:s16+s5], $0x80, $0x38;
	[tilespmem:$0x1C378] =	vst v63  }
0xa1: {  	_ =	swait.ge [sflag:s29], $0x80  }
0xa2: {  	[sflag:s29] =	ssyncset.done $0x0  }
0xa3: {  	[sflag:s29] =	ssyncadd.s32 $0xFFFFFF80  }
0xa4: {  	_ =	swait.ge [sflag:s9], $0x4000  }
0xa5: {  	[sflag:s9] =	ssyncset.done $0x0  }
0xa6: {  	[sflag:s9] =	ssyncadd.s32 $0xFFFFC000  }
0xa7: {  	[spmem:s3] =	stream.indirect.scatter.add.f32 [tilespmem:s6], [sflag:$0x2], $0x80, s0, s0, $0xb8;
	[tilespmem:$0x1C378] =	vst v63  }
0xa8: {  	_ =	swait.ge [sflag:s29], $0x4000  }
0xa9: {  	[sflag:s29] =	ssyncset.done $0x0  }
0xaa: {  	[sflag:s29] =	ssyncadd.s32 $0xFFFFC000  }
0xab: {  	[spmem:s4] =	stream.indirect.scatter.add.f32 [tilespmem:s10], [sflag:$0x2], $0x1, s0, s0, $0xb8;
	[tilespmem:$0x1C378] =	vst v63  }
0xac: {  	_ =	swait.ge [sflag:s29], $0x80  }
0xad: {  	[sflag:s29] =	ssyncset.done $0x0  }
0xae: {  	[sflag:s29] =	ssyncadd.s32 $0xFFFFFF80  }
0xaf: {  	[tilespmem:s6], [sflag:$0x1] =	stream.indirect.gather [hbm4b:s1+s0], $0x80, s12, s0, $0xb8;
	[tilespmem:$0x1C378] =	vst v63  }
0xb0: {  	s16 =	sadd.s32 $0x800, s14  }
0xb1: {  	[tilespmem:s5], [sflag:$0x2] =	stream.linear.gather [hbm4b:s16+s5], $0x80, $0x38;
	[tilespmem:$0x1C378] =	vst v63  }
0xb2: {  	_ =	swait.ge [sflag:s29], $0x80  }
0xb3: {  	[sflag:s29] =	ssyncset.done $0x0  }
0xb4: {  	s16 =	sadd.s32 $0x800, s15;
	[sflag:s29] =	ssyncadd.s32 $0xFFFFFF80  }
0xb5: {  	[tilespmem:s31], [sflag:$0x2] =	stream.linear.gather [hbm4b:s16+s5], $0x80, $0x38;
	[tilespmem:$0x1C378] =	vst v63  }
0xb6: {  	_ =	swait.ge [sflag:s29], $0x80  }
0xb7: {  	[sflag:s29] =	ssyncset.done $0x0  }
0xb8: {  	[sflag:s29] =	ssyncadd.s32 $0xFFFFFF80  }
0xb9: {  	_ =	swait.ge [sflag:s9], $0x4000  }
0xba: {  	[sflag:s9] =	ssyncset.done $0x0  }
0xbb: {  	[sflag:s9] =	ssyncadd.s32 $0xFFFFC000  }
0xbc: {  	[spmem:s3] =	stream.indirect.scatter.add.f32 [tilespmem:s28], [sflag:$0x2], $0x80, s7, s0, $0xb8;
	[tilespmem:$0x1C378] =	vst v63  }
0xbd: {  	_ =	swait.ge [sflag:s29], $0x4000  }
0xbe: {  	[sflag:s29] =	ssyncset.done $0x0  }
0xbf: {  	[sflag:s29] =	ssyncadd.s32 $0xFFFFC000  }
0xc0: {  	[spmem:s4] =	stream.indirect.scatter.add.f32 [tilespmem:s10], [sflag:$0x2], $0x1, s7, s0, $0xb8;
	[tilespmem:$0x1C378] =	vst v63  }
0xc1: {  	_ =	swait.ge [sflag:s29], $0x80  }
0xc2: {  	[sflag:s29] =	ssyncset.done $0x0  }
0xc3: {  	[sflag:s29] =	ssyncadd.s32 $0xFFFFFF80  }
0xc4: {  	[tilespmem:s28], [sflag:$0x1] =	stream.indirect.gather [hbm4b:s1+s0], $0x80, s31, s0, $0xb8;
	[tilespmem:$0x1C378] =	vst v63  }
0xc5: {  	s16 =	sadd.s32 $0xA00, s14  }
0xc6: {  	[tilespmem:s0], [sflag:$0x2] =	stream.linear.gather [hbm4b:s16+s5], $0x80, $0x38;
	[tilespmem:$0x1C378] =	vst v63  }
0xc7: {  	_ =	swait.ge [sflag:s29], $0x80  }
0xc8: {  	[sflag:s29] =	ssyncset.done $0x0  }
0xc9: {  	s16 =	sadd.s32 $0xA00, s15;
	[sflag:s29] =	ssyncadd.s32 $0xFFFFFF80  }
0xca: {  	[tilespmem:s2], [sflag:$0x2] =	stream.linear.gather [hbm4b:s16+s5], $0x80, $0x38;
	[tilespmem:$0x1C378] =	vst v63  }
0xcb: {  	_ =	swait.ge [sflag:s29], $0x80  }
0xcc: {  	[sflag:s29] =	ssyncset.done $0x0  }
0xcd: {  	[sflag:s29] =	ssyncadd.s32 $0xFFFFFF80  }
0xce: {  	_ =	swait.ge [sflag:s9], $0x4000  }
0xcf: {  	[sflag:s9] =	ssyncset.done $0x0  }
0xd0: {  	[sflag:s9] =	ssyncadd.s32 $0xFFFFC000  }
0xd1: {  	[spmem:s3] =	stream.indirect.scatter.add.f32 [tilespmem:s6], [sflag:$0x2], $0x80, s11, s0, $0xb8;
	[tilespmem:$0x1C378] =	vst v63  }
0xd2: {  	_ =	swait.ge [sflag:s29], $0x4000  }
0xd3: {  	[sflag:s29] =	ssyncset.done $0x0  }
0xd4: {  	[sflag:s29] =	ssyncadd.s32 $0xFFFFC000  }
0xd5: {  	[spmem:s4] =	stream.indirect.scatter.add.f32 [tilespmem:s10], [sflag:$0x2], $0x1, s11, s0, $0xb8;
	[tilespmem:$0x1C378] =	vst v63  }
0xd6: {  	_ =	swait.ge [sflag:s29], $0x80  }
0xd7: {  	[sflag:s29] =	ssyncset.done $0x0  }
0xd8: {  	[sflag:s29] =	ssyncadd.s32 $0xFFFFFF80  }
0xd9: {  	[tilespmem:s6], [sflag:$0x1] =	stream.indirect.gather [hbm4b:s1+s0], $0x80, s2, s0, $0xb8;
	[tilespmem:$0x1C378] =	vst v63  }
0xda: {  	s16 =	sadd.s32 $0xC00, s14  }
0xdb: {  	[tilespmem:s7], [sflag:$0x2] =	stream.linear.gather [hbm4b:s16+s5], $0x80, $0x38;
	[tilespmem:$0x1C378] =	vst v63  }
0xdc: {  	_ =	swait.ge [sflag:s29], $0x80  }
0xdd: {  	[sflag:s29] =	ssyncset.done $0x0  }
0xde: {  	s16 =	sadd.s32 $0xC00, s15;
	[sflag:s29] =	ssyncadd.s32 $0xFFFFFF80  }
0xdf: {  	[tilespmem:s8], [sflag:$0x2] =	stream.linear.gather [hbm4b:s16+s5], $0x80, $0x38;
	[tilespmem:$0x1C378] =	vst v63  }
0xe0: {  	_ =	swait.ge [sflag:s29], $0x80  }
0xe1: {  	[sflag:s29] =	ssyncset.done $0x0  }
0xe2: {  	[sflag:s29] =	ssyncadd.s32 $0xFFFFFF80  }
0xe3: {  	_ =	swait.ge [sflag:s9], $0x4000  }
0xe4: {  	[sflag:s9] =	ssyncset.done $0x0  }
0xe5: {  	[sflag:s9] =	ssyncadd.s32 $0xFFFFC000  }
0xe6: {  	[spmem:s3] =	stream.indirect.scatter.add.f32 [tilespmem:s28], [sflag:$0x2], $0x80, s5, s0, $0xb8;
	[tilespmem:$0x1C378] =	vst v63  }
0xe7: {  	_ =	swait.ge [sflag:s29], $0x4000  }
0xe8: {  	[sflag:s29] =	ssyncset.done $0x0  }
0xe9: {  	[sflag:s29] =	ssyncadd.s32 $0xFFFFC000  }
0xea: {  	[spmem:s4] =	stream.indirect.scatter.add.f32 [tilespmem:s10], [sflag:$0x2], $0x1, s5, s0, $0xb8;
	[tilespmem:$0x1C378] =	vst v63  }
0xeb: {  	_ =	swait.ge [sflag:s29], $0x80  }
0xec: {  	[sflag:s29] =	ssyncset.done $0x0  }
0xed: {  	[sflag:s29] =	ssyncadd.s32 $0xFFFFFF80  }
0xee: {  	[tilespmem:s28], [sflag:$0x1] =	stream.indirect.gather [hbm4b:s1+s0], $0x80, s8, s0, $0xb8;
	[tilespmem:$0x1C378] =	vst v63  }
0xef: {  	s14 =	sadd.s32 $0xE00, s14  }
0xf0: {  	[tilespmem:s11], [sflag:$0x2] =	stream.linear.gather [hbm4b:s14+s5], $0x80, $0x38;
	[tilespmem:$0x1C378] =	vst v63  }
0xf1: {  	_ =	swait.ge [sflag:s29], $0x80  }
0xf2: {  	[sflag:s29] =	ssyncset.done $0x0  }
0xf3: {  	s26 =	sadd.s32 $0xE00, s15;
	[sflag:s29] =	ssyncadd.s32 $0xFFFFFF80  }
0xf4: {  	[tilespmem:s12], [sflag:$0x2] =	stream.linear.gather [hbm4b:s26+s5], $0x80, $0x38;
	[tilespmem:$0x1C378] =	vst v63  }
0xf5: {  	_ =	swait.ge [sflag:s29], $0x80  }
0xf6: {  	[sflag:s29] =	ssyncset.done $0x0  }
0xf7: {  	[sflag:s29] =	ssyncadd.s32 $0xFFFFFF80  }
0xf8: {  	_ =	swait.ge [sflag:s9], $0x4000  }
0xf9: {  	[sflag:s9] =	ssyncset.done $0x0  }
0xfa: {  	[sflag:s9] =	ssyncadd.s32 $0xFFFFC000  }
0xfb: {  	[spmem:s3] =	stream.indirect.scatter.add.f32 [tilespmem:s6], [sflag:$0x2], $0x80, s0, s0, $0xb8;
	[tilespmem:$0x1C378] =	vst v63  }
0xfc: {  	_ =	swait.ge [sflag:s29], $0x4000  }
0xfd: {  	[sflag:s29] =	ssyncset.done $0x0  }
0xfe: {  	[sflag:s29] =	ssyncadd.s32 $0xFFFFC000  }
0xff: {  	[spmem:s4] =	stream.indirect.scatter.add.f32 [tilespmem:s10], [sflag:$0x2], $0x1, s0, s0, $0xb8;
	[tilespmem:$0x1C378] =	vst v63  }
0x100: {  	_ =	swait.ge [sflag:s29], $0x80  }
0x101: {  	[sflag:s29] =	ssyncset.done $0x0  }
0x102: {  	[sflag:s29] =	ssyncadd.s32 $0xFFFFFF80  }
0x103: {  	[tilespmem:s6], [sflag:$0x1] =	stream.indirect.gather [hbm4b:s1+s0], $0x80, s12, s0, $0xb8;
	[tilespmem:$0x1C378] =	vst v63  }
0x104: {  	_ =	swait.ge [sflag:s9], $0x4000  }
0x105: {  	[sflag:s9] =	ssyncset.done $0x0  }
0x106: {  	[sflag:s9] =	ssyncadd.s32 $0xFFFFC000  }
0x107: {  	[spmem:s3] =	stream.indirect.scatter.add.f32 [tilespmem:s28], [sflag:$0x2], $0x80, s7, s0, $0xb8;
	[tilespmem:$0x1C378] =	vst v63  }
0x108: {  	_ =	swait.ge [sflag:s29], $0x4000  }
0x109: {  	[sflag:s29] =	ssyncset.done $0x0  }
0x10a: {  	[sflag:s29] =	ssyncadd.s32 $0xFFFFC000  }
0x10b: {  	[spmem:s4] =	stream.indirect.scatter.add.f32 [tilespmem:s10], [sflag:$0x2], $0x1, s7, s0, $0xb8;
	[tilespmem:$0x1C378] =	vst v63  }
0x10c: {  	_ =	swait.ge [sflag:s29], $0x80  }
0x10d: {  	[sflag:s29] =	ssyncset.done $0x0  }
0x10e: {  	[sflag:s29] =	ssyncadd.s32 $0xFFFFFF80  }
0x10f: {  	_ =	swait.ge [sflag:s9], $0x4000  }
0x110: {  	[sflag:s9] =	ssyncset.done $0x0  }
0x111: {  	[sflag:s9] =	ssyncadd.s32 $0xFFFFC000  }
0x112: {  	[spmem:s3] =	stream.indirect.scatter.add.f32 [tilespmem:s6], [sflag:$0x2], $0x80, s11, s0, $0xb8;
	[tilespmem:$0x1C378] =	vst v63  }
0x113: {  	_ =	swait.ge [sflag:s29], $0x4000  }
0x114: {  	[sflag:s29] =	ssyncset.done $0x0  }
0x115: {  	[sflag:s29] =	ssyncadd.s32 $0xFFFFC000  }
0x116: {  	[spmem:s4] =	stream.indirect.scatter.add.f32 [tilespmem:s10], [sflag:$0x2], $0x1, s11, s0, $0xb8;
	[tilespmem:$0x1C378] =	vst v63  }
0x117: {  	s14 =	simm.s32 $0x1000;
	_ =	swait.ge [sflag:s29], $0x80  }
.LBB2_4:
0x118: {  	s15 =	rddreg [dreg:$0x6];
	s26 =	smov.u32 s14;
	[sflag:s29] =	ssyncset.done $0x0  }
0x119: {  	s15 =	sadd.s32 s26, s15;
	[sflag:s29] =	ssyncadd.s32 $0xFFFFFF80  }
0x11a: {  	[tilespmem:s5], [sflag:$0x2] =	stream.linear.gather [hbm4b:s15+s5], $0x80, $0x38;
	[tilespmem:$0x1C378] =	vst v63  }
0x11b: {  	_ =	swait.ge [sflag:s29], $0x80  }
0x11c: {  	s16 =	rddreg [dreg:$0x7];
	[sflag:s29] =	ssyncset.done $0x0  }
0x11d: {  	[sflag:s29] =	ssyncadd.s32 $0xFFFFFF80;
	s26 =	sadd.s32 s26, s16  }
0x11e: {  	[tilespmem:s31], [sflag:$0x2] =	stream.linear.gather [hbm4b:s26+s5], $0x80, $0x38;
	[tilespmem:$0x1C378] =	vst v63  }
0x11f: {  	_ =	swait.ge [sflag:s29], $0x80  }
0x120: {  	[sflag:s29] =	ssyncset.done $0x0  }
0x121: {  	s16 =	sadd.s32 $0x200, s15;
	[sflag:s29] =	ssyncadd.s32 $0xFFFFFF80  }
0x122: {  	[tilespmem:s0], [sflag:$0x2] =	stream.linear.gather [hbm4b:s16+s5], $0x80, $0x38;
	[tilespmem:$0x1C378] =	vst v63  }
0x123: {  	_ =	swait.ge [sflag:s29], $0x80  }
0x124: {  	[sflag:s29] =	ssyncset.done $0x0  }
0x125: {  	s16 =	sadd.s32 $0x200, s26;
	[sflag:s29] =	ssyncadd.s32 $0xFFFFFF80  }
0x126: {  	[tilespmem:s2], [sflag:$0x2] =	stream.linear.gather [hbm4b:s16+s5], $0x80, $0x38;
	[tilespmem:$0x1C378] =	vst v63  }
0x127: {  	_ =	swait.ge [sflag:s29], $0x80  }
0x128: {  	[sflag:s29] =	ssyncset.done $0x0  }
0x129: {  	[sflag:s29] =	ssyncadd.s32 $0xFFFFFF80  }
0x12a: {  	[tilespmem:s28], [sflag:$0x1] =	stream.indirect.gather [hbm4b:s1+s0], $0x80, s31, s0, $0xb8;
	[tilespmem:$0x1C378] =	vst v63  }
0x12b: {  	_ = 	snop  }
0x12c: {  	[tilespmem:s6], [sflag:$0x1] =	stream.indirect.gather [hbm4b:s1+s0], $0x80, s2, s0, $0xb8;
	[tilespmem:$0x1C378] =	vst v63  }
0x12d: {  	s16 =	sadd.s32 $0x400, s15  }
0x12e: {  	[tilespmem:s7], [sflag:$0x2] =	stream.linear.gather [hbm4b:s16+s5], $0x80, $0x38;
	[tilespmem:$0x1C378] =	vst v63  }
0x12f: {  	_ =	swait.ge [sflag:s29], $0x80  }
0x130: {  	[sflag:s29] =	ssyncset.done $0x0  }
0x131: {  	s16 =	sadd.s32 $0x400, s26;
	[sflag:s29] =	ssyncadd.s32 $0xFFFFFF80  }
0x132: {  	[tilespmem:s8], [sflag:$0x2] =	stream.linear.gather [hbm4b:s16+s5], $0x80, $0x38;
	[tilespmem:$0x1C378] =	vst v63  }
0x133: {  	_ =	swait.ge [sflag:s29], $0x80  }
0x134: {  	[sflag:s29] =	ssyncset.done $0x0  }
0x135: {  	[sflag:s29] =	ssyncadd.s32 $0xFFFFFF80  }
0x136: {  	_ =	swait.ge [sflag:s9], $0x4000  }
0x137: {  	[sflag:s9] =	ssyncset.done $0x0  }
0x138: {  	[sflag:s9] =	ssyncadd.s32 $0xFFFFC000  }
0x139: {  	[spmem:s3] =	stream.indirect.scatter.add.f32 [tilespmem:s28], [sflag:$0x2], $0x80, s5, s0, $0xb8;
	[tilespmem:$0x1C378] =	vst v63  }
0x13a: {  	_ =	swait.ge [sflag:s29], $0x4000  }
0x13b: {  	[sflag:s29] =	ssyncset.done $0x0  }
0x13c: {  	[sflag:s29] =	ssyncadd.s32 $0xFFFFC000  }
0x13d: {  	[spmem:s4] =	stream.indirect.scatter.add.f32 [tilespmem:s10], [sflag:$0x2], $0x1, s5, s0, $0xb8;
	[tilespmem:$0x1C378] =	vst v63  }
0x13e: {  	_ =	swait.ge [sflag:s29], $0x80  }
0x13f: {  	[sflag:s29] =	ssyncset.done $0x0  }
0x140: {  	[sflag:s29] =	ssyncadd.s32 $0xFFFFFF80  }
0x141: {  	[tilespmem:s28], [sflag:$0x1] =	stream.indirect.gather [hbm4b:s1+s0], $0x80, s8, s0, $0xb8;
	[tilespmem:$0x1C378] =	vst v63  }
0x142: {  	s16 =	sadd.s32 $0x600, s15  }
0x143: {  	[tilespmem:s11], [sflag:$0x2] =	stream.linear.gather [hbm4b:s16+s5], $0x80, $0x38;
	[tilespmem:$0x1C378] =	vst v63  }
0x144: {  	_ =	swait.ge [sflag:s29], $0x80  }
0x145: {  	[sflag:s29] =	ssyncset.done $0x0  }
0x146: {  	s16 =	sadd.s32 $0x600, s26;
	[sflag:s29] =	ssyncadd.s32 $0xFFFFFF80  }
0x147: {  	[tilespmem:s12], [sflag:$0x2] =	stream.linear.gather [hbm4b:s16+s5], $0x80, $0x38;
	[tilespmem:$0x1C378] =	vst v63  }
0x148: {  	_ =	swait.ge [sflag:s29], $0x80  }
0x149: {  	[sflag:s29] =	ssyncset.done $0x0  }
0x14a: {  	[sflag:s29] =	ssyncadd.s32 $0xFFFFFF80  }
0x14b: {  	_ =	swait.ge [sflag:s9], $0x4000  }
0x14c: {  	[sflag:s9] =	ssyncset.done $0x0  }
0x14d: {  	[sflag:s9] =	ssyncadd.s32 $0xFFFFC000  }
0x14e: {  	[spmem:s3] =	stream.indirect.scatter.add.f32 [tilespmem:s6], [sflag:$0x2], $0x80, s0, s0, $0xb8;
	[tilespmem:$0x1C378] =	vst v63  }
0x14f: {  	_ =	swait.ge [sflag:s29], $0x4000  }
0x150: {  	[sflag:s29] =	ssyncset.done $0x0  }
0x151: {  	[sflag:s29] =	ssyncadd.s32 $0xFFFFC000  }
0x152: {  	[spmem:s4] =	stream.indirect.scatter.add.f32 [tilespmem:s10], [sflag:$0x2], $0x1, s0, s0, $0xb8;
	[tilespmem:$0x1C378] =	vst v63  }
0x153: {  	_ =	swait.ge [sflag:s29], $0x80  }
0x154: {  	[sflag:s29] =	ssyncset.done $0x0  }
0x155: {  	[sflag:s29] =	ssyncadd.s32 $0xFFFFFF80  }
0x156: {  	[tilespmem:s6], [sflag:$0x1] =	stream.indirect.gather [hbm4b:s1+s0], $0x80, s12, s0, $0xb8;
	[tilespmem:$0x1C378] =	vst v63  }
0x157: {  	s16 =	sadd.s32 $0x800, s15  }
0x158: {  	[tilespmem:s5], [sflag:$0x2] =	stream.linear.gather [hbm4b:s16+s5], $0x80, $0x38;
	[tilespmem:$0x1C378] =	vst v63  }
0x159: {  	_ =	swait.ge [sflag:s29], $0x80  }
0x15a: {  	[sflag:s29] =	ssyncset.done $0x0  }
0x15b: {  	s16 =	sadd.s32 $0x800, s26;
	[sflag:s29] =	ssyncadd.s32 $0xFFFFFF80  }
0x15c: {  	[tilespmem:s31], [sflag:$0x2] =	stream.linear.gather [hbm4b:s16+s5], $0x80, $0x38;
	[tilespmem:$0x1C378] =	vst v63  }
0x15d: {  	_ =	swait.ge [sflag:s29], $0x80  }
0x15e: {  	[sflag:s29] =	ssyncset.done $0x0  }
0x15f: {  	[sflag:s29] =	ssyncadd.s32 $0xFFFFFF80  }
0x160: {  	_ =	swait.ge [sflag:s9], $0x4000  }
0x161: {  	[sflag:s9] =	ssyncset.done $0x0  }
0x162: {  	[sflag:s9] =	ssyncadd.s32 $0xFFFFC000  }
0x163: {  	[spmem:s3] =	stream.indirect.scatter.add.f32 [tilespmem:s28], [sflag:$0x2], $0x80, s7, s0, $0xb8;
	[tilespmem:$0x1C378] =	vst v63  }
0x164: {  	_ =	swait.ge [sflag:s29], $0x4000  }
0x165: {  	[sflag:s29] =	ssyncset.done $0x0  }
0x166: {  	[sflag:s29] =	ssyncadd.s32 $0xFFFFC000  }
0x167: {  	[spmem:s4] =	stream.indirect.scatter.add.f32 [tilespmem:s10], [sflag:$0x2], $0x1, s7, s0, $0xb8;
	[tilespmem:$0x1C378] =	vst v63  }
0x168: {  	_ =	swait.ge [sflag:s29], $0x80  }
0x169: {  	[sflag:s29] =	ssyncset.done $0x0  }
0x16a: {  	[sflag:s29] =	ssyncadd.s32 $0xFFFFFF80  }
0x16b: {  	[tilespmem:s28], [sflag:$0x1] =	stream.indirect.gather [hbm4b:s1+s0], $0x80, s31, s0, $0xb8;
	[tilespmem:$0x1C378] =	vst v63  }
0x16c: {  	s16 =	sadd.s32 $0xA00, s15  }
0x16d: {  	[tilespmem:s0], [sflag:$0x2] =	stream.linear.gather [hbm4b:s16+s5], $0x80, $0x38;
	[tilespmem:$0x1C378] =	vst v63  }
0x16e: {  	_ =	swait.ge [sflag:s29], $0x80  }
0x16f: {  	[sflag:s29] =	ssyncset.done $0x0  }
0x170: {  	s16 =	sadd.s32 $0xA00, s26;
	[sflag:s29] =	ssyncadd.s32 $0xFFFFFF80  }
0x171: {  	[tilespmem:s2], [sflag:$0x2] =	stream.linear.gather [hbm4b:s16+s5], $0x80, $0x38;
	[tilespmem:$0x1C378] =	vst v63  }
0x172: {  	_ =	swait.ge [sflag:s29], $0x80  }
0x173: {  	[sflag:s29] =	ssyncset.done $0x0  }
0x174: {  	[sflag:s29] =	ssyncadd.s32 $0xFFFFFF80  }
0x175: {  	_ =	swait.ge [sflag:s9], $0x4000  }
0x176: {  	[sflag:s9] =	ssyncset.done $0x0  }
0x177: {  	[sflag:s9] =	ssyncadd.s32 $0xFFFFC000  }
0x178: {  	[spmem:s3] =	stream.indirect.scatter.add.f32 [tilespmem:s6], [sflag:$0x2], $0x80, s11, s0, $0xb8;
	[tilespmem:$0x1C378] =	vst v63  }
0x179: {  	_ =	swait.ge [sflag:s29], $0x4000  }
0x17a: {  	[sflag:s29] =	ssyncset.done $0x0  }
0x17b: {  	[sflag:s29] =	ssyncadd.s32 $0xFFFFC000  }
0x17c: {  	[spmem:s4] =	stream.indirect.scatter.add.f32 [tilespmem:s10], [sflag:$0x2], $0x1, s11, s0, $0xb8;
	[tilespmem:$0x1C378] =	vst v63  }
0x17d: {  	_ =	swait.ge [sflag:s29], $0x80  }
0x17e: {  	[sflag:s29] =	ssyncset.done $0x0  }
0x17f: {  	[sflag:s29] =	ssyncadd.s32 $0xFFFFFF80  }
0x180: {  	[tilespmem:s6], [sflag:$0x1] =	stream.indirect.gather [hbm4b:s1+s0], $0x80, s2, s0, $0xb8;
	[tilespmem:$0x1C378] =	vst v63  }
0x181: {  	s16 =	sadd.s32 $0xC00, s15  }
0x182: {  	[tilespmem:s7], [sflag:$0x2] =	stream.linear.gather [hbm4b:s16+s5], $0x80, $0x38;
	[tilespmem:$0x1C378] =	vst v63  }
0x183: {  	_ =	swait.ge [sflag:s29], $0x80  }
0x184: {  	[sflag:s29] =	ssyncset.done $0x0  }
0x185: {  	s16 =	sadd.s32 $0xC00, s26;
	[sflag:s29] =	ssyncadd.s32 $0xFFFFFF80  }
0x186: {  	[tilespmem:s8], [sflag:$0x2] =	stream.linear.gather [hbm4b:s16+s5], $0x80, $0x38;
	[tilespmem:$0x1C378] =	vst v63  }
0x187: {  	_ =	swait.ge [sflag:s29], $0x80  }
0x188: {  	[sflag:s29] =	ssyncset.done $0x0  }
0x189: {  	[sflag:s29] =	ssyncadd.s32 $0xFFFFFF80  }
0x18a: {  	_ =	swait.ge [sflag:s9], $0x4000  }
0x18b: {  	[sflag:s9] =	ssyncset.done $0x0  }
0x18c: {  	[sflag:s9] =	ssyncadd.s32 $0xFFFFC000  }
0x18d: {  	[spmem:s3] =	stream.indirect.scatter.add.f32 [tilespmem:s28], [sflag:$0x2], $0x80, s5, s0, $0xb8;
	[tilespmem:$0x1C378] =	vst v63  }
0x18e: {  	_ =	swait.ge [sflag:s29], $0x4000  }
0x18f: {  	[sflag:s29] =	ssyncset.done $0x0  }
0x190: {  	[sflag:s29] =	ssyncadd.s32 $0xFFFFC000  }
0x191: {  	[spmem:s4] =	stream.indirect.scatter.add.f32 [tilespmem:s10], [sflag:$0x2], $0x1, s5, s0, $0xb8;
	[tilespmem:$0x1C378] =	vst v63  }
0x192: {  	_ =	swait.ge [sflag:s29], $0x80  }
0x193: {  	[sflag:s29] =	ssyncset.done $0x0  }
0x194: {  	[sflag:s29] =	ssyncadd.s32 $0xFFFFFF80  }
0x195: {  	[tilespmem:s28], [sflag:$0x1] =	stream.indirect.gather [hbm4b:s1+s0], $0x80, s8, s0, $0xb8;
	[tilespmem:$0x1C378] =	vst v63  }
0x196: {  	s15 =	sadd.s32 $0xE00, s15  }
0x197: {  	[tilespmem:s11], [sflag:$0x2] =	stream.linear.gather [hbm4b:s15+s5], $0x80, $0x38;
	[tilespmem:$0x1C378] =	vst v63  }
0x198: {  	_ =	swait.ge [sflag:s29], $0x80  }
0x199: {  	[sflag:s29] =	ssyncset.done $0x0  }
0x19a: {  	s26 =	sadd.s32 $0xE00, s26;
	[sflag:s29] =	ssyncadd.s32 $0xFFFFFF80  }
0x19b: {  	[tilespmem:s12], [sflag:$0x2] =	stream.linear.gather [hbm4b:s26+s5], $0x80, $0x38;
	[tilespmem:$0x1C378] =	vst v63  }
0x19c: {  	_ =	swait.ge [sflag:s29], $0x80  }
0x19d: {  	[sflag:s29] =	ssyncset.done $0x0  }
0x19e: {  	[sflag:s29] =	ssyncadd.s32 $0xFFFFFF80  }
0x19f: {  	_ =	swait.ge [sflag:s9], $0x4000  }
0x1a0: {  	[sflag:s9] =	ssyncset.done $0x0  }
0x1a1: {  	[sflag:s9] =	ssyncadd.s32 $0xFFFFC000  }
0x1a2: {  	[spmem:s3] =	stream.indirect.scatter.add.f32 [tilespmem:s6], [sflag:$0x2], $0x80, s0, s0, $0xb8;
	[tilespmem:$0x1C378] =	vst v63  }
0x1a3: {  	_ =	swait.ge [sflag:s29], $0x4000  }
0x1a4: {  	[sflag:s29] =	ssyncset.done $0x0  }
0x1a5: {  	[sflag:s29] =	ssyncadd.s32 $0xFFFFC000  }
0x1a6: {  	[spmem:s4] =	stream.indirect.scatter.add.f32 [tilespmem:s10], [sflag:$0x2], $0x1, s0, s0, $0xb8;
	[tilespmem:$0x1C378] =	vst v63  }
0x1a7: {  	_ =	swait.ge [sflag:s29], $0x80  }
0x1a8: {  	[sflag:s29] =	ssyncset.done $0x0  }
0x1a9: {  	[sflag:s29] =	ssyncadd.s32 $0xFFFFFF80  }
0x1aa: {  	[tilespmem:s6], [sflag:$0x1] =	stream.indirect.gather [hbm4b:s1+s0], $0x80, s12, s0, $0xb8;
	[tilespmem:$0x1C378] =	vst v63  }
0x1ab: {  	_ =	swait.ge [sflag:s9], $0x4000  }
0x1ac: {  	[sflag:s9] =	ssyncset.done $0x0  }
0x1ad: {  	[sflag:s9] =	ssyncadd.s32 $0xFFFFC000  }
0x1ae: {  	[spmem:s3] =	stream.indirect.scatter.add.f32 [tilespmem:s28], [sflag:$0x2], $0x80, s7, s0, $0xb8;
	[tilespmem:$0x1C378] =	vst v63  }
0x1af: {  	_ =	swait.ge [sflag:s29], $0x4000  }
0x1b0: {  	[sflag:s29] =	ssyncset.done $0x0  }
0x1b1: {  	[sflag:s29] =	ssyncadd.s32 $0xFFFFC000  }
0x1b2: {  	[spmem:s4] =	stream.indirect.scatter.add.f32 [tilespmem:s10], [sflag:$0x2], $0x1, s7, s0, $0xb8;
	[tilespmem:$0x1C378] =	vst v63  }
0x1b3: {  	_ =	swait.ge [sflag:s29], $0x80  }
0x1b4: {  	[sflag:s29] =	ssyncset.done $0x0  }
0x1b5: {  	[sflag:s29] =	ssyncadd.s32 $0xFFFFFF80  }
0x1b6: {  	_ =	swait.ge [sflag:s9], $0x4000  }
0x1b7: {  	[sflag:s9] =	ssyncset.done $0x0  }
0x1b8: {  	p0 =	sne.s32 s14, $0x9000;
	[sflag:s9] =	ssyncadd.s32 $0xFFFFC000  }
0x1b9: {  	[spmem:s3] =	stream.indirect.scatter.add.f32 [tilespmem:s6], [sflag:$0x2], $0x80, s11, s0, $0xb8;
	[tilespmem:$0x1C378] =	vst v63  }
.Ltmp1:
0x1ba: {  	_ =	swait.ge [sflag:s29], $0x4000;
	(pc) =	sbr.rel @p0 .LBB2_4-.Ltmp1, $4  }
0x1bb: {  	[sflag:s29] =	ssyncset.done $0x0  }
0x1bc: {  	[sflag:s29] =	ssyncadd.s32 $0xFFFFC000  }
0x1bd: {  	[spmem:s4] =	stream.indirect.scatter.add.f32 [tilespmem:s10], [sflag:$0x2], $0x1, s11, s0, $0xb8;
	[tilespmem:$0x1C378] =	vst v63  }
0x1be: {  	s14 =	sadd.s32 $0x1000, s14;
	_ =	swait.ge [sflag:s29], $0x80  }
0x1bf: {  	[sflag:s29] =	ssyncset.done $0x0  }
0x1c0: {  	[sflag:s29] =	ssyncadd.s32 $0xFFFFFF80  }
0x1c1: {  	[bflag:$0x0] =	sbarrier.arrive $0xFFFF  }
0x1c2: {  	[tilespmem:s28], [sflag:$0x2] =	stream.linear.gather [spmem:s17], $0x4000, $0x38;
	[tilespmem:$0x1C378] =	vst v63  }
0x1c3: {  	_ =	swait.ge [sflag:s29], $0x4000  }
0x1c4: {  	[sflag:s29] =	ssyncset.done $0x0  }
0x1c5: {  	s14 =	rddreg [dreg:$0x8];
	[sflag:s29] =	ssyncadd.s32 $0xFFFFC000  }
0x1c6: {  	[hbm4b:s14+s5] =	stream.linear.scatter [tilespmem:s28], [sflag:$0x2], $0x4000, $0x38;
	[tilespmem:$0x1C378] =	vst v63  }
0x1c7: {  	_ =	swait.ge [sflag:s29], $0x4000  }
0x1c8: {  	[sflag:s29] =	ssyncset.done $0x0  }
0x1c9: {  	[sflag:s29] =	ssyncadd.s32 $0xFFFFC000  }
0x1ca: {  	[tilespmem:s30], [sflag:$0x2] =	stream.linear.gather [spmem:s18], $0x80, $0x38;
	[tilespmem:$0x1C378] =	vst v63  }
0x1cb: {  	_ =	swait.ge [sflag:s29], $0x80  }
0x1cc: {  	[sflag:s29] =	ssyncset.done $0x0  }
0x1cd: {  	s16 =	smov.u32 s17;
	s17 =	rddreg [dreg:$0xd];
	[sflag:s29] =	ssyncadd.s32 $0xFFFFFF80  }
0x1ce: {  	[hbm4b:s17+s5] =	stream.linear.scatter [tilespmem:s30], [sflag:$0x2], $0x80, $0x38;
	[tilespmem:$0x1C378] =	vst v63  }
0x1cf: {  	_ =	swait.ge [sflag:s29], $0x80  }
0x1d0: {  	[sflag:s29] =	ssyncset.done $0x0  }
0x1d1: {  	s26 =	smov.u32 s18;
	s18 =	rddreg [dreg:$0x12];
	[sflag:s29] =	ssyncadd.s32 $0xFFFFFF80  }
0x1d2: {  	[tilespmem:s28], [sflag:$0x2] =	stream.linear.gather [spmem:s18], $0x4000, $0x38;
	[tilespmem:$0x1C378] =	vst v63  }
0x1d3: {  	_ =	swait.ge [sflag:s29], $0x4000  }
0x1d4: {  	[sflag:s29] =	ssyncset.done $0x0  }
0x1d5: {  	s15 =	rddreg [dreg:$0x9];
	[sflag:s29] =	ssyncadd.s32 $0xFFFFC000  }
0x1d6: {  	[hbm4b:s15+s5] =	stream.linear.scatter [tilespmem:s28], [sflag:$0x2], $0x4000, $0x38;
	[tilespmem:$0x1C378] =	vst v63  }
0x1d7: {  	_ =	swait.ge [sflag:s29], $0x4000  }
0x1d8: {  	[sflag:s29] =	ssyncset.done $0x0  }
0x1d9: {  	[sflag:s29] =	ssyncadd.s32 $0xFFFFC000  }
0x1da: {  	[tilespmem:s30], [sflag:$0x2] =	stream.linear.gather [spmem:s19], $0x80, $0x38;
	[tilespmem:$0x1C378] =	vst v63  }
0x1db: {  	_ =	swait.ge [sflag:s29], $0x80  }
0x1dc: {  	[sflag:s29] =	ssyncset.done $0x0  }
0x1dd: {  	s17 =	rddreg [dreg:$0xe];
	[sflag:s29] =	ssyncadd.s32 $0xFFFFFF80  }
0x1de: {  	[hbm4b:s17+s5] =	stream.linear.scatter [tilespmem:s30], [sflag:$0x2], $0x80, $0x38;
	[tilespmem:$0x1C378] =	vst v63  }
0x1df: {  	_ =	swait.ge [sflag:s29], $0x80  }
0x1e0: {  	[sflag:s29] =	ssyncset.done $0x0  }
0x1e1: {  	[sflag:s29] =	ssyncadd.s32 $0xFFFFFF80  }
0x1e2: {  	[tilespmem:s28], [sflag:$0x2] =	stream.linear.gather [spmem:s20], $0x4000, $0x38;
	[tilespmem:$0x1C378] =	vst v63  }
0x1e3: {  	_ =	swait.ge [sflag:s29], $0x4000  }
0x1e4: {  	[sflag:s29] =	ssyncset.done $0x0  }
0x1e5: {  	s18 =	rddreg [dreg:$0xa];
	[sflag:s29] =	ssyncadd.s32 $0xFFFFC000  }
0x1e6: {  	[hbm4b:s18+s5] =	stream.linear.scatter [tilespmem:s28], [sflag:$0x2], $0x4000, $0x38;
	[tilespmem:$0x1C378] =	vst v63  }
0x1e7: {  	_ =	swait.ge [sflag:s29], $0x4000  }
0x1e8: {  	[sflag:s29] =	ssyncset.done $0x0  }
0x1e9: {  	[sflag:s29] =	ssyncadd.s32 $0xFFFFC000  }
0x1ea: {  	[tilespmem:s30], [sflag:$0x2] =	stream.linear.gather [spmem:s21], $0x80, $0x38;
	[tilespmem:$0x1C378] =	vst v63  }
0x1eb: {  	_ =	swait.ge [sflag:s29], $0x80  }
0x1ec: {  	[sflag:s29] =	ssyncset.done $0x0  }
0x1ed: {  	s15 =	rddreg [dreg:$0xf];
	[sflag:s29] =	ssyncadd.s32 $0xFFFFFF80  }
0x1ee: {  	[hbm4b:s15+s5] =	stream.linear.scatter [tilespmem:s30], [sflag:$0x2], $0x80, $0x38;
	[tilespmem:$0x1C378] =	vst v63  }
0x1ef: {  	_ =	swait.ge [sflag:s29], $0x80  }
0x1f0: {  	[sflag:s29] =	ssyncset.done $0x0  }
0x1f1: {  	[sflag:s29] =	ssyncadd.s32 $0xFFFFFF80  }
0x1f2: {  	[tilespmem:s28], [sflag:$0x2] =	stream.linear.gather [spmem:s22], $0x4000, $0x38;
	[tilespmem:$0x1C378] =	vst v63  }
0x1f3: {  	_ =	swait.ge [sflag:s29], $0x4000  }
0x1f4: {  	[sflag:s29] =	ssyncset.done $0x0  }
0x1f5: {  	s17 =	rddreg [dreg:$0xb];
	[sflag:s29] =	ssyncadd.s32 $0xFFFFC000  }
0x1f6: {  	[hbm4b:s17+s5] =	stream.linear.scatter [tilespmem:s28], [sflag:$0x2], $0x4000, $0x38;
	[tilespmem:$0x1C378] =	vst v63  }
0x1f7: {  	_ =	swait.ge [sflag:s29], $0x4000  }
0x1f8: {  	[sflag:s29] =	ssyncset.done $0x0  }
0x1f9: {  	[sflag:s29] =	ssyncadd.s32 $0xFFFFC000  }
0x1fa: {  	[tilespmem:s30], [sflag:$0x2] =	stream.linear.gather [spmem:s23], $0x80, $0x38;
	[tilespmem:$0x1C378] =	vst v63  }
0x1fb: {  	_ =	swait.ge [sflag:s29], $0x80  }
0x1fc: {  	[sflag:s29] =	ssyncset.done $0x0  }
0x1fd: {  	s18 =	rddreg [dreg:$0x10];
	[sflag:s29] =	ssyncadd.s32 $0xFFFFFF80  }
0x1fe: {  	[hbm4b:s18+s5] =	stream.linear.scatter [tilespmem:s30], [sflag:$0x2], $0x80, $0x38;
	[tilespmem:$0x1C378] =	vst v63  }
0x1ff: {  	_ =	swait.ge [sflag:s29], $0x80  }
0x200: {  	[sflag:s29] =	ssyncset.done $0x0  }
0x201: {  	[sflag:s29] =	ssyncadd.s32 $0xFFFFFF80  }
0x202: {  	[tilespmem:s28], [sflag:$0x2] =	stream.linear.gather [spmem:s24], $0x3C00, $0x38;
	[tilespmem:$0x1C378] =	vst v63  }
0x203: {  	_ =	swait.ge [sflag:s29], $0x3C00  }
0x204: {  	[sflag:s29] =	ssyncset.done $0x0  }
0x205: {  	s15 =	rddreg [dreg:$0xc];
	[sflag:s29] =	ssyncadd.s32 $0xFFFFC400  }
0x206: {  	[hbm4b:s15+s5] =	stream.linear.scatter [tilespmem:s28], [sflag:$0x2], $0x3C00, $0x38;
	[tilespmem:$0x1C378] =	vst v63  }
0x207: {  	_ =	swait.ge [sflag:s29], $0x3C00  }
0x208: {  	[sflag:s29] =	ssyncset.done $0x0  }
0x209: {  	[sflag:s29] =	ssyncadd.s32 $0xFFFFC400  }
0x20a: {  	[tilespmem:s30], [sflag:$0x2] =	stream.linear.gather [spmem:s25], $0x78, $0x38;
	[tilespmem:$0x1C378] =	vst v63  }
0x20b: {  	_ =	swait.ge [sflag:s29], $0x78  }
0x20c: {  	[sflag:s29] =	ssyncset.done $0x0  }
0x20d: {  	s17 =	rddreg [dreg:$0x11];
	[sflag:s29] =	ssyncadd.s32 $0xFFFFFF88  }
0x20e: {  	[hbm4b:s17+s5] =	stream.linear.scatter [tilespmem:s30], [sflag:$0x2], $0x78, $0x38;
	[tilespmem:$0x1C378] =	vst v63  }
0x20f: {  	_ =	swait.ge [sflag:s29], $0x78  }
0x210: {  	s13 =	sadd.s32 $0x1, s13;
	s18 =	rddreg [dreg:$0x13]  }
0x211: {  	p0 =	sne.s32 s13, s18  }
.Ltmp2:
0x212: {  	_ = 	snop;
	(pc) =	sbr.rel @p0 .LBB2_1-.Ltmp2, $3  }
0x213: {  	_ =	sdelay $0x1  }
0x214: {  	[sflag:s29] =	ssyncset.done $0x0  }
0x215: {  	[sflag:s29] =	ssyncadd.s32 $0xFFFFFF88  }
0x216: {  	_ =	sfence.sel $0x180000  }
0x217: {  	[bflag:$0x0] =	sbarrier.arrive $0xFFFF  }
0x218: {  	_ =	strace $0x90000047  }
0x219: {  	s0 =	stileid.u32;
	[bflag:$0x2] =	sbarrier.arrive $0xFFFF  }
0x21a: {  	p0 =	sne.s32 s0, $0x0;
	s0 =	rddreg [dreg:$0x5]  }
0x21b: {  	s0 =	sadd.s32 @!p0 $0x100000, s0  }
0x21c: {  	[sflag:s0] =	ssyncadd.tile.s32 @!p0 $0x1;
	_ =	shalt  }
.Lfunc_end2:
_tile_overlayer_lowered:
.L_overlay_start_2:
0x21d: {  	(tag) =	ssettag $0x2  }
0x21e: {  	s0 =	rddreg [dreg:$0x0];
	s2 =	stileid.u32  }
0x21f: {  	s1 =	rddreg [dreg:$0x1];
	p0 =	sne.s32 s2, $0x0  }
0x220: {  	s3 =	rddreg [dreg:$0x2];
	[bflag:$0x3] =	sbarrier.arrive $0xFFFF;
	s2 =	simm.s32 @!p0 $0x1C02  }
0x221: {  	[timem:s3], [sflag:s2] =	dma.local @!p0 [hbm:s0], s1  }
0x222: {  	s0 =	simm.s32 @!p0 $0x2  }
0x223: {  	_ =	swait.ge @!p0 [sflag:s0], s1  }
0x224: {  	s1 =	ssub.s32 @!p0 $0x0, s1;
	[sflag:s0] =	ssyncset.done @!p0 $0x0  }
0x225: {  	[sflag:s0] =	ssyncadd.s32 @!p0 s1  }
0x226: {  	[bflag:$0x3] =	sbarrier.arrive $0xFFFF  }
0x227: {  	_ =	shalt  }

</sc_bundles>
